<compile_context>
chip_gen: v7x
topology: tpu7x:2x2x1
jax: 0.10.2.dev20260603
libtpu: 0.0.44.dev20260713+nightly
codegen_flags: <defaults>
</compile_context>

<pallas_src>
import functools

import jax
import jax.numpy as jnp
from jax import lax
from jax.experimental import pallas as pl
from jax.experimental.pallas import tpu as pltpu
from jax.experimental.pallas import tpu_sc as plsc

G = 128
H = 4
NEG = -1e30
EPS = 1e-7
TILE = 10000

NW = 32
K = 128
SP = 144


def _stats_body(x_ref, seg_ref, ws1_ref, ws2_ref, wt1_ref, wt2_ref,
                pg_ref, cnt_ref, m_ref, s_ref, n_ref):
    T, D = x_ref.shape
    HS = D // H
    i = pl.program_id(0)
    nt = pl.num_programs(0)

    @pl.when(i == 0)
    def _():
        m_ref[...] = jnp.full((G, 1), NEG, jnp.float32)
        s_ref[...] = jnp.zeros((G, H), jnp.float32)
        n_ref[...] = jnp.zeros((G, D), jnp.float32)
        cnt_ref[...] = jnp.zeros((G, 1), jnp.float32)

    x = x_ref[...]
    seg_row = seg_ref[0]
    mask = lax.broadcasted_iota(jnp.int32, (G, T), 0) == seg_row
    mask_f = mask.astype(jnp.float32)

    dn = (((1,), (0,)), ((), ()))
    h1 = jnp.maximum(
        lax.dot_general(x, ws1_ref[...], dn, preferred_element_type=jnp.float32), 0.0)
    sc = lax.dot_general(h1, ws2_ref[...], dn, preferred_element_type=jnp.float32)
    sc_t = lax.dot_general(ws2_ref[...], h1, (((0,), (1,)), ((), ())),
                           preferred_element_type=jnp.float32)
    v1 = jnp.maximum(
        lax.dot_general(x, wt1_ref[...], dn, preferred_element_type=jnp.float32), 0.0)
    vals = lax.dot_general(v1, wt2_ref[...], dn, preferred_element_type=jnp.float32)

    rowmax = jnp.max(sc_t, axis=0, keepdims=True)
    tm = jnp.max(jnp.where(mask, rowmax, NEG), axis=1, keepdims=True)
    m_old = m_ref[...]
    m_new = jnp.maximum(m_old, tm)
    m_ref[...] = m_new
    scale = jnp.exp(m_old - m_new)
    neg_m = jnp.where(m_new < NEG / 2, 0.0, jnp.exp(-m_new))

    esc = jnp.exp(sc)
    esc1 = jnp.concatenate([esc, jnp.ones((T, 1), jnp.float32)], axis=1)
    res = lax.dot_general(mask_f, esc1, (((1,), (0,)), ((), ())),
                          preferred_element_type=jnp.float32)
    s_ref[...] = s_ref[...] * scale + neg_m * res[:, :H]
    cnt_ref[...] = cnt_ref[...] + res[:, H:H + 1]

    rep = (lax.broadcasted_iota(jnp.int32, (H, D), 1) // HS
           == lax.broadcasted_iota(jnp.int32, (H, D), 0)).astype(jnp.float32)
    esc_exp = lax.dot_general(esc, rep, dn, preferred_element_type=jnp.float32)
    weighted = vals * esc_exp
    n_ref[...] = n_ref[...] * scale + neg_m * lax.dot_general(
        mask_f, weighted, (((1,), (0,)), ((), ())),
        preferred_element_type=jnp.float32)

    @pl.when(i == nt - 1)
    def _():
        s = s_ref[...]
        s_exp = jnp.concatenate(
            [jnp.broadcast_to(s[:, h:h + 1], (G, HS)) for h in range(H)], axis=1)
        pg_ref[...] = n_ref[...] / (s_exp + EPS)


def _per_graph_table(x, seg3d, ws1, ws2, wt1, wt2):
    V, D = x.shape
    nt = V // TILE
    return pl.pallas_call(
        _stats_body,
        grid=(nt,),
        in_specs=[
            pl.BlockSpec((TILE, D), lambda i: (i, 0)),
            pl.BlockSpec((1, 1, TILE), lambda i: (i, 0, 0)),
            pl.BlockSpec((D, D), lambda i: (0, 0)),
            pl.BlockSpec((D, H), lambda i: (0, 0)),
            pl.BlockSpec((D, D), lambda i: (0, 0)),
            pl.BlockSpec((D, D), lambda i: (0, 0)),
        ],
        out_specs=[
            pl.BlockSpec((G, D), lambda i: (0, 0)),
            pl.BlockSpec((G, 1), lambda i: (0, 0)),
        ],
        out_shape=[
            jax.ShapeDtypeStruct((G, D), jnp.float32),
            jax.ShapeDtypeStruct((G, 1), jnp.float32),
        ],
        scratch_shapes=[
            pltpu.VMEM((G, 1), jnp.float32),
            pltpu.VMEM((G, H), jnp.float32),
            pltpu.VMEM((G, D), jnp.float32),
        ],
    )(x, seg3d, ws1, ws2, wt1, wt2)


def _scatter_spans(table_flat, seg, starts_p, v, d):
    rpw = v // NW
    info = plsc.get_sparse_core_info()
    nc = info.num_cores
    mesh = plsc.VectorSubcoreMesh(core_axis_name="c", subcore_axis_name="s")

    @functools.partial(
        pl.kernel, mesh=mesh,
        out_type=jax.ShapeDtypeStruct((v * d,), jnp.float32),
        compiler_params=pltpu.CompilerParams(needs_layout_passes=False),
        scratch_types=[
            pltpu.VMEM((SP,), jnp.int32),
            pltpu.VMEM((16,), jnp.int32),
            pltpu.VMEM((16,), jnp.int32),
            pltpu.VMEM((d,), jnp.float32),
            pltpu.VMEM((K * d,), jnp.float32),
            pltpu.SemaphoreType.DMA,
        ],
    )
    def k(tbl_hbm, seg_hbm, st_hbm, out_hbm, st_v, sv_lo, sv_hi, trow, rbuf, wsem):
        wid = lax.axis_index("s") * nc + lax.axis_index("c")
        iota16 = lax.broadcasted_iota(jnp.int32, (16,), 0)
        lo = wid * rpw
        hi = lo + rpw
        pltpu.sync_copy(st_hbm, st_v)
        a_lo = (lo // 16) * 16
        a_hi = ((hi - 1) // 16) * 16
        pltpu.sync_copy(seg_hbm.at[pl.ds(a_lo, 16)], sv_lo)
        pltpu.sync_copy(seg_hbm.at[pl.ds(a_hi, 16)], sv_hi)

        def vext(vec, lane):
            picked = jnp.where(iota16 == lane, vec.astype(jnp.float32), 0.0)
            return jnp.sum(picked).astype(jnp.int32)

        g_lo = vext(sv_lo[...], lo - a_lo)
        g_hi = vext(sv_hi[...], hi - 1 - a_hi)

        svecs = [st_v[pl.ds(b * 16, 16)] for b in range(SP // 16)]

        def sread(idx):
            acc = jnp.float32(0)
            for b in range(SP // 16):
                acc = acc + jnp.sum(jnp.where(
                    iota16 + 16 * b == idx, svecs[b].astype(jnp.float32), 0.0))
            return acc.astype(jnp.int32)

        def drain(n):
            def dbody(_, c):
                pltpu.make_async_copy(
                    out_hbm.at[pl.ds(0, K * d)], rbuf, wsem).wait()
                return c
            lax.fori_loop(0, n, dbody, jnp.int32(0))

        def graph_body(g, prev_nfull):
            s_g = sread(g)
            e_g = sread(g + 1)
            s = jnp.maximum(s_g, lo)
            e = jnp.minimum(e_g, hi)
            span = e - s
            drain(prev_nfull)
            nfull = jnp.where(span > 0, span // K, 0).astype(jnp.int32)

            @pl.when(span > 0)
            def _():
                pltpu.sync_copy(tbl_hbm.at[pl.ds(g * d, d)], trow)
                regs = [trow[pl.ds(16 * r, 16)] for r in range(d // 16)]
                reps = jnp.minimum(span, K)

                def rep_body(kk, c):
                    for r in range(d // 16):
                        rbuf[pl.ds(kk * d + 16 * r, 16)] = regs[r]
                    return c
                lax.fori_loop(0, reps, rep_body, jnp.int32(0))

                def wr_body(i, c):
                    pltpu.async_copy(
                        rbuf.at[pl.ds(0, K * d)],
                        out_hbm.at[pl.ds((s + i * K) * d, K * d)], wsem)
                    return c
                lax.fori_loop(0, nfull, wr_body, jnp.int32(0))

                rem = span - nfull * K

                @pl.when((span >= K) & (rem > 0))
                def _():
                    pltpu.sync_copy(rbuf.at[pl.ds(0, K * d)],
                                    out_hbm.at[pl.ds((e - K) * d, K * d)])

                for sz in (64, 32, 16, 8, 4, 2, 1):
                    @pl.when((span >= sz) & (span < 2 * sz))
                    def _(sz=sz):
                        pltpu.sync_copy(rbuf.at[pl.ds(0, sz * d)],
                                        out_hbm.at[pl.ds(s * d, sz * d)])
                        pltpu.sync_copy(rbuf.at[pl.ds(0, sz * d)],
                                        out_hbm.at[pl.ds((e - sz) * d, sz * d)])

            return nfull

        last_nfull = lax.fori_loop(g_lo, g_hi + 1, graph_body, jnp.int32(0))
        drain(last_nfull)

    return k(table_flat, seg, starts_p)


def kernel(node_embeddings, node_to_graph_map, num_graphs, W_s1, W_s2, W_t1, W_t2):
    x = node_embeddings
    V, D = x.shape
    seg = node_to_graph_map.astype(jnp.int32)
    nt = V // TILE

    pg, cnt = _per_graph_table(x, seg.reshape(nt, 1, TILE), W_s1, W_s2, W_t1, W_t2)

    starts = jnp.cumsum(cnt[:, 0].astype(jnp.int32))
    starts_p = jnp.concatenate(
        [jnp.zeros((1,), jnp.int32), starts,
         jnp.full((SP - G - 1,), V, jnp.int32)])
    out_flat = _scatter_spans(pg.reshape(G * D), seg, starts_p, V, D)
    return out_flat.reshape(V, D)

# --- scband reference (transcript-rebuilt; emitter-appended) ---
"""Pipeline reference for scband-graph-global-exchange-33423435497490 (READ-ONLY COPY).

The authoritative reference and input builder live on the scoring server;
editing this copy changes nothing except your own understanding.
"""

import jax, jax.numpy as jnp
import numpy as np

V = 100000
D = 128
H = 4
G = 128
TRANS_HIDDEN = 128
SMALL_NUMBER = 1e-7


def setup_inputs(seed: int = 0) -> dict:
    key = jax.random.key(seed)
    k1, k2, k3, k4, k5, k6 = jax.random.split(key, 6)
    node_embeddings = jax.random.normal(k1, (V, D), dtype=jnp.float32)
    node_to_graph_map = jnp.sort(jax.random.randint(k2, (V,), 0, G)).astype(jnp.int64)
    # MLP params (tf2-gnn MLP default: no biases, ReLU hidden, linear output)
    # scoring MLP: [D] -> hidden_dim -> num_heads
    W_s1 = jax.random.normal(k3, (D, D), dtype=jnp.float32) * (1.0 / np.sqrt(D))
    W_s2 = jax.random.normal(k4, (D, H), dtype=jnp.float32) * (1.0 / np.sqrt(D))
    # transformation MLP: [D] -> 128 -> graph_representation_size (= hidden_dim)
    W_t1 = jax.random.normal(k5, (D, TRANS_HIDDEN), dtype=jnp.float32) * (1.0 / np.sqrt(D))
    W_t2 = jax.random.normal(k6, (TRANS_HIDDEN, D), dtype=jnp.float32) * (1.0 / np.sqrt(TRANS_HIDDEN))
    return {
        "node_embeddings": node_embeddings,
        "node_to_graph_map": node_to_graph_map,
        "num_graphs": G,
        "W_s1": W_s1,
        "W_s2": W_s2,
        "W_t1": W_t1,
        "W_t2": W_t2,
    }


def reference(node_embeddings, node_to_graph_map, num_graphs, W_s1, W_s2, W_t1, W_t2):
    num_graphs = jnp.asarray(num_graphs)
    seg = node_to_graph_map + (num_graphs - num_graphs).astype(node_to_graph_map.dtype)
    num_segments = G
    # scoring MLP -> per-node, per-head scores [V, H]
    scores = jnp.maximum(node_embeddings @ W_s1, 0.0) @ W_s2
    # unsorted_segment_softmax over nodes within each graph
    seg_max = jax.ops.segment_max(scores, seg, num_segments=num_segments)
    scores_shifted = scores - seg_max[seg]
    exp_scores = jnp.exp(scores_shifted)
    seg_sum = jax.ops.segment_sum(exp_scores, seg, num_segments=num_segments)
    weights = exp_scores / (seg_sum[seg] + SMALL_NUMBER)  # [V, H]
    # transformation MLP -> per-node values [V, D], split into heads
    values = jnp.maximum(node_embeddings @ W_t1, 0.0) @ W_t2
    values = values.reshape(-1, H, D // H)  # [V, H, D//H]
    weighted_values = weights[:, :, None] * values  # [V, H, D//H]
    per_graph = jax.ops.segment_sum(weighted_values, seg, num_segments=num_segments)
    per_graph = per_graph.reshape(-1, D)  # [G, D]
    # gather graph representation back to each node (gather_dense_gradient)
    per_node_graph_representations = per_graph[seg]  # [V, D]
    return per_node_graph_representations

if __name__ == "__main__":
    import jax
    _d = setup_inputs()
    print(jax.jit(kernel)(*tuple(_d.values())))

</pallas_src>

<mosaic_0001>
#map = affine_map<(d0, d1) -> (0)>
module attributes {stable_mosaic.version = 14 : i64} {
  func.func @k(%arg0: i32, %arg1: i32, %arg2: memref<16384xf32, #tpu.memory_space<hbm>>, %arg3: memref<100000xi32, #tpu.memory_space<hbm>>, %arg4: memref<144xi32, #tpu.memory_space<hbm>>, %arg5: memref<12800000xf32, #tpu.memory_space<hbm>>, %arg6: memref<144xi32, #tpu.memory_space<vmem>>, %arg7: memref<16xi32, #tpu.memory_space<vmem>>, %arg8: memref<16xi32, #tpu.memory_space<vmem>>, %arg9: memref<128xf32, #tpu.memory_space<vmem>>, %arg10: memref<16384xf32, #tpu.memory_space<vmem>>, %arg11: memref<!tpu.dma_semaphore, #tpu.memory_space<semaphore_mem>>) attributes {dimension_semantics = [#tpu.dimension_semantics<core_parallel>, #tpu.dimension_semantics<subcore_parallel>], iteration_bounds = array<i64: 2, 16>, scalar_prefetch = 0 : i64, scratch_operands = 6 : i64, tpu.core_type = #tpu.core_type<sc_vector_subcore>, window_params = [{transform_indices = #map}, {transform_indices = #map}, {transform_indices = #map}, {transform_indices = #map}]} {
    %mul3A = arith.constant 2 : i32
    %mul3A_0 = arith.muli %arg1, %mul3A : i32
    %add3A = arith.addi %mul3A_0, %arg0 : i32
    %iota3A = tpu.iota {dimensions = array<i32: 0>} : vector<16xi32>
    %mul3A_1 = arith.constant 3125 : i32
    %mul3A_2 = arith.muli %add3A, %mul3A_1 : i32
    %add3A_3 = arith.constant 3125 : i32
    %add3A_4 = arith.addi %mul3A_2, %add3A_3 : i32
    "tpu.region"() ({
      %run_scoped3A = tpu.sem_alloc : memref<!tpu.dma_semaphore, #tpu.memory_space<semaphore_mem>>
      tpu.enqueue_dma source(%arg4 : memref<144xi32, #tpu.memory_space<hbm>>) target(%arg6 : memref<144xi32, #tpu.memory_space<vmem>>) target_semaphore(%run_scoped3A : memref<!tpu.dma_semaphore, #tpu.memory_space<semaphore_mem>>)
      tpu.wait_dma2 semaphore(%run_scoped3A : memref<!tpu.dma_semaphore, #tpu.memory_space<semaphore_mem>>) src(%arg4 : memref<144xi32, #tpu.memory_space<hbm>>) dst(%arg6 : memref<144xi32, #tpu.memory_space<vmem>>)
      tpu.yield
    }) : () -> ()
    %jit3A = arith.constant 16 : i32
    %div3A = arith.divsi %mul3A_2, %jit3A : i32
    %sign3A = arith.constant 0 : i32
    %sign3A_5 = arith.cmpi sgt, %mul3A_2, %sign3A : i32
    %sign3A_6 = arith.extui %sign3A_5 : i1 to i32
    %sign3A_7 = arith.constant 0 : i32
    %sign3A_8 = arith.cmpi slt, %mul3A_2, %sign3A_7 : i32
    %sign3A_9 = arith.extui %sign3A_8 : i1 to i32
    %sign3A_10 = arith.subi %sign3A_6, %sign3A_9 : i32
    %sign3A_11 = arith.constant 0 : i32
    %sign3A_12 = arith.cmpi sgt, %jit3A, %sign3A_11 : i32
    %sign3A_13 = arith.extui %sign3A_12 : i1 to i32
    %sign3A_14 = arith.constant 0 : i32
    %sign3A_15 = arith.cmpi slt, %jit3A, %sign3A_14 : i32
    %sign3A_16 = arith.extui %sign3A_15 : i1 to i32
    %sign3A_17 = arith.subi %sign3A_13, %sign3A_16 : i32
    %ne3A = arith.cmpi ne, %sign3A_10, %sign3A_17 : i32
    %rem3A = arith.remsi %mul3A_2, %jit3A : i32
    %ne3A_18 = arith.constant 0 : i32
    %ne3A_19 = arith.cmpi ne, %rem3A, %ne3A_18 : i32
    %and3A = arith.andi %ne3A, %ne3A_19 : i1
    %sub3A = arith.constant 1 : i32
    %sub3A_20 = arith.subi %div3A, %sub3A : i32
    %select_n3A = arith.select %and3A, %sub3A_20, %div3A : i32
    %mul3A_21 = arith.constant 16 : i32
    %mul3A_22 = arith.muli %select_n3A, %mul3A_21 : i32
    %sub3A_23 = arith.constant 1 : i32
    %sub3A_24 = arith.subi %add3A_4, %sub3A_23 : i32
    %jit3A_25 = arith.constant 16 : i32
    %div3A_26 = arith.divsi %sub3A_24, %jit3A_25 : i32
    %sign3A_27 = arith.constant 0 : i32
    %sign3A_28 = arith.cmpi sgt, %sub3A_24, %sign3A_27 : i32
    %sign3A_29 = arith.extui %sign3A_28 : i1 to i32
    %sign3A_30 = arith.constant 0 : i32
    %sign3A_31 = arith.cmpi slt, %sub3A_24, %sign3A_30 : i32
    %sign3A_32 = arith.extui %sign3A_31 : i1 to i32
    %sign3A_33 = arith.subi %sign3A_29, %sign3A_32 : i32
    %sign3A_34 = arith.constant 0 : i32
    %sign3A_35 = arith.cmpi sgt, %jit3A_25, %sign3A_34 : i32
    %sign3A_36 = arith.extui %sign3A_35 : i1 to i32
    %sign3A_37 = arith.constant 0 : i32
    %sign3A_38 = arith.cmpi slt, %jit3A_25, %sign3A_37 : i32
    %sign3A_39 = arith.extui %sign3A_38 : i1 to i32
    %sign3A_40 = arith.subi %sign3A_36, %sign3A_39 : i32
    %ne3A_41 = arith.cmpi ne, %sign3A_33, %sign3A_40 : i32
    %rem3A_42 = arith.remsi %sub3A_24, %jit3A_25 : i32
    %ne3A_43 = arith.constant 0 : i32
    %ne3A_44 = arith.cmpi ne, %rem3A_42, %ne3A_43 : i32
    %and3A_45 = arith.andi %ne3A_41, %ne3A_44 : i1
    %sub3A_46 = arith.constant 1 : i32
    %sub3A_47 = arith.subi %div3A_26, %sub3A_46 : i32
    %select_n3A_48 = arith.select %and3A_45, %sub3A_47, %div3A_26 : i32
    %mul3A_49 = arith.constant 16 : i32
    %mul3A_50 = arith.muli %select_n3A_48, %mul3A_49 : i32
    "tpu.region"() ({
      %run_scoped3A = tpu.sem_alloc : memref<!tpu.dma_semaphore, #tpu.memory_space<semaphore_mem>>
      %dma_start3A = tpu.memref_slice %arg3[%mul3A_22] : memref<100000xi32, #tpu.memory_space<hbm>> -> memref<16xi32, #tpu.memory_space<hbm>>
      %dma_start3A_116 = tpu.memref_slice %arg3[%mul3A_22] : memref<100000xi32, #tpu.memory_space<hbm>> -> memref<16xi32, #tpu.memory_space<hbm>>
      tpu.enqueue_dma source(%dma_start3A_116 : memref<16xi32, #tpu.memory_space<hbm>>) target(%arg7 : memref<16xi32, #tpu.memory_space<vmem>>) target_semaphore(%run_scoped3A : memref<!tpu.dma_semaphore, #tpu.memory_space<semaphore_mem>>)
      %dma_wait3A = tpu.memref_slice %arg3[%mul3A_22] : memref<100000xi32, #tpu.memory_space<hbm>> -> memref<16xi32, #tpu.memory_space<hbm>>
      %dma_wait3A_117 = tpu.memref_slice %arg3[%mul3A_22] : memref<100000xi32, #tpu.memory_space<hbm>> -> memref<16xi32, #tpu.memory_space<hbm>>
      tpu.wait_dma2 semaphore(%run_scoped3A : memref<!tpu.dma_semaphore, #tpu.memory_space<semaphore_mem>>) src(%dma_wait3A_117 : memref<16xi32, #tpu.memory_space<hbm>>) dst(%arg7 : memref<16xi32, #tpu.memory_space<vmem>>)
      tpu.yield
    }) : () -> ()
    "tpu.region"() ({
      %run_scoped3A = tpu.sem_alloc : memref<!tpu.dma_semaphore, #tpu.memory_space<semaphore_mem>>
      %dma_start3A = tpu.memref_slice %arg3[%mul3A_50] : memref<100000xi32, #tpu.memory_space<hbm>> -> memref<16xi32, #tpu.memory_space<hbm>>
      %dma_start3A_116 = tpu.memref_slice %arg3[%mul3A_50] : memref<100000xi32, #tpu.memory_space<hbm>> -> memref<16xi32, #tpu.memory_space<hbm>>
      tpu.enqueue_dma source(%dma_start3A_116 : memref<16xi32, #tpu.memory_space<hbm>>) target(%arg8 : memref<16xi32, #tpu.memory_space<vmem>>) target_semaphore(%run_scoped3A : memref<!tpu.dma_semaphore, #tpu.memory_space<semaphore_mem>>)
      %dma_wait3A = tpu.memref_slice %arg3[%mul3A_50] : memref<100000xi32, #tpu.memory_space<hbm>> -> memref<16xi32, #tpu.memory_space<hbm>>
      %dma_wait3A_117 = tpu.memref_slice %arg3[%mul3A_50] : memref<100000xi32, #tpu.memory_space<hbm>> -> memref<16xi32, #tpu.memory_space<hbm>>
      tpu.wait_dma2 semaphore(%run_scoped3A : memref<!tpu.dma_semaphore, #tpu.memory_space<semaphore_mem>>) src(%dma_wait3A_117 : memref<16xi32, #tpu.memory_space<hbm>>) dst(%arg8 : memref<16xi32, #tpu.memory_space<vmem>>)
      tpu.yield
    }) : () -> ()
    %get3A = arith.constant 0 : index
    %get3A_51 = tpu.vector_load %arg7[%get3A] {strides = array<i32>} : memref<16xi32, #tpu.memory_space<vmem>>, vector<16xi32>,
    %sub3A_52 = arith.subi %mul3A_2, %mul3A_22 : i32
    %eq3A = vector.broadcast %sub3A_52 : i32 to vector<16xi32>
    %eq3A_53 = arith.cmpi eq, %iota3A, %eq3A : vector<16xi32>
    %convert_element_type3A = arith.sitofp %get3A_51 : vector<16xi32> to vector<16xf32>
    %jit3A_54 = arith.constant 0.000000e+00 : f32
    %broadcast_in_dim3A = vector.broadcast %jit3A_54 : f32 to vector<16xf32>
    %select_n3A_55 = arith.select %eq3A_53, %convert_element_type3A, %broadcast_in_dim3A : vector<16xi1>, vector<16xf32>
    %reduce_sum3A = arith.constant true
    %reduce_sum3A_56 = vector.broadcast %reduce_sum3A : i1 to vector<16xi1>
    %reduce_sum3A_57 = tpu.scan <sum>, %select_n3A_55 masked %reduce_sum3A_56 : vector<16xf32>, vector<16xi1> -> vector<16xf32>
    %reduce_sum3A_58 = vector.extract %reduce_sum3A_57[15] : f32 from vector<16xf32>
    %convert_element_type3A_59 = arith.fptosi %reduce_sum3A_58 : f32 to i32
    %get3A_60 = arith.constant 0 : index
    %get3A_61 = tpu.vector_load %arg8[%get3A_60] {strides = array<i32>} : memref<16xi32, #tpu.memory_space<vmem>>, vector<16xi32>,
    %sub3A_62 = arith.constant 1 : i32
    %sub3A_63 = arith.subi %add3A_4, %sub3A_62 : i32
    %sub3A_64 = arith.subi %sub3A_63, %mul3A_50 : i32
    %eq3A_65 = vector.broadcast %sub3A_64 : i32 to vector<16xi32>
    %eq3A_66 = arith.cmpi eq, %iota3A, %eq3A_65 : vector<16xi32>
    %convert_element_type3A_67 = arith.sitofp %get3A_61 : vector<16xi32> to vector<16xf32>
    %jit3A_68 = arith.constant 0.000000e+00 : f32
    %broadcast_in_dim3A_69 = vector.broadcast %jit3A_68 : f32 to vector<16xf32>
    %select_n3A_70 = arith.select %eq3A_66, %convert_element_type3A_67, %broadcast_in_dim3A_69 : vector<16xi1>, vector<16xf32>
    %reduce_sum3A_71 = arith.constant true
    %reduce_sum3A_72 = vector.broadcast %reduce_sum3A_71 : i1 to vector<16xi1>
    %reduce_sum3A_73 = tpu.scan <sum>, %select_n3A_70 masked %reduce_sum3A_72 : vector<16xf32>, vector<16xi1> -> vector<16xf32>
    %reduce_sum3A_74 = vector.extract %reduce_sum3A_73[15] : f32 from vector<16xf32>
    %convert_element_type3A_75 = arith.fptosi %reduce_sum3A_74 : f32 to i32
    %get3A_76 = arith.constant 0 : index
    %get3A_77 = tpu.vector_load %arg6[%get3A_76] {strides = array<i32>} : memref<144xi32, #tpu.memory_space<vmem>>, vector<16xi32>,
    %get3A_78 = arith.constant 16 : index
    %get3A_79 = tpu.vector_load %arg6[%get3A_78] {strides = array<i32>} : memref<144xi32, #tpu.memory_space<vmem>>, vector<16xi32>,
    %get3A_80 = arith.constant 32 : index
    %get3A_81 = tpu.vector_load %arg6[%get3A_80] {strides = array<i32>} : memref<144xi32, #tpu.memory_space<vmem>>, vector<16xi32>,
    %get3A_82 = arith.constant 48 : index
    %get3A_83 = tpu.vector_load %arg6[%get3A_82] {strides = array<i32>} : memref<144xi32, #tpu.memory_space<vmem>>, vector<16xi32>,
    %get3A_84 = arith.constant 64 : index
    %get3A_85 = tpu.vector_load %arg6[%get3A_84] {strides = array<i32>} : memref<144xi32, #tpu.memory_space<vmem>>, vector<16xi32>,
    %get3A_86 = arith.constant 80 : index
    %get3A_87 = tpu.vector_load %arg6[%get3A_86] {strides = array<i32>} : memref<144xi32, #tpu.memory_space<vmem>>, vector<16xi32>,
    %get3A_88 = arith.constant 96 : index
    %get3A_89 = tpu.vector_load %arg6[%get3A_88] {strides = array<i32>} : memref<144xi32, #tpu.memory_space<vmem>>, vector<16xi32>,
    %get3A_90 = arith.constant 112 : index
    %get3A_91 = tpu.vector_load %arg6[%get3A_90] {strides = array<i32>} : memref<144xi32, #tpu.memory_space<vmem>>, vector<16xi32>,
    %get3A_92 = arith.constant 128 : index
    %get3A_93 = tpu.vector_load %arg6[%get3A_92] {strides = array<i32>} : memref<144xi32, #tpu.memory_space<vmem>>, vector<16xi32>,
    %add3A_94 = arith.constant 1 : i32
    %add3A_95 = arith.addi %convert_element_type3A_75, %add3A_94 : i32
    %while3A = arith.constant 0 : i32
    %while3A_96 = arith.subi %add3A_95, %convert_element_type3A_59 : i32
    %while3A_97 = arith.addi %convert_element_type3A_59, %while3A_96 : i32
    %while3A_98 = arith.constant 1 : i32
    %while3A_99 = arith.divsi %while3A_96, %while3A_98 : i32
    %while3A_100 = arith.muli %while3A_99, %while3A_98 : i32
    %while3A_101 = arith.addi %convert_element_type3A_59, %while3A_100 : i32
    %while3A_102 = arith.constant 1 : i32
    %while3A_103 = scf.for %while3A_116 = %convert_element_type3A_59 to %while3A_101 step %while3A_102 iter_args(%while3A_117 = %while3A) -> (i32)  : i32 {
      %add3A_118 = arith.constant 0 : i32
      %add3A_119 = vector.broadcast %add3A_118 : i32 to vector<16xi32>
      %add3A_120 = arith.addi %iota3A, %add3A_119 : vector<16xi32>
      %eq3A_121 = vector.broadcast %while3A_116 : i32 to vector<16xi32>
      %eq3A_122 = arith.cmpi eq, %add3A_120, %eq3A_121 : vector<16xi32>
      %convert_element_type3A_123 = arith.sitofp %get3A_77 : vector<16xi32> to vector<16xf32>
      %jit3A_124 = arith.constant 0.000000e+00 : f32
      %broadcast_in_dim3A_125 = vector.broadcast %jit3A_124 : f32 to vector<16xf32>
      %select_n3A_126 = arith.select %eq3A_122, %convert_element_type3A_123, %broadcast_in_dim3A_125 : vector<16xi1>, vector<16xf32>
      %reduce_sum3A_127 = arith.constant true
      %reduce_sum3A_128 = vector.broadcast %reduce_sum3A_127 : i1 to vector<16xi1>
      %reduce_sum3A_129 = tpu.scan <sum>, %select_n3A_126 masked %reduce_sum3A_128 : vector<16xf32>, vector<16xi1> -> vector<16xf32>
      %reduce_sum3A_130 = vector.extract %reduce_sum3A_129[15] : f32 from vector<16xf32>
      %add3A_131 = arith.constant 0.000000e+00 : f32
      %add3A_132 = arith.addf %add3A_131, %reduce_sum3A_130 : f32
      %add3A_133 = arith.constant 16 : i32
      %add3A_134 = vector.broadcast %add3A_133 : i32 to vector<16xi32>
      %add3A_135 = arith.addi %iota3A, %add3A_134 : vector<16xi32>
      %eq3A_136 = vector.broadcast %while3A_116 : i32 to vector<16xi32>
      %eq3A_137 = arith.cmpi eq, %add3A_135, %eq3A_136 : vector<16xi32>
      %convert_element_type3A_138 = arith.sitofp %get3A_79 : vector<16xi32> to vector<16xf32>
      %jit3A_139 = arith.constant 0.000000e+00 : f32
      %broadcast_in_dim3A_140 = vector.broadcast %jit3A_139 : f32 to vector<16xf32>
      %select_n3A_141 = arith.select %eq3A_137, %convert_element_type3A_138, %broadcast_in_dim3A_140 : vector<16xi1>, vector<16xf32>
      %reduce_sum3A_142 = arith.constant true
      %reduce_sum3A_143 = vector.broadcast %reduce_sum3A_142 : i1 to vector<16xi1>
      %reduce_sum3A_144 = tpu.scan <sum>, %select_n3A_141 masked %reduce_sum3A_143 : vector<16xf32>, vector<16xi1> -> vector<16xf32>
      %reduce_sum3A_145 = vector.extract %reduce_sum3A_144[15] : f32 from vector<16xf32>
      %add3A_146 = arith.addf %add3A_132, %reduce_sum3A_145 : f32
      %add3A_147 = arith.constant 32 : i32
      %add3A_148 = vector.broadcast %add3A_147 : i32 to vector<16xi32>
      %add3A_149 = arith.addi %iota3A, %add3A_148 : vector<16xi32>
      %eq3A_150 = vector.broadcast %while3A_116 : i32 to vector<16xi32>
      %eq3A_151 = arith.cmpi eq, %add3A_149, %eq3A_150 : vector<16xi32>
      %convert_element_type3A_152 = arith.sitofp %get3A_81 : vector<16xi32> to vector<16xf32>
      %jit3A_153 = arith.constant 0.000000e+00 : f32
      %broadcast_in_dim3A_154 = vector.broadcast %jit3A_153 : f32 to vector<16xf32>
      %select_n3A_155 = arith.select %eq3A_151, %convert_element_type3A_152, %broadcast_in_dim3A_154 : vector<16xi1>, vector<16xf32>
      %reduce_sum3A_156 = arith.constant true
      %reduce_sum3A_157 = vector.broadcast %reduce_sum3A_156 : i1 to vector<16xi1>
      %reduce_sum3A_158 = tpu.scan <sum>, %select_n3A_155 masked %reduce_sum3A_157 : vector<16xf32>, vector<16xi1> -> vector<16xf32>
      %reduce_sum3A_159 = vector.extract %reduce_sum3A_158[15] : f32 from vector<16xf32>
      %add3A_160 = arith.addf %add3A_146, %reduce_sum3A_159 : f32
      %add3A_161 = arith.constant 48 : i32
      %add3A_162 = vector.broadcast %add3A_161 : i32 to vector<16xi32>
      %add3A_163 = arith.addi %iota3A, %add3A_162 : vector<16xi32>
      %eq3A_164 = vector.broadcast %while3A_116 : i32 to vector<16xi32>
      %eq3A_165 = arith.cmpi eq, %add3A_163, %eq3A_164 : vector<16xi32>
      %convert_element_type3A_166 = arith.sitofp %get3A_83 : vector<16xi32> to vector<16xf32>
      %jit3A_167 = arith.constant 0.000000e+00 : f32
      %broadcast_in_dim3A_168 = vector.broadcast %jit3A_167 : f32 to vector<16xf32>
      %select_n3A_169 = arith.select %eq3A_165, %convert_element_type3A_166, %broadcast_in_dim3A_168 : vector<16xi1>, vector<16xf32>
      %reduce_sum3A_170 = arith.constant true
      %reduce_sum3A_171 = vector.broadcast %reduce_sum3A_170 : i1 to vector<16xi1>
      %reduce_sum3A_172 = tpu.scan <sum>, %select_n3A_169 masked %reduce_sum3A_171 : vector<16xf32>, vector<16xi1> -> vector<16xf32>
      %reduce_sum3A_173 = vector.extract %reduce_sum3A_172[15] : f32 from vector<16xf32>
      %add3A_174 = arith.addf %add3A_160, %reduce_sum3A_173 : f32
      %add3A_175 = arith.constant 64 : i32
      %add3A_176 = vector.broadcast %add3A_175 : i32 to vector<16xi32>
      %add3A_177 = arith.addi %iota3A, %add3A_176 : vector<16xi32>
      %eq3A_178 = vector.broadcast %while3A_116 : i32 to vector<16xi32>
      %eq3A_179 = arith.cmpi eq, %add3A_177, %eq3A_178 : vector<16xi32>
      %convert_element_type3A_180 = arith.sitofp %get3A_85 : vector<16xi32> to vector<16xf32>
      %jit3A_181 = arith.constant 0.000000e+00 : f32
      %broadcast_in_dim3A_182 = vector.broadcast %jit3A_181 : f32 to vector<16xf32>
      %select_n3A_183 = arith.select %eq3A_179, %convert_element_type3A_180, %broadcast_in_dim3A_182 : vector<16xi1>, vector<16xf32>
      %reduce_sum3A_184 = arith.constant true
      %reduce_sum3A_185 = vector.broadcast %reduce_sum3A_184 : i1 to vector<16xi1>
      %reduce_sum3A_186 = tpu.scan <sum>, %select_n3A_183 masked %reduce_sum3A_185 : vector<16xf32>, vector<16xi1> -> vector<16xf32>
      %reduce_sum3A_187 = vector.extract %reduce_sum3A_186[15] : f32 from vector<16xf32>
      %add3A_188 = arith.addf %add3A_174, %reduce_sum3A_187 : f32
      %add3A_189 = arith.constant 80 : i32
      %add3A_190 = vector.broadcast %add3A_189 : i32 to vector<16xi32>
      %add3A_191 = arith.addi %iota3A, %add3A_190 : vector<16xi32>
      %eq3A_192 = vector.broadcast %while3A_116 : i32 to vector<16xi32>
      %eq3A_193 = arith.cmpi eq, %add3A_191, %eq3A_192 : vector<16xi32>
      %convert_element_type3A_194 = arith.sitofp %get3A_87 : vector<16xi32> to vector<16xf32>
      %jit3A_195 = arith.constant 0.000000e+00 : f32
      %broadcast_in_dim3A_196 = vector.broadcast %jit3A_195 : f32 to vector<16xf32>
      %select_n3A_197 = arith.select %eq3A_193, %convert_element_type3A_194, %broadcast_in_dim3A_196 : vector<16xi1>, vector<16xf32>
      %reduce_sum3A_198 = arith.constant true
      %reduce_sum3A_199 = vector.broadcast %reduce_sum3A_198 : i1 to vector<16xi1>
      %reduce_sum3A_200 = tpu.scan <sum>, %select_n3A_197 masked %reduce_sum3A_199 : vector<16xf32>, vector<16xi1> -> vector<16xf32>
      %reduce_sum3A_201 = vector.extract %reduce_sum3A_200[15] : f32 from vector<16xf32>
      %add3A_202 = arith.addf %add3A_188, %reduce_sum3A_201 : f32
      %add3A_203 = arith.constant 96 : i32
      %add3A_204 = vector.broadcast %add3A_203 : i32 to vector<16xi32>
      %add3A_205 = arith.addi %iota3A, %add3A_204 : vector<16xi32>
      %eq3A_206 = vector.broadcast %while3A_116 : i32 to vector<16xi32>
      %eq3A_207 = arith.cmpi eq, %add3A_205, %eq3A_206 : vector<16xi32>
      %convert_element_type3A_208 = arith.sitofp %get3A_89 : vector<16xi32> to vector<16xf32>
      %jit3A_209 = arith.constant 0.000000e+00 : f32
      %broadcast_in_dim3A_210 = vector.broadcast %jit3A_209 : f32 to vector<16xf32>
      %select_n3A_211 = arith.select %eq3A_207, %convert_element_type3A_208, %broadcast_in_dim3A_210 : vector<16xi1>, vector<16xf32>
      %reduce_sum3A_212 = arith.constant true
      %reduce_sum3A_213 = vector.broadcast %reduce_sum3A_212 : i1 to vector<16xi1>
      %reduce_sum3A_214 = tpu.scan <sum>, %select_n3A_211 masked %reduce_sum3A_213 : vector<16xf32>, vector<16xi1> -> vector<16xf32>
      %reduce_sum3A_215 = vector.extract %reduce_sum3A_214[15] : f32 from vector<16xf32>
      %add3A_216 = arith.addf %add3A_202, %reduce_sum3A_215 : f32
      %add3A_217 = arith.constant 112 : i32
      %add3A_218 = vector.broadcast %add3A_217 : i32 to vector<16xi32>
      %add3A_219 = arith.addi %iota3A, %add3A_218 : vector<16xi32>
      %eq3A_220 = vector.broadcast %while3A_116 : i32 to vector<16xi32>
      %eq3A_221 = arith.cmpi eq, %add3A_219, %eq3A_220 : vector<16xi32>
      %convert_element_type3A_222 = arith.sitofp %get3A_91 : vector<16xi32> to vector<16xf32>
      %jit3A_223 = arith.constant 0.000000e+00 : f32
      %broadcast_in_dim3A_224 = vector.broadcast %jit3A_223 : f32 to vector<16xf32>
      %select_n3A_225 = arith.select %eq3A_221, %convert_element_type3A_222, %broadcast_in_dim3A_224 : vector<16xi1>, vector<16xf32>
      %reduce_sum3A_226 = arith.constant true
      %reduce_sum3A_227 = vector.broadcast %reduce_sum3A_226 : i1 to vector<16xi1>
      %reduce_sum3A_228 = tpu.scan <sum>, %select_n3A_225 masked %reduce_sum3A_227 : vector<16xf32>, vector<16xi1> -> vector<16xf32>
      %reduce_sum3A_229 = vector.extract %reduce_sum3A_228[15] : f32 from vector<16xf32>
      %add3A_230 = arith.addf %add3A_216, %reduce_sum3A_229 : f32
      %add3A_231 = arith.constant 128 : i32
      %add3A_232 = vector.broadcast %add3A_231 : i32 to vector<16xi32>
      %add3A_233 = arith.addi %iota3A, %add3A_232 : vector<16xi32>
      %eq3A_234 = vector.broadcast %while3A_116 : i32 to vector<16xi32>
      %eq3A_235 = arith.cmpi eq, %add3A_233, %eq3A_234 : vector<16xi32>
      %convert_element_type3A_236 = arith.sitofp %get3A_93 : vector<16xi32> to vector<16xf32>
      %jit3A_237 = arith.constant 0.000000e+00 : f32
      %broadcast_in_dim3A_238 = vector.broadcast %jit3A_237 : f32 to vector<16xf32>
      %select_n3A_239 = arith.select %eq3A_235, %convert_element_type3A_236, %broadcast_in_dim3A_238 : vector<16xi1>, vector<16xf32>
      %reduce_sum3A_240 = arith.constant true
      %reduce_sum3A_241 = vector.broadcast %reduce_sum3A_240 : i1 to vector<16xi1>
      %reduce_sum3A_242 = tpu.scan <sum>, %select_n3A_239 masked %reduce_sum3A_241 : vector<16xf32>, vector<16xi1> -> vector<16xf32>
      %reduce_sum3A_243 = vector.extract %reduce_sum3A_242[15] : f32 from vector<16xf32>
      %add3A_244 = arith.addf %add3A_230, %reduce_sum3A_243 : f32
      %convert_element_type3A_245 = arith.fptosi %add3A_244 : f32 to i32
      %add3A_246 = arith.constant 1 : i32
      %add3A_247 = arith.addi %while3A_116, %add3A_246 : i32
      %add3A_248 = arith.constant 0 : i32
      %add3A_249 = vector.broadcast %add3A_248 : i32 to vector<16xi32>
      %add3A_250 = arith.addi %iota3A, %add3A_249 : vector<16xi32>
      %eq3A_251 = vector.broadcast %add3A_247 : i32 to vector<16xi32>
      %eq3A_252 = arith.cmpi eq, %add3A_250, %eq3A_251 : vector<16xi32>
      %convert_element_type3A_253 = arith.sitofp %get3A_77 : vector<16xi32> to vector<16xf32>
      %jit3A_254 = arith.constant 0.000000e+00 : f32
      %broadcast_in_dim3A_255 = vector.broadcast %jit3A_254 : f32 to vector<16xf32>
      %select_n3A_256 = arith.select %eq3A_252, %convert_element_type3A_253, %broadcast_in_dim3A_255 : vector<16xi1>, vector<16xf32>
      %reduce_sum3A_257 = arith.constant true
      %reduce_sum3A_258 = vector.broadcast %reduce_sum3A_257 : i1 to vector<16xi1>
      %reduce_sum3A_259 = tpu.scan <sum>, %select_n3A_256 masked %reduce_sum3A_258 : vector<16xf32>, vector<16xi1> -> vector<16xf32>
      %reduce_sum3A_260 = vector.extract %reduce_sum3A_259[15] : f32 from vector<16xf32>
      %add3A_261 = arith.constant 0.000000e+00 : f32
      %add3A_262 = arith.addf %add3A_261, %reduce_sum3A_260 : f32
      %add3A_263 = arith.constant 16 : i32
      %add3A_264 = vector.broadcast %add3A_263 : i32 to vector<16xi32>
      %add3A_265 = arith.addi %iota3A, %add3A_264 : vector<16xi32>
      %eq3A_266 = vector.broadcast %add3A_247 : i32 to vector<16xi32>
      %eq3A_267 = arith.cmpi eq, %add3A_265, %eq3A_266 : vector<16xi32>
      %convert_element_type3A_268 = arith.sitofp %get3A_79 : vector<16xi32> to vector<16xf32>
      %jit3A_269 = arith.constant 0.000000e+00 : f32
      %broadcast_in_dim3A_270 = vector.broadcast %jit3A_269 : f32 to vector<16xf32>
      %select_n3A_271 = arith.select %eq3A_267, %convert_element_type3A_268, %broadcast_in_dim3A_270 : vector<16xi1>, vector<16xf32>
      %reduce_sum3A_272 = arith.constant true
      %reduce_sum3A_273 = vector.broadcast %reduce_sum3A_272 : i1 to vector<16xi1>
      %reduce_sum3A_274 = tpu.scan <sum>, %select_n3A_271 masked %reduce_sum3A_273 : vector<16xf32>, vector<16xi1> -> vector<16xf32>
      %reduce_sum3A_275 = vector.extract %reduce_sum3A_274[15] : f32 from vector<16xf32>
      %add3A_276 = arith.addf %add3A_262, %reduce_sum3A_275 : f32
      %add3A_277 = arith.constant 32 : i32
      %add3A_278 = vector.broadcast %add3A_277 : i32 to vector<16xi32>
      %add3A_279 = arith.addi %iota3A, %add3A_278 : vector<16xi32>
      %eq3A_280 = vector.broadcast %add3A_247 : i32 to vector<16xi32>
      %eq3A_281 = arith.cmpi eq, %add3A_279, %eq3A_280 : vector<16xi32>
      %convert_element_type3A_282 = arith.sitofp %get3A_81 : vector<16xi32> to vector<16xf32>
      %jit3A_283 = arith.constant 0.000000e+00 : f32
      %broadcast_in_dim3A_284 = vector.broadcast %jit3A_283 : f32 to vector<16xf32>
      %select_n3A_285 = arith.select %eq3A_281, %convert_element_type3A_282, %broadcast_in_dim3A_284 : vector<16xi1>, vector<16xf32>
      %reduce_sum3A_286 = arith.constant true
      %reduce_sum3A_287 = vector.broadcast %reduce_sum3A_286 : i1 to vector<16xi1>
      %reduce_sum3A_288 = tpu.scan <sum>, %select_n3A_285 masked %reduce_sum3A_287 : vector<16xf32>, vector<16xi1> -> vector<16xf32>
      %reduce_sum3A_289 = vector.extract %reduce_sum3A_288[15] : f32 from vector<16xf32>
      %add3A_290 = arith.addf %add3A_276, %reduce_sum3A_289 : f32
      %add3A_291 = arith.constant 48 : i32
      %add3A_292 = vector.broadcast %add3A_291 : i32 to vector<16xi32>
      %add3A_293 = arith.addi %iota3A, %add3A_292 : vector<16xi32>
      %eq3A_294 = vector.broadcast %add3A_247 : i32 to vector<16xi32>
      %eq3A_295 = arith.cmpi eq, %add3A_293, %eq3A_294 : vector<16xi32>
      %convert_element_type3A_296 = arith.sitofp %get3A_83 : vector<16xi32> to vector<16xf32>
      %jit3A_297 = arith.constant 0.000000e+00 : f32
      %broadcast_in_dim3A_298 = vector.broadcast %jit3A_297 : f32 to vector<16xf32>
      %select_n3A_299 = arith.select %eq3A_295, %convert_element_type3A_296, %broadcast_in_dim3A_298 : vector<16xi1>, vector<16xf32>
      %reduce_sum3A_300 = arith.constant true
      %reduce_sum3A_301 = vector.broadcast %reduce_sum3A_300 : i1 to vector<16xi1>
      %reduce_sum3A_302 = tpu.scan <sum>, %select_n3A_299 masked %reduce_sum3A_301 : vector<16xf32>, vector<16xi1> -> vector<16xf32>
      %reduce_sum3A_303 = vector.extract %reduce_sum3A_302[15] : f32 from vector<16xf32>
      %add3A_304 = arith.addf %add3A_290, %reduce_sum3A_303 : f32
      %add3A_305 = arith.constant 64 : i32
      %add3A_306 = vector.broadcast %add3A_305 : i32 to vector<16xi32>
      %add3A_307 = arith.addi %iota3A, %add3A_306 : vector<16xi32>
      %eq3A_308 = vector.broadcast %add3A_247 : i32 to vector<16xi32>
      %eq3A_309 = arith.cmpi eq, %add3A_307, %eq3A_308 : vector<16xi32>
      %convert_element_type3A_310 = arith.sitofp %get3A_85 : vector<16xi32> to vector<16xf32>
      %jit3A_311 = arith.constant 0.000000e+00 : f32
      %broadcast_in_dim3A_312 = vector.broadcast %jit3A_311 : f32 to vector<16xf32>
      %select_n3A_313 = arith.select %eq3A_309, %convert_element_type3A_310, %broadcast_in_dim3A_312 : vector<16xi1>, vector<16xf32>
      %reduce_sum3A_314 = arith.constant true
      %reduce_sum3A_315 = vector.broadcast %reduce_sum3A_314 : i1 to vector<16xi1>
      %reduce_sum3A_316 = tpu.scan <sum>, %select_n3A_313 masked %reduce_sum3A_315 : vector<16xf32>, vector<16xi1> -> vector<16xf32>
      %reduce_sum3A_317 = vector.extract %reduce_sum3A_316[15] : f32 from vector<16xf32>
      %add3A_318 = arith.addf %add3A_304, %reduce_sum3A_317 : f32
      %add3A_319 = arith.constant 80 : i32
      %add3A_320 = vector.broadcast %add3A_319 : i32 to vector<16xi32>
      %add3A_321 = arith.addi %iota3A, %add3A_320 : vector<16xi32>
      %eq3A_322 = vector.broadcast %add3A_247 : i32 to vector<16xi32>
      %eq3A_323 = arith.cmpi eq, %add3A_321, %eq3A_322 : vector<16xi32>
      %convert_element_type3A_324 = arith.sitofp %get3A_87 : vector<16xi32> to vector<16xf32>
      %jit3A_325 = arith.constant 0.000000e+00 : f32
      %broadcast_in_dim3A_326 = vector.broadcast %jit3A_325 : f32 to vector<16xf32>
      %select_n3A_327 = arith.select %eq3A_323, %convert_element_type3A_324, %broadcast_in_dim3A_326 : vector<16xi1>, vector<16xf32>
      %reduce_sum3A_328 = arith.constant true
      %reduce_sum3A_329 = vector.broadcast %reduce_sum3A_328 : i1 to vector<16xi1>
      %reduce_sum3A_330 = tpu.scan <sum>, %select_n3A_327 masked %reduce_sum3A_329 : vector<16xf32>, vector<16xi1> -> vector<16xf32>
      %reduce_sum3A_331 = vector.extract %reduce_sum3A_330[15] : f32 from vector<16xf32>
      %add3A_332 = arith.addf %add3A_318, %reduce_sum3A_331 : f32
      %add3A_333 = arith.constant 96 : i32
      %add3A_334 = vector.broadcast %add3A_333 : i32 to vector<16xi32>
      %add3A_335 = arith.addi %iota3A, %add3A_334 : vector<16xi32>
      %eq3A_336 = vector.broadcast %add3A_247 : i32 to vector<16xi32>
      %eq3A_337 = arith.cmpi eq, %add3A_335, %eq3A_336 : vector<16xi32>
      %convert_element_type3A_338 = arith.sitofp %get3A_89 : vector<16xi32> to vector<16xf32>
      %jit3A_339 = arith.constant 0.000000e+00 : f32
      %broadcast_in_dim3A_340 = vector.broadcast %jit3A_339 : f32 to vector<16xf32>
      %select_n3A_341 = arith.select %eq3A_337, %convert_element_type3A_338, %broadcast_in_dim3A_340 : vector<16xi1>, vector<16xf32>
      %reduce_sum3A_342 = arith.constant true
      %reduce_sum3A_343 = vector.broadcast %reduce_sum3A_342 : i1 to vector<16xi1>
      %reduce_sum3A_344 = tpu.scan <sum>, %select_n3A_341 masked %reduce_sum3A_343 : vector<16xf32>, vector<16xi1> -> vector<16xf32>
      %reduce_sum3A_345 = vector.extract %reduce_sum3A_344[15] : f32 from vector<16xf32>
      %add3A_346 = arith.addf %add3A_332, %reduce_sum3A_345 : f32
      %add3A_347 = arith.constant 112 : i32
      %add3A_348 = vector.broadcast %add3A_347 : i32 to vector<16xi32>
      %add3A_349 = arith.addi %iota3A, %add3A_348 : vector<16xi32>
      %eq3A_350 = vector.broadcast %add3A_247 : i32 to vector<16xi32>
      %eq3A_351 = arith.cmpi eq, %add3A_349, %eq3A_350 : vector<16xi32>
      %convert_element_type3A_352 = arith.sitofp %get3A_91 : vector<16xi32> to vector<16xf32>
      %jit3A_353 = arith.constant 0.000000e+00 : f32
      %broadcast_in_dim3A_354 = vector.broadcast %jit3A_353 : f32 to vector<16xf32>
      %select_n3A_355 = arith.select %eq3A_351, %convert_element_type3A_352, %broadcast_in_dim3A_354 : vector<16xi1>, vector<16xf32>
      %reduce_sum3A_356 = arith.constant true
      %reduce_sum3A_357 = vector.broadcast %reduce_sum3A_356 : i1 to vector<16xi1>
      %reduce_sum3A_358 = tpu.scan <sum>, %select_n3A_355 masked %reduce_sum3A_357 : vector<16xf32>, vector<16xi1> -> vector<16xf32>
      %reduce_sum3A_359 = vector.extract %reduce_sum3A_358[15] : f32 from vector<16xf32>
      %add3A_360 = arith.addf %add3A_346, %reduce_sum3A_359 : f32
      %add3A_361 = arith.constant 128 : i32
      %add3A_362 = vector.broadcast %add3A_361 : i32 to vector<16xi32>
      %add3A_363 = arith.addi %iota3A, %add3A_362 : vector<16xi32>
      %eq3A_364 = vector.broadcast %add3A_247 : i32 to vector<16xi32>
      %eq3A_365 = arith.cmpi eq, %add3A_363, %eq3A_364 : vector<16xi32>
      %convert_element_type3A_366 = arith.sitofp %get3A_93 : vector<16xi32> to vector<16xf32>
      %jit3A_367 = arith.constant 0.000000e+00 : f32
      %broadcast_in_dim3A_368 = vector.broadcast %jit3A_367 : f32 to vector<16xf32>
      %select_n3A_369 = arith.select %eq3A_365, %convert_element_type3A_366, %broadcast_in_dim3A_368 : vector<16xi1>, vector<16xf32>
      %reduce_sum3A_370 = arith.constant true
      %reduce_sum3A_371 = vector.broadcast %reduce_sum3A_370 : i1 to vector<16xi1>
      %reduce_sum3A_372 = tpu.scan <sum>, %select_n3A_369 masked %reduce_sum3A_371 : vector<16xf32>, vector<16xi1> -> vector<16xf32>
      %reduce_sum3A_373 = vector.extract %reduce_sum3A_372[15] : f32 from vector<16xf32>
      %add3A_374 = arith.addf %add3A_360, %reduce_sum3A_373 : f32
      %convert_element_type3A_375 = arith.fptosi %add3A_374 : f32 to i32
      %max3A = arith.maxsi %convert_element_type3A_245, %mul3A_2 : i32
      %min3A = arith.minsi %convert_element_type3A_375, %add3A_4 : i32
      %sub3A_376 = arith.subi %min3A, %max3A : i32
      %while3A_377 = arith.constant 0 : i32
      %while3A_378 = arith.constant 0 : i32
      %while3A_379 = arith.subi %while3A_117, %while3A_378 : i32
      %while3A_380 = arith.addi %while3A_378, %while3A_379 : i32
      %while3A_381 = arith.constant 1 : i32
      %while3A_382 = arith.divsi %while3A_379, %while3A_381 : i32
      %while3A_383 = arith.muli %while3A_382, %while3A_381 : i32
      %while3A_384 = arith.addi %while3A_378, %while3A_383 : i32
      %while3A_385 = arith.constant 1 : i32
      scf.for %while3A_418 = %while3A_378 to %while3A_384 step %while3A_385  : i32 {
        %dma_wait3A = arith.constant 0 : i32
        %dma_wait3A_419 = tpu.memref_slice %arg5[%dma_wait3A] : memref<12800000xf32, #tpu.memory_space<hbm>> -> memref<16384xf32, #tpu.memory_space<hbm>>
        %dma_wait3A_420 = arith.constant 0 : i32
        %dma_wait3A_421 = tpu.memref_slice %arg5[%dma_wait3A_420] : memref<12800000xf32, #tpu.memory_space<hbm>> -> memref<16384xf32, #tpu.memory_space<hbm>>
        tpu.wait_dma2 semaphore(%arg11 : memref<!tpu.dma_semaphore, #tpu.memory_space<semaphore_mem>>) src(%dma_wait3A_421 : memref<16384xf32, #tpu.memory_space<hbm>>) dst(%arg10 : memref<16384xf32, #tpu.memory_space<vmem>>)
      }
      %while3A_386 = arith.constant 1 : i32
      scf.for %while3A_418 = %while3A_384 to %while3A_380 step %while3A_386  : i32 {
        %dma_wait3A = arith.constant 0 : i32
        %dma_wait3A_419 = tpu.memref_slice %arg5[%dma_wait3A] : memref<12800000xf32, #tpu.memory_space<hbm>> -> memref<16384xf32, #tpu.memory_space<hbm>>
        %dma_wait3A_420 = arith.constant 0 : i32
        %dma_wait3A_421 = tpu.memref_slice %arg5[%dma_wait3A_420] : memref<12800000xf32, #tpu.memory_space<hbm>> -> memref<16384xf32, #tpu.memory_space<hbm>>
        tpu.wait_dma2 semaphore(%arg11 : memref<!tpu.dma_semaphore, #tpu.memory_space<semaphore_mem>>) src(%dma_wait3A_421 : memref<16384xf32, #tpu.memory_space<hbm>>) dst(%arg10 : memref<16384xf32, #tpu.memory_space<vmem>>)
      }
      %gt3A = arith.constant 0 : i32
      %gt3A_387 = arith.cmpi sgt, %sub3A_376, %gt3A : i32
      %jit3A_388 = arith.constant 128 : i32
      %div3A_389 = arith.divsi %sub3A_376, %jit3A_388 : i32
      %sign3A_390 = arith.constant 0 : i32
      %sign3A_391 = arith.cmpi sgt, %sub3A_376, %sign3A_390 : i32
      %sign3A_392 = arith.extui %sign3A_391 : i1 to i32
      %sign3A_393 = arith.constant 0 : i32
      %sign3A_394 = arith.cmpi slt, %sub3A_376, %sign3A_393 : i32
      %sign3A_395 = arith.extui %sign3A_394 : i1 to i32
      %sign3A_396 = arith.subi %sign3A_392, %sign3A_395 : i32
      %sign3A_397 = arith.constant 0 : i32
      %sign3A_398 = arith.cmpi sgt, %jit3A_388, %sign3A_397 : i32
      %sign3A_399 = arith.extui %sign3A_398 : i1 to i32
      %sign3A_400 = arith.constant 0 : i32
      %sign3A_401 = arith.cmpi slt, %jit3A_388, %sign3A_400 : i32
      %sign3A_402 = arith.extui %sign3A_401 : i1 to i32
      %sign3A_403 = arith.subi %sign3A_399, %sign3A_402 : i32
      %ne3A_404 = arith.cmpi ne, %sign3A_396, %sign3A_403 : i32
      %rem3A_405 = arith.remsi %sub3A_376, %jit3A_388 : i32
      %ne3A_406 = arith.constant 0 : i32
      %ne3A_407 = arith.cmpi ne, %rem3A_405, %ne3A_406 : i32
      %and3A_408 = arith.andi %ne3A_404, %ne3A_407 : i1
      %sub3A_409 = arith.constant 1 : i32
      %sub3A_410 = arith.subi %div3A_389, %sub3A_409 : i32
      %select_n3A_411 = arith.select %and3A_408, %sub3A_410, %div3A_389 : i32
      %jit3A_412 = arith.constant 0 : i32
      %select_n3A_413 = arith.select %gt3A_387, %select_n3A_411, %jit3A_412 : i32
      %gt3A_414 = arith.constant 0 : i32
      %gt3A_415 = arith.cmpi sgt, %sub3A_376, %gt3A_414 : i32
      %convert_element_type3A_416 = arith.extui %gt3A_415 : i1 to i32
      %cond3A = arith.constant 0 : i32
      %cond3A_417 = arith.cmpi ne, %convert_element_type3A_416, %cond3A : i32
      scf.if %cond3A_417 {
        %mul3A_418 = arith.constant 128 : i32
        %mul3A_419 = arith.muli %while3A_116, %mul3A_418 : i32
        "tpu.region"() ({
          %run_scoped3A = tpu.sem_alloc : memref<!tpu.dma_semaphore, #tpu.memory_space<semaphore_mem>>
          %dma_start3A = tpu.memref_slice %arg2[%mul3A_419] : memref<16384xf32, #tpu.memory_space<hbm>> -> memref<128xf32, #tpu.memory_space<hbm>>
          %dma_start3A_523 = tpu.memref_slice %arg2[%mul3A_419] : memref<16384xf32, #tpu.memory_space<hbm>> -> memref<128xf32, #tpu.memory_space<hbm>>
          tpu.enqueue_dma source(%dma_start3A_523 : memref<128xf32, #tpu.memory_space<hbm>>) target(%arg9 : memref<128xf32, #tpu.memory_space<vmem>>) target_semaphore(%run_scoped3A : memref<!tpu.dma_semaphore, #tpu.memory_space<semaphore_mem>>)
          %dma_wait3A = tpu.memref_slice %arg2[%mul3A_419] : memref<16384xf32, #tpu.memory_space<hbm>> -> memref<128xf32, #tpu.memory_space<hbm>>
          %dma_wait3A_524 = tpu.memref_slice %arg2[%mul3A_419] : memref<16384xf32, #tpu.memory_space<hbm>> -> memref<128xf32, #tpu.memory_space<hbm>>
          tpu.wait_dma2 semaphore(%run_scoped3A : memref<!tpu.dma_semaphore, #tpu.memory_space<semaphore_mem>>) src(%dma_wait3A_524 : memref<128xf32, #tpu.memory_space<hbm>>) dst(%arg9 : memref<128xf32, #tpu.memory_space<vmem>>)
          tpu.yield
        }) : () -> ()
        %get3A_420 = arith.constant 0 : index
        %get3A_421 = tpu.vector_load %arg9[%get3A_420] {strides = array<i32>} : memref<128xf32, #tpu.memory_space<vmem>>, vector<16xf32>,
        %get3A_422 = arith.constant 16 : index
        %get3A_423 = tpu.vector_load %arg9[%get3A_422] {strides = array<i32>} : memref<128xf32, #tpu.memory_space<vmem>>, vector<16xf32>,
        %get3A_424 = arith.constant 32 : index
        %get3A_425 = tpu.vector_load %arg9[%get3A_424] {strides = array<i32>} : memref<128xf32, #tpu.memory_space<vmem>>, vector<16xf32>,
        %get3A_426 = arith.constant 48 : index
        %get3A_427 = tpu.vector_load %arg9[%get3A_426] {strides = array<i32>} : memref<128xf32, #tpu.memory_space<vmem>>, vector<16xf32>,
        %get3A_428 = arith.constant 64 : index
        %get3A_429 = tpu.vector_load %arg9[%get3A_428] {strides = array<i32>} : memref<128xf32, #tpu.memory_space<vmem>>, vector<16xf32>,
        %get3A_430 = arith.constant 80 : index
        %get3A_431 = tpu.vector_load %arg9[%get3A_430] {strides = array<i32>} : memref<128xf32, #tpu.memory_space<vmem>>, vector<16xf32>,
        %get3A_432 = arith.constant 96 : index
        %get3A_433 = tpu.vector_load %arg9[%get3A_432] {strides = array<i32>} : memref<128xf32, #tpu.memory_space<vmem>>, vector<16xf32>,
        %get3A_434 = arith.constant 112 : index
        %get3A_435 = tpu.vector_load %arg9[%get3A_434] {strides = array<i32>} : memref<128xf32, #tpu.memory_space<vmem>>, vector<16xf32>,
        %min3A_436 = arith.constant 128 : i32
        %min3A_437 = arith.minsi %sub3A_376, %min3A_436 : i32
        %while3A_438 = arith.constant 0 : i32
        %while3A_439 = arith.constant 0 : i32
        %while3A_440 = arith.subi %min3A_437, %while3A_439 : i32
        %while3A_441 = arith.addi %while3A_439, %while3A_440 : i32
        %while3A_442 = arith.constant 1 : i32
        %while3A_443 = arith.divsi %while3A_440, %while3A_442 : i32
        %while3A_444 = arith.muli %while3A_443, %while3A_442 : i32
        %while3A_445 = arith.addi %while3A_439, %while3A_444 : i32
        %while3A_446 = arith.constant 1 : i32
        scf.for %while3A_523 = %while3A_439 to %while3A_445 step %while3A_446  : i32 {
          %mul3A_524 = arith.constant 128 : i32
          %mul3A_525 = arith.muli %while3A_523, %mul3A_524 : i32
          %add3A_526 = arith.constant 0 : i32
          %add3A_527 = arith.addi %mul3A_525, %add3A_526 : i32
          %swap3A = arith.index_cast %add3A_527 : i32 to index
          %swap3A_528 = tpu.vector_load %arg10[%swap3A] {strides = array<i32>} : memref<16384xf32, #tpu.memory_space<vmem>>, vector<16xf32>,
          tpu.vector_store %arg10[%swap3A], %get3A_421 {strides = array<i32>} : memref<16384xf32, #tpu.memory_space<vmem>>, vector<16xf32>,
          %mul3A_529 = arith.constant 128 : i32
          %mul3A_530 = arith.muli %while3A_523, %mul3A_529 : i32
          %add3A_531 = arith.constant 16 : i32
          %add3A_532 = arith.addi %mul3A_530, %add3A_531 : i32
          %swap3A_533 = arith.index_cast %add3A_532 : i32 to index
          %swap3A_534 = tpu.vector_load %arg10[%swap3A_533] {strides = array<i32>} : memref<16384xf32, #tpu.memory_space<vmem>>, vector<16xf32>,
          tpu.vector_store %arg10[%swap3A_533], %get3A_423 {strides = array<i32>} : memref<16384xf32, #tpu.memory_space<vmem>>, vector<16xf32>,
          %mul3A_535 = arith.constant 128 : i32
          %mul3A_536 = arith.muli %while3A_523, %mul3A_535 : i32
          %add3A_537 = arith.constant 32 : i32
          %add3A_538 = arith.addi %mul3A_536, %add3A_537 : i32
          %swap3A_539 = arith.index_cast %add3A_538 : i32 to index
          %swap3A_540 = tpu.vector_load %arg10[%swap3A_539] {strides = array<i32>} : memref<16384xf32, #tpu.memory_space<vmem>>, vector<16xf32>,
          tpu.vector_store %arg10[%swap3A_539], %get3A_425 {strides = array<i32>} : memref<16384xf32, #tpu.memory_space<vmem>>, vector<16xf32>,
          %mul3A_541 = arith.constant 128 : i32
          %mul3A_542 = arith.muli %while3A_523, %mul3A_541 : i32
          %add3A_543 = arith.constant 48 : i32
          %add3A_544 = arith.addi %mul3A_542, %add3A_543 : i32
          %swap3A_545 = arith.index_cast %add3A_544 : i32 to index
          %swap3A_546 = tpu.vector_load %arg10[%swap3A_545] {strides = array<i32>} : memref<16384xf32, #tpu.memory_space<vmem>>, vector<16xf32>,
          tpu.vector_store %arg10[%swap3A_545], %get3A_427 {strides = array<i32>} : memref<16384xf32, #tpu.memory_space<vmem>>, vector<16xf32>,
          %mul3A_547 = arith.constant 128 : i32
          %mul3A_548 = arith.muli %while3A_523, %mul3A_547 : i32
          %add3A_549 = arith.constant 64 : i32
          %add3A_550 = arith.addi %mul3A_548, %add3A_549 : i32
          %swap3A_551 = arith.index_cast %add3A_550 : i32 to index
          %swap3A_552 = tpu.vector_load %arg10[%swap3A_551] {strides = array<i32>} : memref<16384xf32, #tpu.memory_space<vmem>>, vector<16xf32>,
          tpu.vector_store %arg10[%swap3A_551], %get3A_429 {strides = array<i32>} : memref<16384xf32, #tpu.memory_space<vmem>>, vector<16xf32>,
          %mul3A_553 = arith.constant 128 : i32
          %mul3A_554 = arith.muli %while3A_523, %mul3A_553 : i32
          %add3A_555 = arith.constant 80 : i32
          %add3A_556 = arith.addi %mul3A_554, %add3A_555 : i32
          %swap3A_557 = arith.index_cast %add3A_556 : i32 to index
          %swap3A_558 = tpu.vector_load %arg10[%swap3A_557] {strides = array<i32>} : memref<16384xf32, #tpu.memory_space<vmem>>, vector<16xf32>,
          tpu.vector_store %arg10[%swap3A_557], %get3A_431 {strides = array<i32>} : memref<16384xf32, #tpu.memory_space<vmem>>, vector<16xf32>,
          %mul3A_559 = arith.constant 128 : i32
          %mul3A_560 = arith.muli %while3A_523, %mul3A_559 : i32
          %add3A_561 = arith.constant 96 : i32
          %add3A_562 = arith.addi %mul3A_560, %add3A_561 : i32
          %swap3A_563 = arith.index_cast %add3A_562 : i32 to index
          %swap3A_564 = tpu.vector_load %arg10[%swap3A_563] {strides = array<i32>} : memref<16384xf32, #tpu.memory_space<vmem>>, vector<16xf32>,
          tpu.vector_store %arg10[%swap3A_563], %get3A_433 {strides = array<i32>} : memref<16384xf32, #tpu.memory_space<vmem>>, vector<16xf32>,
          %mul3A_565 = arith.constant 128 : i32
          %mul3A_566 = arith.muli %while3A_523, %mul3A_565 : i32
          %add3A_567 = arith.constant 112 : i32
          %add3A_568 = arith.addi %mul3A_566, %add3A_567 : i32
          %swap3A_569 = arith.index_cast %add3A_568 : i32 to index
          %swap3A_570 = tpu.vector_load %arg10[%swap3A_569] {strides = array<i32>} : memref<16384xf32, #tpu.memory_space<vmem>>, vector<16xf32>,
          tpu.vector_store %arg10[%swap3A_569], %get3A_435 {strides = array<i32>} : memref<16384xf32, #tpu.memory_space<vmem>>, vector<16xf32>,
        }
        %while3A_447 = arith.constant 1 : i32
        scf.for %while3A_523 = %while3A_445 to %while3A_441 step %while3A_447  : i32 {
          %mul3A_524 = arith.constant 128 : i32
          %mul3A_525 = arith.muli %while3A_523, %mul3A_524 : i32
          %add3A_526 = arith.constant 0 : i32
          %add3A_527 = arith.addi %mul3A_525, %add3A_526 : i32
          %swap3A = arith.index_cast %add3A_527 : i32 to index
          %swap3A_528 = tpu.vector_load %arg10[%swap3A] {strides = array<i32>} : memref<16384xf32, #tpu.memory_space<vmem>>, vector<16xf32>,
          tpu.vector_store %arg10[%swap3A], %get3A_421 {strides = array<i32>} : memref<16384xf32, #tpu.memory_space<vmem>>, vector<16xf32>,
          %mul3A_529 = arith.constant 128 : i32
          %mul3A_530 = arith.muli %while3A_523, %mul3A_529 : i32
          %add3A_531 = arith.constant 16 : i32
          %add3A_532 = arith.addi %mul3A_530, %add3A_531 : i32
          %swap3A_533 = arith.index_cast %add3A_532 : i32 to index
          %swap3A_534 = tpu.vector_load %arg10[%swap3A_533] {strides = array<i32>} : memref<16384xf32, #tpu.memory_space<vmem>>, vector<16xf32>,
          tpu.vector_store %arg10[%swap3A_533], %get3A_423 {strides = array<i32>} : memref<16384xf32, #tpu.memory_space<vmem>>, vector<16xf32>,
          %mul3A_535 = arith.constant 128 : i32
          %mul3A_536 = arith.muli %while3A_523, %mul3A_535 : i32
          %add3A_537 = arith.constant 32 : i32
          %add3A_538 = arith.addi %mul3A_536, %add3A_537 : i32
          %swap3A_539 = arith.index_cast %add3A_538 : i32 to index
          %swap3A_540 = tpu.vector_load %arg10[%swap3A_539] {strides = array<i32>} : memref<16384xf32, #tpu.memory_space<vmem>>, vector<16xf32>,
          tpu.vector_store %arg10[%swap3A_539], %get3A_425 {strides = array<i32>} : memref<16384xf32, #tpu.memory_space<vmem>>, vector<16xf32>,
          %mul3A_541 = arith.constant 128 : i32
          %mul3A_542 = arith.muli %while3A_523, %mul3A_541 : i32
          %add3A_543 = arith.constant 48 : i32
          %add3A_544 = arith.addi %mul3A_542, %add3A_543 : i32
          %swap3A_545 = arith.index_cast %add3A_544 : i32 to index
          %swap3A_546 = tpu.vector_load %arg10[%swap3A_545] {strides = array<i32>} : memref<16384xf32, #tpu.memory_space<vmem>>, vector<16xf32>,
          tpu.vector_store %arg10[%swap3A_545], %get3A_427 {strides = array<i32>} : memref<16384xf32, #tpu.memory_space<vmem>>, vector<16xf32>,
          %mul3A_547 = arith.constant 128 : i32
          %mul3A_548 = arith.muli %while3A_523, %mul3A_547 : i32
          %add3A_549 = arith.constant 64 : i32
          %add3A_550 = arith.addi %mul3A_548, %add3A_549 : i32
          %swap3A_551 = arith.index_cast %add3A_550 : i32 to index
          %swap3A_552 = tpu.vector_load %arg10[%swap3A_551] {strides = array<i32>} : memref<16384xf32, #tpu.memory_space<vmem>>, vector<16xf32>,
          tpu.vector_store %arg10[%swap3A_551], %get3A_429 {strides = array<i32>} : memref<16384xf32, #tpu.memory_space<vmem>>, vector<16xf32>,
          %mul3A_553 = arith.constant 128 : i32
          %mul3A_554 = arith.muli %while3A_523, %mul3A_553 : i32
          %add3A_555 = arith.constant 80 : i32
          %add3A_556 = arith.addi %mul3A_554, %add3A_555 : i32
          %swap3A_557 = arith.index_cast %add3A_556 : i32 to index
          %swap3A_558 = tpu.vector_load %arg10[%swap3A_557] {strides = array<i32>} : memref<16384xf32, #tpu.memory_space<vmem>>, vector<16xf32>,
          tpu.vector_store %arg10[%swap3A_557], %get3A_431 {strides = array<i32>} : memref<16384xf32, #tpu.memory_space<vmem>>, vector<16xf32>,
          %mul3A_559 = arith.constant 128 : i32
          %mul3A_560 = arith.muli %while3A_523, %mul3A_559 : i32
          %add3A_561 = arith.constant 96 : i32
          %add3A_562 = arith.addi %mul3A_560, %add3A_561 : i32
          %swap3A_563 = arith.index_cast %add3A_562 : i32 to index
          %swap3A_564 = tpu.vector_load %arg10[%swap3A_563] {strides = array<i32>} : memref<16384xf32, #tpu.memory_space<vmem>>, vector<16xf32>,
          tpu.vector_store %arg10[%swap3A_563], %get3A_433 {strides = array<i32>} : memref<16384xf32, #tpu.memory_space<vmem>>, vector<16xf32>,
          %mul3A_565 = arith.constant 128 : i32
          %mul3A_566 = arith.muli %while3A_523, %mul3A_565 : i32
          %add3A_567 = arith.constant 112 : i32
          %add3A_568 = arith.addi %mul3A_566, %add3A_567 : i32
          %swap3A_569 = arith.index_cast %add3A_568 : i32 to index
          %swap3A_570 = tpu.vector_load %arg10[%swap3A_569] {strides = array<i32>} : memref<16384xf32, #tpu.memory_space<vmem>>, vector<16xf32>,
          tpu.vector_store %arg10[%swap3A_569], %get3A_435 {strides = array<i32>} : memref<16384xf32, #tpu.memory_space<vmem>>, vector<16xf32>,
        }
        %while3A_448 = arith.constant 0 : i32
        %while3A_449 = arith.constant 0 : i32
        %while3A_450 = arith.subi %select_n3A_413, %while3A_449 : i32
        %while3A_451 = arith.addi %while3A_449, %while3A_450 : i32
        %while3A_452 = arith.constant 1 : i32
        %while3A_453 = arith.divsi %while3A_450, %while3A_452 : i32
        %while3A_454 = arith.muli %while3A_453, %while3A_452 : i32
        %while3A_455 = arith.addi %while3A_449, %while3A_454 : i32
        %while3A_456 = arith.constant 1 : i32
        scf.for %while3A_523 = %while3A_449 to %while3A_455 step %while3A_456  : i32 {
          %mul3A_524 = arith.constant 128 : i32
          %mul3A_525 = arith.muli %while3A_523, %mul3A_524 : i32
          %add3A_526 = arith.addi %max3A, %mul3A_525 : i32
          %mul3A_527 = arith.constant 128 : i32
          %mul3A_528 = arith.muli %add3A_526, %mul3A_527 : i32
          %dma_start3A = arith.constant 0 : i32
          %dma_start3A_529 = tpu.memref_slice %arg10[%dma_start3A] : memref<16384xf32, #tpu.memory_space<vmem>> -> memref<16384xf32, #tpu.memory_space<vmem>>
          %dma_start3A_530 = tpu.memref_slice %arg5[%mul3A_528] : memref<12800000xf32, #tpu.memory_space<hbm>> -> memref<16384xf32, #tpu.memory_space<hbm>>
          %dma_start3A_531 = tpu.memref_slice %arg5[%mul3A_528] : memref<12800000xf32, #tpu.memory_space<hbm>> -> memref<16384xf32, #tpu.memory_space<hbm>>
          %dma_start3A_532 = arith.constant 0 : i32
          %dma_start3A_533 = tpu.memref_slice %arg10[%dma_start3A_532] : memref<16384xf32, #tpu.memory_space<vmem>> -> memref<16384xf32, #tpu.memory_space<vmem>>
          tpu.enqueue_dma source(%dma_start3A_533 : memref<16384xf32, #tpu.memory_space<vmem>>) target(%dma_start3A_531 : memref<16384xf32, #tpu.memory_space<hbm>>) target_semaphore(%arg11 : memref<!tpu.dma_semaphore, #tpu.memory_space<semaphore_mem>>)
        }
        %while3A_457 = arith.constant 1 : i32
        scf.for %while3A_523 = %while3A_455 to %while3A_451 step %while3A_457  : i32 {
          %mul3A_524 = arith.constant 128 : i32
          %mul3A_525 = arith.muli %while3A_523, %mul3A_524 : i32
          %add3A_526 = arith.addi %max3A, %mul3A_525 : i32
          %mul3A_527 = arith.constant 128 : i32
          %mul3A_528 = arith.muli %add3A_526, %mul3A_527 : i32
          %dma_start3A = arith.constant 0 : i32
          %dma_start3A_529 = tpu.memref_slice %arg10[%dma_start3A] : memref<16384xf32, #tpu.memory_space<vmem>> -> memref<16384xf32, #tpu.memory_space<vmem>>
          %dma_start3A_530 = tpu.memref_slice %arg5[%mul3A_528] : memref<12800000xf32, #tpu.memory_space<hbm>> -> memref<16384xf32, #tpu.memory_space<hbm>>
          %dma_start3A_531 = tpu.memref_slice %arg5[%mul3A_528] : memref<12800000xf32, #tpu.memory_space<hbm>> -> memref<16384xf32, #tpu.memory_space<hbm>>
          %dma_start3A_532 = arith.constant 0 : i32
          %dma_start3A_533 = tpu.memref_slice %arg10[%dma_start3A_532] : memref<16384xf32, #tpu.memory_space<vmem>> -> memref<16384xf32, #tpu.memory_space<vmem>>
          tpu.enqueue_dma source(%dma_start3A_533 : memref<16384xf32, #tpu.memory_space<vmem>>) target(%dma_start3A_531 : memref<16384xf32, #tpu.memory_space<hbm>>) target_semaphore(%arg11 : memref<!tpu.dma_semaphore, #tpu.memory_space<semaphore_mem>>)
        }
        %mul3A_458 = arith.constant 128 : i32
        %mul3A_459 = arith.muli %select_n3A_413, %mul3A_458 : i32
        %sub3A_460 = arith.subi %sub3A_376, %mul3A_459 : i32
        %ge3A = arith.constant 128 : i32
        %ge3A_461 = arith.cmpi sge, %sub3A_376, %ge3A : i32
        %gt3A_462 = arith.constant 0 : i32
        %gt3A_463 = arith.cmpi sgt, %sub3A_460, %gt3A_462 : i32
        %and3A_464 = arith.andi %ge3A_461, %gt3A_463 : i1
        %convert_element_type3A_465 = arith.extui %and3A_464 : i1 to i32
        %cond3A_466 = arith.constant 0 : i32
        %cond3A_467 = arith.cmpi ne, %convert_element_type3A_465, %cond3A_466 : i32
        scf.if %cond3A_467 {
          %sub3A_523 = arith.constant 128 : i32
          %sub3A_524 = arith.subi %min3A, %sub3A_523 : i32
          %mul3A_525 = arith.constant 128 : i32
          %mul3A_526 = arith.muli %sub3A_524, %mul3A_525 : i32
          "tpu.region"() ({
            %run_scoped3A = tpu.sem_alloc : memref<!tpu.dma_semaphore, #tpu.memory_space<semaphore_mem>>
            %dma_start3A = arith.constant 0 : i32
            %dma_start3A_527 = tpu.memref_slice %arg10[%dma_start3A] : memref<16384xf32, #tpu.memory_space<vmem>> -> memref<16384xf32, #tpu.memory_space<vmem>>
            %dma_start3A_528 = tpu.memref_slice %arg5[%mul3A_526] : memref<12800000xf32, #tpu.memory_space<hbm>> -> memref<16384xf32, #tpu.memory_space<hbm>>
            %dma_start3A_529 = tpu.memref_slice %arg5[%mul3A_526] : memref<12800000xf32, #tpu.memory_space<hbm>> -> memref<16384xf32, #tpu.memory_space<hbm>>
            %dma_start3A_530 = arith.constant 0 : i32
            %dma_start3A_531 = tpu.memref_slice %arg10[%dma_start3A_530] : memref<16384xf32, #tpu.memory_space<vmem>> -> memref<16384xf32, #tpu.memory_space<vmem>>
            tpu.enqueue_dma source(%dma_start3A_531 : memref<16384xf32, #tpu.memory_space<vmem>>) target(%dma_start3A_529 : memref<16384xf32, #tpu.memory_space<hbm>>) target_semaphore(%run_scoped3A : memref<!tpu.dma_semaphore, #tpu.memory_space<semaphore_mem>>)
            %dma_wait3A = arith.constant 0 : i32
            %dma_wait3A_532 = tpu.memref_slice %arg10[%dma_wait3A] : memref<16384xf32, #tpu.memory_space<vmem>> -> memref<16384xf32, #tpu.memory_space<vmem>>
            %dma_wait3A_533 = tpu.memref_slice %arg5[%mul3A_526] : memref<12800000xf32, #tpu.memory_space<hbm>> -> memref<16384xf32, #tpu.memory_space<hbm>>
            %dma_wait3A_534 = tpu.memref_slice %arg5[%mul3A_526] : memref<12800000xf32, #tpu.memory_space<hbm>> -> memref<16384xf32, #tpu.memory_space<hbm>>
            %dma_wait3A_535 = arith.constant 0 : i32
            %dma_wait3A_536 = tpu.memref_slice %arg10[%dma_wait3A_535] : memref<16384xf32, #tpu.memory_space<vmem>> -> memref<16384xf32, #tpu.memory_space<vmem>>
            tpu.wait_dma2 semaphore(%run_scoped3A : memref<!tpu.dma_semaphore, #tpu.memory_space<semaphore_mem>>) src(%dma_wait3A_536 : memref<16384xf32, #tpu.memory_space<vmem>>) dst(%dma_wait3A_534 : memref<16384xf32, #tpu.memory_space<hbm>>)
            tpu.yield
          }) : () -> ()
        } else {
        }
        %ge3A_468 = arith.constant 64 : i32
        %ge3A_469 = arith.cmpi sge, %sub3A_376, %ge3A_468 : i32
        %lt3A = arith.constant 128 : i32
        %lt3A_470 = arith.cmpi slt, %sub3A_376, %lt3A : i32
        %and3A_471 = arith.andi %ge3A_469, %lt3A_470 : i1
        %convert_element_type3A_472 = arith.extui %and3A_471 : i1 to i32
        %cond3A_473 = arith.constant 0 : i32
        %cond3A_474 = arith.cmpi ne, %convert_element_type3A_472, %cond3A_473 : i32
        scf.if %cond3A_474 {
          %mul3A_523 = arith.constant 128 : i32
          %mul3A_524 = arith.muli %max3A, %mul3A_523 : i32
          "tpu.region"() ({
            %run_scoped3A = tpu.sem_alloc : memref<!tpu.dma_semaphore, #tpu.memory_space<semaphore_mem>>
            %dma_start3A = arith.constant 0 : i32
            %dma_start3A_529 = tpu.memref_slice %arg10[%dma_start3A] : memref<16384xf32, #tpu.memory_space<vmem>> -> memref<8192xf32, #tpu.memory_space<vmem>>
            %dma_start3A_530 = tpu.memref_slice %arg5[%mul3A_524] : memref<12800000xf32, #tpu.memory_space<hbm>> -> memref<8192xf32, #tpu.memory_space<hbm>>
            %dma_start3A_531 = tpu.memref_slice %arg5[%mul3A_524] : memref<12800000xf32, #tpu.memory_space<hbm>> -> memref<8192xf32, #tpu.memory_space<hbm>>
            %dma_start3A_532 = arith.constant 0 : i32
            %dma_start3A_533 = tpu.memref_slice %arg10[%dma_start3A_532] : memref<16384xf32, #tpu.memory_space<vmem>> -> memref<8192xf32, #tpu.memory_space<vmem>>
            tpu.enqueue_dma source(%dma_start3A_533 : memref<8192xf32, #tpu.memory_space<vmem>>) target(%dma_start3A_531 : memref<8192xf32, #tpu.memory_space<hbm>>) target_semaphore(%run_scoped3A : memref<!tpu.dma_semaphore, #tpu.memory_space<semaphore_mem>>)
            %dma_wait3A = arith.constant 0 : i32
            %dma_wait3A_534 = tpu.memref_slice %arg10[%dma_wait3A] : memref<16384xf32, #tpu.memory_space<vmem>> -> memref<8192xf32, #tpu.memory_space<vmem>>
            %dma_wait3A_535 = tpu.memref_slice %arg5[%mul3A_524] : memref<12800000xf32, #tpu.memory_space<hbm>> -> memref<8192xf32, #tpu.memory_space<hbm>>
            %dma_wait3A_536 = tpu.memref_slice %arg5[%mul3A_524] : memref<12800000xf32, #tpu.memory_space<hbm>> -> memref<8192xf32, #tpu.memory_space<hbm>>
            %dma_wait3A_537 = arith.constant 0 : i32
            %dma_wait3A_538 = tpu.memref_slice %arg10[%dma_wait3A_537] : memref<16384xf32, #tpu.memory_space<vmem>> -> memref<8192xf32, #tpu.memory_space<vmem>>
            tpu.wait_dma2 semaphore(%run_scoped3A : memref<!tpu.dma_semaphore, #tpu.memory_space<semaphore_mem>>) src(%dma_wait3A_538 : memref<8192xf32, #tpu.memory_space<vmem>>) dst(%dma_wait3A_536 : memref<8192xf32, #tpu.memory_space<hbm>>)
            tpu.yield
          }) : () -> ()
          %sub3A_525 = arith.constant 64 : i32
          %sub3A_526 = arith.subi %min3A, %sub3A_525 : i32
          %mul3A_527 = arith.constant 128 : i32
          %mul3A_528 = arith.muli %sub3A_526, %mul3A_527 : i32
          "tpu.region"() ({
            %run_scoped3A = tpu.sem_alloc : memref<!tpu.dma_semaphore, #tpu.memory_space<semaphore_mem>>
            %dma_start3A = arith.constant 0 : i32
            %dma_start3A_529 = tpu.memref_slice %arg10[%dma_start3A] : memref<16384xf32, #tpu.memory_space<vmem>> -> memref<8192xf32, #tpu.memory_space<vmem>>
            %dma_start3A_530 = tpu.memref_slice %arg5[%mul3A_528] : memref<12800000xf32, #tpu.memory_space<hbm>> -> memref<8192xf32, #tpu.memory_space<hbm>>
            %dma_start3A_531 = tpu.memref_slice %arg5[%mul3A_528] : memref<12800000xf32, #tpu.memory_space<hbm>> -> memref<8192xf32, #tpu.memory_space<hbm>>
            %dma_start3A_532 = arith.constant 0 : i32
            %dma_start3A_533 = tpu.memref_slice %arg10[%dma_start3A_532] : memref<16384xf32, #tpu.memory_space<vmem>> -> memref<8192xf32, #tpu.memory_space<vmem>>
            tpu.enqueue_dma source(%dma_start3A_533 : memref<8192xf32, #tpu.memory_space<vmem>>) target(%dma_start3A_531 : memref<8192xf32, #tpu.memory_space<hbm>>) target_semaphore(%run_scoped3A : memref<!tpu.dma_semaphore, #tpu.memory_space<semaphore_mem>>)
            %dma_wait3A = arith.constant 0 : i32
            %dma_wait3A_534 = tpu.memref_slice %arg10[%dma_wait3A] : memref<16384xf32, #tpu.memory_space<vmem>> -> memref<8192xf32, #tpu.memory_space<vmem>>
            %dma_wait3A_535 = tpu.memref_slice %arg5[%mul3A_528] : memref<12800000xf32, #tpu.memory_space<hbm>> -> memref<8192xf32, #tpu.memory_space<hbm>>
            %dma_wait3A_536 = tpu.memref_slice %arg5[%mul3A_528] : memref<12800000xf32, #tpu.memory_space<hbm>> -> memref<8192xf32, #tpu.memory_space<hbm>>
            %dma_wait3A_537 = arith.constant 0 : i32
            %dma_wait3A_538 = tpu.memref_slice %arg10[%dma_wait3A_537] : memref<16384xf32, #tpu.memory_space<vmem>> -> memref<8192xf32, #tpu.memory_space<vmem>>
            tpu.wait_dma2 semaphore(%run_scoped3A : memref<!tpu.dma_semaphore, #tpu.memory_space<semaphore_mem>>) src(%dma_wait3A_538 : memref<8192xf32, #tpu.memory_space<vmem>>) dst(%dma_wait3A_536 : memref<8192xf32, #tpu.memory_space<hbm>>)
            tpu.yield
          }) : () -> ()
        } else {
        }
        %ge3A_475 = arith.constant 32 : i32
        %ge3A_476 = arith.cmpi sge, %sub3A_376, %ge3A_475 : i32
        %lt3A_477 = arith.constant 64 : i32
        %lt3A_478 = arith.cmpi slt, %sub3A_376, %lt3A_477 : i32
        %and3A_479 = arith.andi %ge3A_476, %lt3A_478 : i1
        %convert_element_type3A_480 = arith.extui %and3A_479 : i1 to i32
        %cond3A_481 = arith.constant 0 : i32
        %cond3A_482 = arith.cmpi ne, %convert_element_type3A_480, %cond3A_481 : i32
        scf.if %cond3A_482 {
          %mul3A_523 = arith.constant 128 : i32
          %mul3A_524 = arith.muli %max3A, %mul3A_523 : i32
          "tpu.region"() ({
            %run_scoped3A = tpu.sem_alloc : memref<!tpu.dma_semaphore, #tpu.memory_space<semaphore_mem>>
            %dma_start3A = arith.constant 0 : i32
            %dma_start3A_529 = tpu.memref_slice %arg10[%dma_start3A] : memref<16384xf32, #tpu.memory_space<vmem>> -> memref<4096xf32, #tpu.memory_space<vmem>>
            %dma_start3A_530 = tpu.memref_slice %arg5[%mul3A_524] : memref<12800000xf32, #tpu.memory_space<hbm>> -> memref<4096xf32, #tpu.memory_space<hbm>>
            %dma_start3A_531 = tpu.memref_slice %arg5[%mul3A_524] : memref<12800000xf32, #tpu.memory_space<hbm>> -> memref<4096xf32, #tpu.memory_space<hbm>>
            %dma_start3A_532 = arith.constant 0 : i32
            %dma_start3A_533 = tpu.memref_slice %arg10[%dma_start3A_532] : memref<16384xf32, #tpu.memory_space<vmem>> -> memref<4096xf32, #tpu.memory_space<vmem>>
            tpu.enqueue_dma source(%dma_start3A_533 : memref<4096xf32, #tpu.memory_space<vmem>>) target(%dma_start3A_531 : memref<4096xf32, #tpu.memory_space<hbm>>) target_semaphore(%run_scoped3A : memref<!tpu.dma_semaphore, #tpu.memory_space<semaphore_mem>>)
            %dma_wait3A = arith.constant 0 : i32
            %dma_wait3A_534 = tpu.memref_slice %arg10[%dma_wait3A] : memref<16384xf32, #tpu.memory_space<vmem>> -> memref<4096xf32, #tpu.memory_space<vmem>>
            %dma_wait3A_535 = tpu.memref_slice %arg5[%mul3A_524] : memref<12800000xf32, #tpu.memory_space<hbm>> -> memref<4096xf32, #tpu.memory_space<hbm>>
            %dma_wait3A_536 = tpu.memref_slice %arg5[%mul3A_524] : memref<12800000xf32, #tpu.memory_space<hbm>> -> memref<4096xf32, #tpu.memory_space<hbm>>
            %dma_wait3A_537 = arith.constant 0 : i32
            %dma_wait3A_538 = tpu.memref_slice %arg10[%dma_wait3A_537] : memref<16384xf32, #tpu.memory_space<vmem>> -> memref<4096xf32, #tpu.memory_space<vmem>>
            tpu.wait_dma2 semaphore(%run_scoped3A : memref<!tpu.dma_semaphore, #tpu.memory_space<semaphore_mem>>) src(%dma_wait3A_538 : memref<4096xf32, #tpu.memory_space<vmem>>) dst(%dma_wait3A_536 : memref<4096xf32, #tpu.memory_space<hbm>>)
            tpu.yield
          }) : () -> ()
          %sub3A_525 = arith.constant 32 : i32
          %sub3A_526 = arith.subi %min3A, %sub3A_525 : i32
          %mul3A_527 = arith.constant 128 : i32
          %mul3A_528 = arith.muli %sub3A_526, %mul3A_527 : i32
          "tpu.region"() ({
            %run_scoped3A = tpu.sem_alloc : memref<!tpu.dma_semaphore, #tpu.memory_space<semaphore_mem>>
            %dma_start3A = arith.constant 0 : i32
            %dma_start3A_529 = tpu.memref_slice %arg10[%dma_start3A] : memref<16384xf32, #tpu.memory_space<vmem>> -> memref<4096xf32, #tpu.memory_space<vmem>>
            %dma_start3A_530 = tpu.memref_slice %arg5[%mul3A_528] : memref<12800000xf32, #tpu.memory_space<hbm>> -> memref<4096xf32, #tpu.memory_space<hbm>>
            %dma_start3A_531 = tpu.memref_slice %arg5[%mul3A_528] : memref<12800000xf32, #tpu.memory_space<hbm>> -> memref<4096xf32, #tpu.memory_space<hbm>>
            %dma_start3A_532 = arith.constant 0 : i32
            %dma_start3A_533 = tpu.memref_slice %arg10[%dma_start3A_532] : memref<16384xf32, #tpu.memory_space<vmem>> -> memref<4096xf32, #tpu.memory_space<vmem>>
            tpu.enqueue_dma source(%dma_start3A_533 : memref<4096xf32, #tpu.memory_space<vmem>>) target(%dma_start3A_531 : memref<4096xf32, #tpu.memory_space<hbm>>) target_semaphore(%run_scoped3A : memref<!tpu.dma_semaphore, #tpu.memory_space<semaphore_mem>>)
            %dma_wait3A = arith.constant 0 : i32
            %dma_wait3A_534 = tpu.memref_slice %arg10[%dma_wait3A] : memref<16384xf32, #tpu.memory_space<vmem>> -> memref<4096xf32, #tpu.memory_space<vmem>>
            %dma_wait3A_535 = tpu.memref_slice %arg5[%mul3A_528] : memref<12800000xf32, #tpu.memory_space<hbm>> -> memref<4096xf32, #tpu.memory_space<hbm>>
            %dma_wait3A_536 = tpu.memref_slice %arg5[%mul3A_528] : memref<12800000xf32, #tpu.memory_space<hbm>> -> memref<4096xf32, #tpu.memory_space<hbm>>
            %dma_wait3A_537 = arith.constant 0 : i32
            %dma_wait3A_538 = tpu.memref_slice %arg10[%dma_wait3A_537] : memref<16384xf32, #tpu.memory_space<vmem>> -> memref<4096xf32, #tpu.memory_space<vmem>>
            tpu.wait_dma2 semaphore(%run_scoped3A : memref<!tpu.dma_semaphore, #tpu.memory_space<semaphore_mem>>) src(%dma_wait3A_538 : memref<4096xf32, #tpu.memory_space<vmem>>) dst(%dma_wait3A_536 : memref<4096xf32, #tpu.memory_space<hbm>>)
            tpu.yield
          }) : () -> ()
        } else {
        }
        %ge3A_483 = arith.constant 16 : i32
        %ge3A_484 = arith.cmpi sge, %sub3A_376, %ge3A_483 : i32
        %lt3A_485 = arith.constant 32 : i32
        %lt3A_486 = arith.cmpi slt, %sub3A_376, %lt3A_485 : i32
        %and3A_487 = arith.andi %ge3A_484, %lt3A_486 : i1
        %convert_element_type3A_488 = arith.extui %and3A_487 : i1 to i32
        %cond3A_489 = arith.constant 0 : i32
        %cond3A_490 = arith.cmpi ne, %convert_element_type3A_488, %cond3A_489 : i32
        scf.if %cond3A_490 {
          %mul3A_523 = arith.constant 128 : i32
          %mul3A_524 = arith.muli %max3A, %mul3A_523 : i32
          "tpu.region"() ({
            %run_scoped3A = tpu.sem_alloc : memref<!tpu.dma_semaphore, #tpu.memory_space<semaphore_mem>>
            %dma_start3A = arith.constant 0 : i32
            %dma_start3A_529 = tpu.memref_slice %arg10[%dma_start3A] : memref<16384xf32, #tpu.memory_space<vmem>> -> memref<2048xf32, #tpu.memory_space<vmem>>
            %dma_start3A_530 = tpu.memref_slice %arg5[%mul3A_524] : memref<12800000xf32, #tpu.memory_space<hbm>> -> memref<2048xf32, #tpu.memory_space<hbm>>
            %dma_start3A_531 = tpu.memref_slice %arg5[%mul3A_524] : memref<12800000xf32, #tpu.memory_space<hbm>> -> memref<2048xf32, #tpu.memory_space<hbm>>
            %dma_start3A_532 = arith.constant 0 : i32
            %dma_start3A_533 = tpu.memref_slice %arg10[%dma_start3A_532] : memref<16384xf32, #tpu.memory_space<vmem>> -> memref<2048xf32, #tpu.memory_space<vmem>>
            tpu.enqueue_dma source(%dma_start3A_533 : memref<2048xf32, #tpu.memory_space<vmem>>) target(%dma_start3A_531 : memref<2048xf32, #tpu.memory_space<hbm>>) target_semaphore(%run_scoped3A : memref<!tpu.dma_semaphore, #tpu.memory_space<semaphore_mem>>)
            %dma_wait3A = arith.constant 0 : i32
            %dma_wait3A_534 = tpu.memref_slice %arg10[%dma_wait3A] : memref<16384xf32, #tpu.memory_space<vmem>> -> memref<2048xf32, #tpu.memory_space<vmem>>
            %dma_wait3A_535 = tpu.memref_slice %arg5[%mul3A_524] : memref<12800000xf32, #tpu.memory_space<hbm>> -> memref<2048xf32, #tpu.memory_space<hbm>>
            %dma_wait3A_536 = tpu.memref_slice %arg5[%mul3A_524] : memref<12800000xf32, #tpu.memory_space<hbm>> -> memref<2048xf32, #tpu.memory_space<hbm>>
            %dma_wait3A_537 = arith.constant 0 : i32
            %dma_wait3A_538 = tpu.memref_slice %arg10[%dma_wait3A_537] : memref<16384xf32, #tpu.memory_space<vmem>> -> memref<2048xf32, #tpu.memory_space<vmem>>
            tpu.wait_dma2 semaphore(%run_scoped3A : memref<!tpu.dma_semaphore, #tpu.memory_space<semaphore_mem>>) src(%dma_wait3A_538 : memref<2048xf32, #tpu.memory_space<vmem>>) dst(%dma_wait3A_536 : memref<2048xf32, #tpu.memory_space<hbm>>)
            tpu.yield
          }) : () -> ()
          %sub3A_525 = arith.constant 16 : i32
          %sub3A_526 = arith.subi %min3A, %sub3A_525 : i32
          %mul3A_527 = arith.constant 128 : i32
          %mul3A_528 = arith.muli %sub3A_526, %mul3A_527 : i32
          "tpu.region"() ({
            %run_scoped3A = tpu.sem_alloc : memref<!tpu.dma_semaphore, #tpu.memory_space<semaphore_mem>>
            %dma_start3A = arith.constant 0 : i32
            %dma_start3A_529 = tpu.memref_slice %arg10[%dma_start3A] : memref<16384xf32, #tpu.memory_space<vmem>> -> memref<2048xf32, #tpu.memory_space<vmem>>
            %dma_start3A_530 = tpu.memref_slice %arg5[%mul3A_528] : memref<12800000xf32, #tpu.memory_space<hbm>> -> memref<2048xf32, #tpu.memory_space<hbm>>
            %dma_start3A_531 = tpu.memref_slice %arg5[%mul3A_528] : memref<12800000xf32, #tpu.memory_space<hbm>> -> memref<2048xf32, #tpu.memory_space<hbm>>
            %dma_start3A_532 = arith.constant 0 : i32
            %dma_start3A_533 = tpu.memref_slice %arg10[%dma_start3A_532] : memref<16384xf32, #tpu.memory_space<vmem>> -> memref<2048xf32, #tpu.memory_space<vmem>>
            tpu.enqueue_dma source(%dma_start3A_533 : memref<2048xf32, #tpu.memory_space<vmem>>) target(%dma_start3A_531 : memref<2048xf32, #tpu.memory_space<hbm>>) target_semaphore(%run_scoped3A : memref<!tpu.dma_semaphore, #tpu.memory_space<semaphore_mem>>)
            %dma_wait3A = arith.constant 0 : i32
            %dma_wait3A_534 = tpu.memref_slice %arg10[%dma_wait3A] : memref<16384xf32, #tpu.memory_space<vmem>> -> memref<2048xf32, #tpu.memory_space<vmem>>
            %dma_wait3A_535 = tpu.memref_slice %arg5[%mul3A_528] : memref<12800000xf32, #tpu.memory_space<hbm>> -> memref<2048xf32, #tpu.memory_space<hbm>>
            %dma_wait3A_536 = tpu.memref_slice %arg5[%mul3A_528] : memref<12800000xf32, #tpu.memory_space<hbm>> -> memref<2048xf32, #tpu.memory_space<hbm>>
            %dma_wait3A_537 = arith.constant 0 : i32
            %dma_wait3A_538 = tpu.memref_slice %arg10[%dma_wait3A_537] : memref<16384xf32, #tpu.memory_space<vmem>> -> memref<2048xf32, #tpu.memory_space<vmem>>
            tpu.wait_dma2 semaphore(%run_scoped3A : memref<!tpu.dma_semaphore, #tpu.memory_space<semaphore_mem>>) src(%dma_wait3A_538 : memref<2048xf32, #tpu.memory_space<vmem>>) dst(%dma_wait3A_536 : memref<2048xf32, #tpu.memory_space<hbm>>)
            tpu.yield
          }) : () -> ()
        } else {
        }
        %ge3A_491 = arith.constant 8 : i32
        %ge3A_492 = arith.cmpi sge, %sub3A_376, %ge3A_491 : i32
        %lt3A_493 = arith.constant 16 : i32
        %lt3A_494 = arith.cmpi slt, %sub3A_376, %lt3A_493 : i32
        %and3A_495 = arith.andi %ge3A_492, %lt3A_494 : i1
        %convert_element_type3A_496 = arith.extui %and3A_495 : i1 to i32
        %cond3A_497 = arith.constant 0 : i32
        %cond3A_498 = arith.cmpi ne, %convert_element_type3A_496, %cond3A_497 : i32
        scf.if %cond3A_498 {
          %mul3A_523 = arith.constant 128 : i32
          %mul3A_524 = arith.muli %max3A, %mul3A_523 : i32
          "tpu.region"() ({
            %run_scoped3A = tpu.sem_alloc : memref<!tpu.dma_semaphore, #tpu.memory_space<semaphore_mem>>
            %dma_start3A = arith.constant 0 : i32
            %dma_start3A_529 = tpu.memref_slice %arg10[%dma_start3A] : memref<16384xf32, #tpu.memory_space<vmem>> -> memref<1024xf32, #tpu.memory_space<vmem>>
            %dma_start3A_530 = tpu.memref_slice %arg5[%mul3A_524] : memref<12800000xf32, #tpu.memory_space<hbm>> -> memref<1024xf32, #tpu.memory_space<hbm>>
            %dma_start3A_531 = tpu.memref_slice %arg5[%mul3A_524] : memref<12800000xf32, #tpu.memory_space<hbm>> -> memref<1024xf32, #tpu.memory_space<hbm>>
            %dma_start3A_532 = arith.constant 0 : i32
            %dma_start3A_533 = tpu.memref_slice %arg10[%dma_start3A_532] : memref<16384xf32, #tpu.memory_space<vmem>> -> memref<1024xf32, #tpu.memory_space<vmem>>
            tpu.enqueue_dma source(%dma_start3A_533 : memref<1024xf32, #tpu.memory_space<vmem>>) target(%dma_start3A_531 : memref<1024xf32, #tpu.memory_space<hbm>>) target_semaphore(%run_scoped3A : memref<!tpu.dma_semaphore, #tpu.memory_space<semaphore_mem>>)
            %dma_wait3A = arith.constant 0 : i32
            %dma_wait3A_534 = tpu.memref_slice %arg10[%dma_wait3A] : memref<16384xf32, #tpu.memory_space<vmem>> -> memref<1024xf32, #tpu.memory_space<vmem>>
            %dma_wait3A_535 = tpu.memref_slice %arg5[%mul3A_524] : memref<12800000xf32, #tpu.memory_space<hbm>> -> memref<1024xf32, #tpu.memory_space<hbm>>
            %dma_wait3A_536 = tpu.memref_slice %arg5[%mul3A_524] : memref<12800000xf32, #tpu.memory_space<hbm>> -> memref<1024xf32, #tpu.memory_space<hbm>>
            %dma_wait3A_537 = arith.constant 0 : i32
            %dma_wait3A_538 = tpu.memref_slice %arg10[%dma_wait3A_537] : memref<16384xf32, #tpu.memory_space<vmem>> -> memref<1024xf32, #tpu.memory_space<vmem>>
            tpu.wait_dma2 semaphore(%run_scoped3A : memref<!tpu.dma_semaphore, #tpu.memory_space<semaphore_mem>>) src(%dma_wait3A_538 : memref<1024xf32, #tpu.memory_space<vmem>>) dst(%dma_wait3A_536 : memref<1024xf32, #tpu.memory_space<hbm>>)
            tpu.yield
          }) : () -> ()
          %sub3A_525 = arith.constant 8 : i32
          %sub3A_526 = arith.subi %min3A, %sub3A_525 : i32
          %mul3A_527 = arith.constant 128 : i32
          %mul3A_528 = arith.muli %sub3A_526, %mul3A_527 : i32
          "tpu.region"() ({
            %run_scoped3A = tpu.sem_alloc : memref<!tpu.dma_semaphore, #tpu.memory_space<semaphore_mem>>
            %dma_start3A = arith.constant 0 : i32
            %dma_start3A_529 = tpu.memref_slice %arg10[%dma_start3A] : memref<16384xf32, #tpu.memory_space<vmem>> -> memref<1024xf32, #tpu.memory_space<vmem>>
            %dma_start3A_530 = tpu.memref_slice %arg5[%mul3A_528] : memref<12800000xf32, #tpu.memory_space<hbm>> -> memref<1024xf32, #tpu.memory_space<hbm>>
            %dma_start3A_531 = tpu.memref_slice %arg5[%mul3A_528] : memref<12800000xf32, #tpu.memory_space<hbm>> -> memref<1024xf32, #tpu.memory_space<hbm>>
            %dma_start3A_532 = arith.constant 0 : i32
            %dma_start3A_533 = tpu.memref_slice %arg10[%dma_start3A_532] : memref<16384xf32, #tpu.memory_space<vmem>> -> memref<1024xf32, #tpu.memory_space<vmem>>
            tpu.enqueue_dma source(%dma_start3A_533 : memref<1024xf32, #tpu.memory_space<vmem>>) target(%dma_start3A_531 : memref<1024xf32, #tpu.memory_space<hbm>>) target_semaphore(%run_scoped3A : memref<!tpu.dma_semaphore, #tpu.memory_space<semaphore_mem>>)
            %dma_wait3A = arith.constant 0 : i32
            %dma_wait3A_534 = tpu.memref_slice %arg10[%dma_wait3A] : memref<16384xf32, #tpu.memory_space<vmem>> -> memref<1024xf32, #tpu.memory_space<vmem>>
            %dma_wait3A_535 = tpu.memref_slice %arg5[%mul3A_528] : memref<12800000xf32, #tpu.memory_space<hbm>> -> memref<1024xf32, #tpu.memory_space<hbm>>
            %dma_wait3A_536 = tpu.memref_slice %arg5[%mul3A_528] : memref<12800000xf32, #tpu.memory_space<hbm>> -> memref<1024xf32, #tpu.memory_space<hbm>>
            %dma_wait3A_537 = arith.constant 0 : i32
            %dma_wait3A_538 = tpu.memref_slice %arg10[%dma_wait3A_537] : memref<16384xf32, #tpu.memory_space<vmem>> -> memref<1024xf32, #tpu.memory_space<vmem>>
            tpu.wait_dma2 semaphore(%run_scoped3A : memref<!tpu.dma_semaphore, #tpu.memory_space<semaphore_mem>>) src(%dma_wait3A_538 : memref<1024xf32, #tpu.memory_space<vmem>>) dst(%dma_wait3A_536 : memref<1024xf32, #tpu.memory_space<hbm>>)
            tpu.yield
          }) : () -> ()
        } else {
        }
        %ge3A_499 = arith.constant 4 : i32
        %ge3A_500 = arith.cmpi sge, %sub3A_376, %ge3A_499 : i32
        %lt3A_501 = arith.constant 8 : i32
        %lt3A_502 = arith.cmpi slt, %sub3A_376, %lt3A_501 : i32
        %and3A_503 = arith.andi %ge3A_500, %lt3A_502 : i1
        %convert_element_type3A_504 = arith.extui %and3A_503 : i1 to i32
        %cond3A_505 = arith.constant 0 : i32
        %cond3A_506 = arith.cmpi ne, %convert_element_type3A_504, %cond3A_505 : i32
        scf.if %cond3A_506 {
          %mul3A_523 = arith.constant 128 : i32
          %mul3A_524 = arith.muli %max3A, %mul3A_523 : i32
          "tpu.region"() ({
            %run_scoped3A = tpu.sem_alloc : memref<!tpu.dma_semaphore, #tpu.memory_space<semaphore_mem>>
            %dma_start3A = arith.constant 0 : i32
            %dma_start3A_529 = tpu.memref_slice %arg10[%dma_start3A] : memref<16384xf32, #tpu.memory_space<vmem>> -> memref<512xf32, #tpu.memory_space<vmem>>
            %dma_start3A_530 = tpu.memref_slice %arg5[%mul3A_524] : memref<12800000xf32, #tpu.memory_space<hbm>> -> memref<512xf32, #tpu.memory_space<hbm>>
            %dma_start3A_531 = tpu.memref_slice %arg5[%mul3A_524] : memref<12800000xf32, #tpu.memory_space<hbm>> -> memref<512xf32, #tpu.memory_space<hbm>>
            %dma_start3A_532 = arith.constant 0 : i32
            %dma_start3A_533 = tpu.memref_slice %arg10[%dma_start3A_532] : memref<16384xf32, #tpu.memory_space<vmem>> -> memref<512xf32, #tpu.memory_space<vmem>>
            tpu.enqueue_dma source(%dma_start3A_533 : memref<512xf32, #tpu.memory_space<vmem>>) target(%dma_start3A_531 : memref<512xf32, #tpu.memory_space<hbm>>) target_semaphore(%run_scoped3A : memref<!tpu.dma_semaphore, #tpu.memory_space<semaphore_mem>>)
            %dma_wait3A = arith.constant 0 : i32
            %dma_wait3A_534 = tpu.memref_slice %arg10[%dma_wait3A] : memref<16384xf32, #tpu.memory_space<vmem>> -> memref<512xf32, #tpu.memory_space<vmem>>
            %dma_wait3A_535 = tpu.memref_slice %arg5[%mul3A_524] : memref<12800000xf32, #tpu.memory_space<hbm>> -> memref<512xf32, #tpu.memory_space<hbm>>
            %dma_wait3A_536 = tpu.memref_slice %arg5[%mul3A_524] : memref<12800000xf32, #tpu.memory_space<hbm>> -> memref<512xf32, #tpu.memory_space<hbm>>
            %dma_wait3A_537 = arith.constant 0 : i32
            %dma_wait3A_538 = tpu.memref_slice %arg10[%dma_wait3A_537] : memref<16384xf32, #tpu.memory_space<vmem>> -> memref<512xf32, #tpu.memory_space<vmem>>
            tpu.wait_dma2 semaphore(%run_scoped3A : memref<!tpu.dma_semaphore, #tpu.memory_space<semaphore_mem>>) src(%dma_wait3A_538 : memref<512xf32, #tpu.memory_space<vmem>>) dst(%dma_wait3A_536 : memref<512xf32, #tpu.memory_space<hbm>>)
            tpu.yield
          }) : () -> ()
          %sub3A_525 = arith.constant 4 : i32
          %sub3A_526 = arith.subi %min3A, %sub3A_525 : i32
          %mul3A_527 = arith.constant 128 : i32
          %mul3A_528 = arith.muli %sub3A_526, %mul3A_527 : i32
          "tpu.region"() ({
            %run_scoped3A = tpu.sem_alloc : memref<!tpu.dma_semaphore, #tpu.memory_space<semaphore_mem>>
            %dma_start3A = arith.constant 0 : i32
            %dma_start3A_529 = tpu.memref_slice %arg10[%dma_start3A] : memref<16384xf32, #tpu.memory_space<vmem>> -> memref<512xf32, #tpu.memory_space<vmem>>
            %dma_start3A_530 = tpu.memref_slice %arg5[%mul3A_528] : memref<12800000xf32, #tpu.memory_space<hbm>> -> memref<512xf32, #tpu.memory_space<hbm>>
            %dma_start3A_531 = tpu.memref_slice %arg5[%mul3A_528] : memref<12800000xf32, #tpu.memory_space<hbm>> -> memref<512xf32, #tpu.memory_space<hbm>>
            %dma_start3A_532 = arith.constant 0 : i32
            %dma_start3A_533 = tpu.memref_slice %arg10[%dma_start3A_532] : memref<16384xf32, #tpu.memory_space<vmem>> -> memref<512xf32, #tpu.memory_space<vmem>>
            tpu.enqueue_dma source(%dma_start3A_533 : memref<512xf32, #tpu.memory_space<vmem>>) target(%dma_start3A_531 : memref<512xf32, #tpu.memory_space<hbm>>) target_semaphore(%run_scoped3A : memref<!tpu.dma_semaphore, #tpu.memory_space<semaphore_mem>>)
            %dma_wait3A = arith.constant 0 : i32
            %dma_wait3A_534 = tpu.memref_slice %arg10[%dma_wait3A] : memref<16384xf32, #tpu.memory_space<vmem>> -> memref<512xf32, #tpu.memory_space<vmem>>
            %dma_wait3A_535 = tpu.memref_slice %arg5[%mul3A_528] : memref<12800000xf32, #tpu.memory_space<hbm>> -> memref<512xf32, #tpu.memory_space<hbm>>
            %dma_wait3A_536 = tpu.memref_slice %arg5[%mul3A_528] : memref<12800000xf32, #tpu.memory_space<hbm>> -> memref<512xf32, #tpu.memory_space<hbm>>
            %dma_wait3A_537 = arith.constant 0 : i32
            %dma_wait3A_538 = tpu.memref_slice %arg10[%dma_wait3A_537] : memref<16384xf32, #tpu.memory_space<vmem>> -> memref<512xf32, #tpu.memory_space<vmem>>
            tpu.wait_dma2 semaphore(%run_scoped3A : memref<!tpu.dma_semaphore, #tpu.memory_space<semaphore_mem>>) src(%dma_wait3A_538 : memref<512xf32, #tpu.memory_space<vmem>>) dst(%dma_wait3A_536 : memref<512xf32, #tpu.memory_space<hbm>>)
            tpu.yield
          }) : () -> ()
        } else {
        }
        %ge3A_507 = arith.constant 2 : i32
        %ge3A_508 = arith.cmpi sge, %sub3A_376, %ge3A_507 : i32
        %lt3A_509 = arith.constant 4 : i32
        %lt3A_510 = arith.cmpi slt, %sub3A_376, %lt3A_509 : i32
        %and3A_511 = arith.andi %ge3A_508, %lt3A_510 : i1
        %convert_element_type3A_512 = arith.extui %and3A_511 : i1 to i32
        %cond3A_513 = arith.constant 0 : i32
        %cond3A_514 = arith.cmpi ne, %convert_element_type3A_512, %cond3A_513 : i32
        scf.if %cond3A_514 {
          %mul3A_523 = arith.constant 128 : i32
          %mul3A_524 = arith.muli %max3A, %mul3A_523 : i32
          "tpu.region"() ({
            %run_scoped3A = tpu.sem_alloc : memref<!tpu.dma_semaphore, #tpu.memory_space<semaphore_mem>>
            %dma_start3A = arith.constant 0 : i32
            %dma_start3A_529 = tpu.memref_slice %arg10[%dma_start3A] : memref<16384xf32, #tpu.memory_space<vmem>> -> memref<256xf32, #tpu.memory_space<vmem>>
            %dma_start3A_530 = tpu.memref_slice %arg5[%mul3A_524] : memref<12800000xf32, #tpu.memory_space<hbm>> -> memref<256xf32, #tpu.memory_space<hbm>>
            %dma_start3A_531 = tpu.memref_slice %arg5[%mul3A_524] : memref<12800000xf32, #tpu.memory_space<hbm>> -> memref<256xf32, #tpu.memory_space<hbm>>
            %dma_start3A_532 = arith.constant 0 : i32
            %dma_start3A_533 = tpu.memref_slice %arg10[%dma_start3A_532] : memref<16384xf32, #tpu.memory_space<vmem>> -> memref<256xf32, #tpu.memory_space<vmem>>
            tpu.enqueue_dma source(%dma_start3A_533 : memref<256xf32, #tpu.memory_space<vmem>>) target(%dma_start3A_531 : memref<256xf32, #tpu.memory_space<hbm>>) target_semaphore(%run_scoped3A : memref<!tpu.dma_semaphore, #tpu.memory_space<semaphore_mem>>)
            %dma_wait3A = arith.constant 0 : i32
            %dma_wait3A_534 = tpu.memref_slice %arg10[%dma_wait3A] : memref<16384xf32, #tpu.memory_space<vmem>> -> memref<256xf32, #tpu.memory_space<vmem>>
            %dma_wait3A_535 = tpu.memref_slice %arg5[%mul3A_524] : memref<12800000xf32, #tpu.memory_space<hbm>> -> memref<256xf32, #tpu.memory_space<hbm>>
            %dma_wait3A_536 = tpu.memref_slice %arg5[%mul3A_524] : memref<12800000xf32, #tpu.memory_space<hbm>> -> memref<256xf32, #tpu.memory_space<hbm>>
            %dma_wait3A_537 = arith.constant 0 : i32
            %dma_wait3A_538 = tpu.memref_slice %arg10[%dma_wait3A_537] : memref<16384xf32, #tpu.memory_space<vmem>> -> memref<256xf32, #tpu.memory_space<vmem>>
            tpu.wait_dma2 semaphore(%run_scoped3A : memref<!tpu.dma_semaphore, #tpu.memory_space<semaphore_mem>>) src(%dma_wait3A_538 : memref<256xf32, #tpu.memory_space<vmem>>) dst(%dma_wait3A_536 : memref<256xf32, #tpu.memory_space<hbm>>)
            tpu.yield
          }) : () -> ()
          %sub3A_525 = arith.constant 2 : i32
          %sub3A_526 = arith.subi %min3A, %sub3A_525 : i32
          %mul3A_527 = arith.constant 128 : i32
          %mul3A_528 = arith.muli %sub3A_526, %mul3A_527 : i32
          "tpu.region"() ({
            %run_scoped3A = tpu.sem_alloc : memref<!tpu.dma_semaphore, #tpu.memory_space<semaphore_mem>>
            %dma_start3A = arith.constant 0 : i32
            %dma_start3A_529 = tpu.memref_slice %arg10[%dma_start3A] : memref<16384xf32, #tpu.memory_space<vmem>> -> memref<256xf32, #tpu.memory_space<vmem>>
            %dma_start3A_530 = tpu.memref_slice %arg5[%mul3A_528] : memref<12800000xf32, #tpu.memory_space<hbm>> -> memref<256xf32, #tpu.memory_space<hbm>>
            %dma_start3A_531 = tpu.memref_slice %arg5[%mul3A_528] : memref<12800000xf32, #tpu.memory_space<hbm>> -> memref<256xf32, #tpu.memory_space<hbm>>
            %dma_start3A_532 = arith.constant 0 : i32
            %dma_start3A_533 = tpu.memref_slice %arg10[%dma_start3A_532] : memref<16384xf32, #tpu.memory_space<vmem>> -> memref<256xf32, #tpu.memory_space<vmem>>
            tpu.enqueue_dma source(%dma_start3A_533 : memref<256xf32, #tpu.memory_space<vmem>>) target(%dma_start3A_531 : memref<256xf32, #tpu.memory_space<hbm>>) target_semaphore(%run_scoped3A : memref<!tpu.dma_semaphore, #tpu.memory_space<semaphore_mem>>)
            %dma_wait3A = arith.constant 0 : i32
            %dma_wait3A_534 = tpu.memref_slice %arg10[%dma_wait3A] : memref<16384xf32, #tpu.memory_space<vmem>> -> memref<256xf32, #tpu.memory_space<vmem>>
            %dma_wait3A_535 = tpu.memref_slice %arg5[%mul3A_528] : memref<12800000xf32, #tpu.memory_space<hbm>> -> memref<256xf32, #tpu.memory_space<hbm>>
            %dma_wait3A_536 = tpu.memref_slice %arg5[%mul3A_528] : memref<12800000xf32, #tpu.memory_space<hbm>> -> memref<256xf32, #tpu.memory_space<hbm>>
            %dma_wait3A_537 = arith.constant 0 : i32
            %dma_wait3A_538 = tpu.memref_slice %arg10[%dma_wait3A_537] : memref<16384xf32, #tpu.memory_space<vmem>> -> memref<256xf32, #tpu.memory_space<vmem>>
            tpu.wait_dma2 semaphore(%run_scoped3A : memref<!tpu.dma_semaphore, #tpu.memory_space<semaphore_mem>>) src(%dma_wait3A_538 : memref<256xf32, #tpu.memory_space<vmem>>) dst(%dma_wait3A_536 : memref<256xf32, #tpu.memory_space<hbm>>)
            tpu.yield
          }) : () -> ()
        } else {
        }
        %ge3A_515 = arith.constant 1 : i32
        %ge3A_516 = arith.cmpi sge, %sub3A_376, %ge3A_515 : i32
        %lt3A_517 = arith.constant 2 : i32
        %lt3A_518 = arith.cmpi slt, %sub3A_376, %lt3A_517 : i32
        %and3A_519 = arith.andi %ge3A_516, %lt3A_518 : i1
        %convert_element_type3A_520 = arith.extui %and3A_519 : i1 to i32
        %cond3A_521 = arith.constant 0 : i32
        %cond3A_522 = arith.cmpi ne, %convert_element_type3A_520, %cond3A_521 : i32
        scf.if %cond3A_522 {
          %mul3A_523 = arith.constant 128 : i32
          %mul3A_524 = arith.muli %max3A, %mul3A_523 : i32
          "tpu.region"() ({
            %run_scoped3A = tpu.sem_alloc : memref<!tpu.dma_semaphore, #tpu.memory_space<semaphore_mem>>
            %dma_start3A = arith.constant 0 : i32
            %dma_start3A_529 = tpu.memref_slice %arg10[%dma_start3A] : memref<16384xf32, #tpu.memory_space<vmem>> -> memref<128xf32, #tpu.memory_space<vmem>>
            %dma_start3A_530 = tpu.memref_slice %arg5[%mul3A_524] : memref<12800000xf32, #tpu.memory_space<hbm>> -> memref<128xf32, #tpu.memory_space<hbm>>
            %dma_start3A_531 = tpu.memref_slice %arg5[%mul3A_524] : memref<12800000xf32, #tpu.memory_space<hbm>> -> memref<128xf32, #tpu.memory_space<hbm>>
            %dma_start3A_532 = arith.constant 0 : i32
            %dma_start3A_533 = tpu.memref_slice %arg10[%dma_start3A_532] : memref<16384xf32, #tpu.memory_space<vmem>> -> memref<128xf32, #tpu.memory_space<vmem>>
            tpu.enqueue_dma source(%dma_start3A_533 : memref<128xf32, #tpu.memory_space<vmem>>) target(%dma_start3A_531 : memref<128xf32, #tpu.memory_space<hbm>>) target_semaphore(%run_scoped3A : memref<!tpu.dma_semaphore, #tpu.memory_space<semaphore_mem>>)
            %dma_wait3A = arith.constant 0 : i32
            %dma_wait3A_534 = tpu.memref_slice %arg10[%dma_wait3A] : memref<16384xf32, #tpu.memory_space<vmem>> -> memref<128xf32, #tpu.memory_space<vmem>>
            %dma_wait3A_535 = tpu.memref_slice %arg5[%mul3A_524] : memref<12800000xf32, #tpu.memory_space<hbm>> -> memref<128xf32, #tpu.memory_space<hbm>>
            %dma_wait3A_536 = tpu.memref_slice %arg5[%mul3A_524] : memref<12800000xf32, #tpu.memory_space<hbm>> -> memref<128xf32, #tpu.memory_space<hbm>>
            %dma_wait3A_537 = arith.constant 0 : i32
            %dma_wait3A_538 = tpu.memref_slice %arg10[%dma_wait3A_537] : memref<16384xf32, #tpu.memory_space<vmem>> -> memref<128xf32, #tpu.memory_space<vmem>>
            tpu.wait_dma2 semaphore(%run_scoped3A : memref<!tpu.dma_semaphore, #tpu.memory_space<semaphore_mem>>) src(%dma_wait3A_538 : memref<128xf32, #tpu.memory_space<vmem>>) dst(%dma_wait3A_536 : memref<128xf32, #tpu.memory_space<hbm>>)
            tpu.yield
          }) : () -> ()
          %sub3A_525 = arith.constant 1 : i32
          %sub3A_526 = arith.subi %min3A, %sub3A_525 : i32
          %mul3A_527 = arith.constant 128 : i32
          %mul3A_528 = arith.muli %sub3A_526, %mul3A_527 : i32
          "tpu.region"() ({
            %run_scoped3A = tpu.sem_alloc : memref<!tpu.dma_semaphore, #tpu.memory_space<semaphore_mem>>
            %dma_start3A = arith.constant 0 : i32
            %dma_start3A_529 = tpu.memref_slice %arg10[%dma_start3A] : memref<16384xf32, #tpu.memory_space<vmem>> -> memref<128xf32, #tpu.memory_space<vmem>>
            %dma_start3A_530 = tpu.memref_slice %arg5[%mul3A_528] : memref<12800000xf32, #tpu.memory_space<hbm>> -> memref<128xf32, #tpu.memory_space<hbm>>
            %dma_start3A_531 = tpu.memref_slice %arg5[%mul3A_528] : memref<12800000xf32, #tpu.memory_space<hbm>> -> memref<128xf32, #tpu.memory_space<hbm>>
            %dma_start3A_532 = arith.constant 0 : i32
            %dma_start3A_533 = tpu.memref_slice %arg10[%dma_start3A_532] : memref<16384xf32, #tpu.memory_space<vmem>> -> memref<128xf32, #tpu.memory_space<vmem>>
            tpu.enqueue_dma source(%dma_start3A_533 : memref<128xf32, #tpu.memory_space<vmem>>) target(%dma_start3A_531 : memref<128xf32, #tpu.memory_space<hbm>>) target_semaphore(%run_scoped3A : memref<!tpu.dma_semaphore, #tpu.memory_space<semaphore_mem>>)
            %dma_wait3A = arith.constant 0 : i32
            %dma_wait3A_534 = tpu.memref_slice %arg10[%dma_wait3A] : memref<16384xf32, #tpu.memory_space<vmem>> -> memref<128xf32, #tpu.memory_space<vmem>>
            %dma_wait3A_535 = tpu.memref_slice %arg5[%mul3A_528] : memref<12800000xf32, #tpu.memory_space<hbm>> -> memref<128xf32, #tpu.memory_space<hbm>>
            %dma_wait3A_536 = tpu.memref_slice %arg5[%mul3A_528] : memref<12800000xf32, #tpu.memory_space<hbm>> -> memref<128xf32, #tpu.memory_space<hbm>>
            %dma_wait3A_537 = arith.constant 0 : i32
            %dma_wait3A_538 = tpu.memref_slice %arg10[%dma_wait3A_537] : memref<16384xf32, #tpu.memory_space<vmem>> -> memref<128xf32, #tpu.memory_space<vmem>>
            tpu.wait_dma2 semaphore(%run_scoped3A : memref<!tpu.dma_semaphore, #tpu.memory_space<semaphore_mem>>) src(%dma_wait3A_538 : memref<128xf32, #tpu.memory_space<vmem>>) dst(%dma_wait3A_536 : memref<128xf32, #tpu.memory_space<hbm>>)
            tpu.yield
          }) : () -> ()
        } else {
        }
      } else {
      }
      scf.yield %select_n3A_413 : i32
    }
    %while3A_104 = arith.constant 1 : i32
    %while3A_105 = scf.for %while3A_116 = %while3A_101 to %while3A_97 step %while3A_104 iter_args(%while3A_117 = %while3A_103) -> (i32)  : i32 {
      %add3A_118 = arith.constant 0 : i32
      %add3A_119 = vector.broadcast %add3A_118 : i32 to vector<16xi32>
      %add3A_120 = arith.addi %iota3A, %add3A_119 : vector<16xi32>
      %eq3A_121 = vector.broadcast %while3A_116 : i32 to vector<16xi32>
      %eq3A_122 = arith.cmpi eq, %add3A_120, %eq3A_121 : vector<16xi32>
      %convert_element_type3A_123 = arith.sitofp %get3A_77 : vector<16xi32> to vector<16xf32>
      %jit3A_124 = arith.constant 0.000000e+00 : f32
      %broadcast_in_dim3A_125 = vector.broadcast %jit3A_124 : f32 to vector<16xf32>
      %select_n3A_126 = arith.select %eq3A_122, %convert_element_type3A_123, %broadcast_in_dim3A_125 : vector<16xi1>, vector<16xf32>
      %reduce_sum3A_127 = arith.constant true
      %reduce_sum3A_128 = vector.broadcast %reduce_sum3A_127 : i1 to vector<16xi1>
      %reduce_sum3A_129 = tpu.scan <sum>, %select_n3A_126 masked %reduce_sum3A_128 : vector<16xf32>, vector<16xi1> -> vector<16xf32>
      %reduce_sum3A_130 = vector.extract %reduce_sum3A_129[15] : f32 from vector<16xf32>
      %add3A_131 = arith.constant 0.000000e+00 : f32
      %add3A_132 = arith.addf %add3A_131, %reduce_sum3A_130 : f32
      %add3A_133 = arith.constant 16 : i32
      %add3A_134 = vector.broadcast %add3A_133 : i32 to vector<16xi32>
      %add3A_135 = arith.addi %iota3A, %add3A_134 : vector<16xi32>
      %eq3A_136 = vector.broadcast %while3A_116 : i32 to vector<16xi32>
      %eq3A_137 = arith.cmpi eq, %add3A_135, %eq3A_136 : vector<16xi32>
      %convert_element_type3A_138 = arith.sitofp %get3A_79 : vector<16xi32> to vector<16xf32>
      %jit3A_139 = arith.constant 0.000000e+00 : f32
      %broadcast_in_dim3A_140 = vector.broadcast %jit3A_139 : f32 to vector<16xf32>
      %select_n3A_141 = arith.select %eq3A_137, %convert_element_type3A_138, %broadcast_in_dim3A_140 : vector<16xi1>, vector<16xf32>
      %reduce_sum3A_142 = arith.constant true
      %reduce_sum3A_143 = vector.broadcast %reduce_sum3A_142 : i1 to vector<16xi1>
      %reduce_sum3A_144 = tpu.scan <sum>, %select_n3A_141 masked %reduce_sum3A_143 : vector<16xf32>, vector<16xi1> -> vector<16xf32>
      %reduce_sum3A_145 = vector.extract %reduce_sum3A_144[15] : f32 from vector<16xf32>
      %add3A_146 = arith.addf %add3A_132, %reduce_sum3A_145 : f32
      %add3A_147 = arith.constant 32 : i32
      %add3A_148 = vector.broadcast %add3A_147 : i32 to vector<16xi32>
      %add3A_149 = arith.addi %iota3A, %add3A_148 : vector<16xi32>
      %eq3A_150 = vector.broadcast %while3A_116 : i32 to vector<16xi32>
      %eq3A_151 = arith.cmpi eq, %add3A_149, %eq3A_150 : vector<16xi32>
      %convert_element_type3A_152 = arith.sitofp %get3A_81 : vector<16xi32> to vector<16xf32>
      %jit3A_153 = arith.constant 0.000000e+00 : f32
      %broadcast_in_dim3A_154 = vector.broadcast %jit3A_153 : f32 to vector<16xf32>
      %select_n3A_155 = arith.select %eq3A_151, %convert_element_type3A_152, %broadcast_in_dim3A_154 : vector<16xi1>, vector<16xf32>
      %reduce_sum3A_156 = arith.constant true
      %reduce_sum3A_157 = vector.broadcast %reduce_sum3A_156 : i1 to vector<16xi1>
      %reduce_sum3A_158 = tpu.scan <sum>, %select_n3A_155 masked %reduce_sum3A_157 : vector<16xf32>, vector<16xi1> -> vector<16xf32>
      %reduce_sum3A_159 = vector.extract %reduce_sum3A_158[15] : f32 from vector<16xf32>
      %add3A_160 = arith.addf %add3A_146, %reduce_sum3A_159 : f32
      %add3A_161 = arith.constant 48 : i32
      %add3A_162 = vector.broadcast %add3A_161 : i32 to vector<16xi32>
      %add3A_163 = arith.addi %iota3A, %add3A_162 : vector<16xi32>
      %eq3A_164 = vector.broadcast %while3A_116 : i32 to vector<16xi32>
      %eq3A_165 = arith.cmpi eq, %add3A_163, %eq3A_164 : vector<16xi32>
      %convert_element_type3A_166 = arith.sitofp %get3A_83 : vector<16xi32> to vector<16xf32>
      %jit3A_167 = arith.constant 0.000000e+00 : f32
      %broadcast_in_dim3A_168 = vector.broadcast %jit3A_167 : f32 to vector<16xf32>
      %select_n3A_169 = arith.select %eq3A_165, %convert_element_type3A_166, %broadcast_in_dim3A_168 : vector<16xi1>, vector<16xf32>
      %reduce_sum3A_170 = arith.constant true
      %reduce_sum3A_171 = vector.broadcast %reduce_sum3A_170 : i1 to vector<16xi1>
      %reduce_sum3A_172 = tpu.scan <sum>, %select_n3A_169 masked %reduce_sum3A_171 : vector<16xf32>, vector<16xi1> -> vector<16xf32>
      %reduce_sum3A_173 = vector.extract %reduce_sum3A_172[15] : f32 from vector<16xf32>
      %add3A_174 = arith.addf %add3A_160, %reduce_sum3A_173 : f32
      %add3A_175 = arith.constant 64 : i32
      %add3A_176 = vector.broadcast %add3A_175 : i32 to vector<16xi32>
      %add3A_177 = arith.addi %iota3A, %add3A_176 : vector<16xi32>
      %eq3A_178 = vector.broadcast %while3A_116 : i32 to vector<16xi32>
      %eq3A_179 = arith.cmpi eq, %add3A_177, %eq3A_178 : vector<16xi32>
      %convert_element_type3A_180 = arith.sitofp %get3A_85 : vector<16xi32> to vector<16xf32>
      %jit3A_181 = arith.constant 0.000000e+00 : f32
      %broadcast_in_dim3A_182 = vector.broadcast %jit3A_181 : f32 to vector<16xf32>
      %select_n3A_183 = arith.select %eq3A_179, %convert_element_type3A_180, %broadcast_in_dim3A_182 : vector<16xi1>, vector<16xf32>
      %reduce_sum3A_184 = arith.constant true
      %reduce_sum3A_185 = vector.broadcast %reduce_sum3A_184 : i1 to vector<16xi1>
      %reduce_sum3A_186 = tpu.scan <sum>, %select_n3A_183 masked %reduce_sum3A_185 : vector<16xf32>, vector<16xi1> -> vector<16xf32>
      %reduce_sum3A_187 = vector.extract %reduce_sum3A_186[15] : f32 from vector<16xf32>
      %add3A_188 = arith.addf %add3A_174, %reduce_sum3A_187 : f32
      %add3A_189 = arith.constant 80 : i32
      %add3A_190 = vector.broadcast %add3A_189 : i32 to vector<16xi32>
      %add3A_191 = arith.addi %iota3A, %add3A_190 : vector<16xi32>
      %eq3A_192 = vector.broadcast %while3A_116 : i32 to vector<16xi32>
      %eq3A_193 = arith.cmpi eq, %add3A_191, %eq3A_192 : vector<16xi32>
      %convert_element_type3A_194 = arith.sitofp %get3A_87 : vector<16xi32> to vector<16xf32>
      %jit3A_195 = arith.constant 0.000000e+00 : f32
      %broadcast_in_dim3A_196 = vector.broadcast %jit3A_195 : f32 to vector<16xf32>
      %select_n3A_197 = arith.select %eq3A_193, %convert_element_type3A_194, %broadcast_in_dim3A_196 : vector<16xi1>, vector<16xf32>
      %reduce_sum3A_198 = arith.constant true
      %reduce_sum3A_199 = vector.broadcast %reduce_sum3A_198 : i1 to vector<16xi1>
      %reduce_sum3A_200 = tpu.scan <sum>, %select_n3A_197 masked %reduce_sum3A_199 : vector<16xf32>, vector<16xi1> -> vector<16xf32>
      %reduce_sum3A_201 = vector.extract %reduce_sum3A_200[15] : f32 from vector<16xf32>
      %add3A_202 = arith.addf %add3A_188, %reduce_sum3A_201 : f32
      %add3A_203 = arith.constant 96 : i32
      %add3A_204 = vector.broadcast %add3A_203 : i32 to vector<16xi32>
      %add3A_205 = arith.addi %iota3A, %add3A_204 : vector<16xi32>
      %eq3A_206 = vector.broadcast %while3A_116 : i32 to vector<16xi32>
      %eq3A_207 = arith.cmpi eq, %add3A_205, %eq3A_206 : vector<16xi32>
      %convert_element_type3A_208 = arith.sitofp %get3A_89 : vector<16xi32> to vector<16xf32>
      %jit3A_209 = arith.constant 0.000000e+00 : f32
      %broadcast_in_dim3A_210 = vector.broadcast %jit3A_209 : f32 to vector<16xf32>
      %select_n3A_211 = arith.select %eq3A_207, %convert_element_type3A_208, %broadcast_in_dim3A_210 : vector<16xi1>, vector<16xf32>
      %reduce_sum3A_212 = arith.constant true
      %reduce_sum3A_213 = vector.broadcast %reduce_sum3A_212 : i1 to vector<16xi1>
      %reduce_sum3A_214 = tpu.scan <sum>, %select_n3A_211 masked %reduce_sum3A_213 : vector<16xf32>, vector<16xi1> -> vector<16xf32>
      %reduce_sum3A_215 = vector.extract %reduce_sum3A_214[15] : f32 from vector<16xf32>
      %add3A_216 = arith.addf %add3A_202, %reduce_sum3A_215 : f32
      %add3A_217 = arith.constant 112 : i32
      %add3A_218 = vector.broadcast %add3A_217 : i32 to vector<16xi32>
      %add3A_219 = arith.addi %iota3A, %add3A_218 : vector<16xi32>
      %eq3A_220 = vector.broadcast %while3A_116 : i32 to vector<16xi32>
      %eq3A_221 = arith.cmpi eq, %add3A_219, %eq3A_220 : vector<16xi32>
      %convert_element_type3A_222 = arith.sitofp %get3A_91 : vector<16xi32> to vector<16xf32>
      %jit3A_223 = arith.constant 0.000000e+00 : f32
      %broadcast_in_dim3A_224 = vector.broadcast %jit3A_223 : f32 to vector<16xf32>
      %select_n3A_225 = arith.select %eq3A_221, %convert_element_type3A_222, %broadcast_in_dim3A_224 : vector<16xi1>, vector<16xf32>
      %reduce_sum3A_226 = arith.constant true
      %reduce_sum3A_227 = vector.broadcast %reduce_sum3A_226 : i1 to vector<16xi1>
      %reduce_sum3A_228 = tpu.scan <sum>, %select_n3A_225 masked %reduce_sum3A_227 : vector<16xf32>, vector<16xi1> -> vector<16xf32>
      %reduce_sum3A_229 = vector.extract %reduce_sum3A_228[15] : f32 from vector<16xf32>
      %add3A_230 = arith.addf %add3A_216, %reduce_sum3A_229 : f32
      %add3A_231 = arith.constant 128 : i32
      %add3A_232 = vector.broadcast %add3A_231 : i32 to vector<16xi32>
      %add3A_233 = arith.addi %iota3A, %add3A_232 : vector<16xi32>
      %eq3A_234 = vector.broadcast %while3A_116 : i32 to vector<16xi32>
      %eq3A_235 = arith.cmpi eq, %add3A_233, %eq3A_234 : vector<16xi32>
      %convert_element_type3A_236 = arith.sitofp %get3A_93 : vector<16xi32> to vector<16xf32>
      %jit3A_237 = arith.constant 0.000000e+00 : f32
      %broadcast_in_dim3A_238 = vector.broadcast %jit3A_237 : f32 to vector<16xf32>
      %select_n3A_239 = arith.select %eq3A_235, %convert_element_type3A_236, %broadcast_in_dim3A_238 : vector<16xi1>, vector<16xf32>
      %reduce_sum3A_240 = arith.constant true
      %reduce_sum3A_241 = vector.broadcast %reduce_sum3A_240 : i1 to vector<16xi1>
      %reduce_sum3A_242 = tpu.scan <sum>, %select_n3A_239 masked %reduce_sum3A_241 : vector<16xf32>, vector<16xi1> -> vector<16xf32>
      %reduce_sum3A_243 = vector.extract %reduce_sum3A_242[15] : f32 from vector<16xf32>
      %add3A_244 = arith.addf %add3A_230, %reduce_sum3A_243 : f32
      %convert_element_type3A_245 = arith.fptosi %add3A_244 : f32 to i32
      %add3A_246 = arith.constant 1 : i32
      %add3A_247 = arith.addi %while3A_116, %add3A_246 : i32
      %add3A_248 = arith.constant 0 : i32
      %add3A_249 = vector.broadcast %add3A_248 : i32 to vector<16xi32>
      %add3A_250 = arith.addi %iota3A, %add3A_249 : vector<16xi32>
      %eq3A_251 = vector.broadcast %add3A_247 : i32 to vector<16xi32>
      %eq3A_252 = arith.cmpi eq, %add3A_250, %eq3A_251 : vector<16xi32>
      %convert_element_type3A_253 = arith.sitofp %get3A_77 : vector<16xi32> to vector<16xf32>
      %jit3A_254 = arith.constant 0.000000e+00 : f32
      %broadcast_in_dim3A_255 = vector.broadcast %jit3A_254 : f32 to vector<16xf32>
      %select_n3A_256 = arith.select %eq3A_252, %convert_element_type3A_253, %broadcast_in_dim3A_255 : vector<16xi1>, vector<16xf32>
      %reduce_sum3A_257 = arith.constant true
      %reduce_sum3A_258 = vector.broadcast %reduce_sum3A_257 : i1 to vector<16xi1>
      %reduce_sum3A_259 = tpu.scan <sum>, %select_n3A_256 masked %reduce_sum3A_258 : vector<16xf32>, vector<16xi1> -> vector<16xf32>
      %reduce_sum3A_260 = vector.extract %reduce_sum3A_259[15] : f32 from vector<16xf32>
      %add3A_261 = arith.constant 0.000000e+00 : f32
      %add3A_262 = arith.addf %add3A_261, %reduce_sum3A_260 : f32
      %add3A_263 = arith.constant 16 : i32
      %add3A_264 = vector.broadcast %add3A_263 : i32 to vector<16xi32>
      %add3A_265 = arith.addi %iota3A, %add3A_264 : vector<16xi32>
      %eq3A_266 = vector.broadcast %add3A_247 : i32 to vector<16xi32>
      %eq3A_267 = arith.cmpi eq, %add3A_265, %eq3A_266 : vector<16xi32>
      %convert_element_type3A_268 = arith.sitofp %get3A_79 : vector<16xi32> to vector<16xf32>
      %jit3A_269 = arith.constant 0.000000e+00 : f32
      %broadcast_in_dim3A_270 = vector.broadcast %jit3A_269 : f32 to vector<16xf32>
      %select_n3A_271 = arith.select %eq3A_267, %convert_element_type3A_268, %broadcast_in_dim3A_270 : vector<16xi1>, vector<16xf32>
      %reduce_sum3A_272 = arith.constant true
      %reduce_sum3A_273 = vector.broadcast %reduce_sum3A_272 : i1 to vector<16xi1>
      %reduce_sum3A_274 = tpu.scan <sum>, %select_n3A_271 masked %reduce_sum3A_273 : vector<16xf32>, vector<16xi1> -> vector<16xf32>
      %reduce_sum3A_275 = vector.extract %reduce_sum3A_274[15] : f32 from vector<16xf32>
      %add3A_276 = arith.addf %add3A_262, %reduce_sum3A_275 : f32
      %add3A_277 = arith.constant 32 : i32
      %add3A_278 = vector.broadcast %add3A_277 : i32 to vector<16xi32>
      %add3A_279 = arith.addi %iota3A, %add3A_278 : vector<16xi32>
      %eq3A_280 = vector.broadcast %add3A_247 : i32 to vector<16xi32>
      %eq3A_281 = arith.cmpi eq, %add3A_279, %eq3A_280 : vector<16xi32>
      %convert_element_type3A_282 = arith.sitofp %get3A_81 : vector<16xi32> to vector<16xf32>
      %jit3A_283 = arith.constant 0.000000e+00 : f32
      %broadcast_in_dim3A_284 = vector.broadcast %jit3A_283 : f32 to vector<16xf32>
      %select_n3A_285 = arith.select %eq3A_281, %convert_element_type3A_282, %broadcast_in_dim3A_284 : vector<16xi1>, vector<16xf32>
      %reduce_sum3A_286 = arith.constant true
      %reduce_sum3A_287 = vector.broadcast %reduce_sum3A_286 : i1 to vector<16xi1>
      %reduce_sum3A_288 = tpu.scan <sum>, %select_n3A_285 masked %reduce_sum3A_287 : vector<16xf32>, vector<16xi1> -> vector<16xf32>
      %reduce_sum3A_289 = vector.extract %reduce_sum3A_288[15] : f32 from vector<16xf32>
      %add3A_290 = arith.addf %add3A_276, %reduce_sum3A_289 : f32
      %add3A_291 = arith.constant 48 : i32
      %add3A_292 = vector.broadcast %add3A_291 : i32 to vector<16xi32>
      %add3A_293 = arith.addi %iota3A, %add3A_292 : vector<16xi32>
      %eq3A_294 = vector.broadcast %add3A_247 : i32 to vector<16xi32>
      %eq3A_295 = arith.cmpi eq, %add3A_293, %eq3A_294 : vector<16xi32>
      %convert_element_type3A_296 = arith.sitofp %get3A_83 : vector<16xi32> to vector<16xf32>
      %jit3A_297 = arith.constant 0.000000e+00 : f32
      %broadcast_in_dim3A_298 = vector.broadcast %jit3A_297 : f32 to vector<16xf32>
      %select_n3A_299 = arith.select %eq3A_295, %convert_element_type3A_296, %broadcast_in_dim3A_298 : vector<16xi1>, vector<16xf32>
      %reduce_sum3A_300 = arith.constant true
      %reduce_sum3A_301 = vector.broadcast %reduce_sum3A_300 : i1 to vector<16xi1>
      %reduce_sum3A_302 = tpu.scan <sum>, %select_n3A_299 masked %reduce_sum3A_301 : vector<16xf32>, vector<16xi1> -> vector<16xf32>
      %reduce_sum3A_303 = vector.extract %reduce_sum3A_302[15] : f32 from vector<16xf32>
      %add3A_304 = arith.addf %add3A_290, %reduce_sum3A_303 : f32
      %add3A_305 = arith.constant 64 : i32
      %add3A_306 = vector.broadcast %add3A_305 : i32 to vector<16xi32>
      %add3A_307 = arith.addi %iota3A, %add3A_306 : vector<16xi32>
      %eq3A_308 = vector.broadcast %add3A_247 : i32 to vector<16xi32>
      %eq3A_309 = arith.cmpi eq, %add3A_307, %eq3A_308 : vector<16xi32>
      %convert_element_type3A_310 = arith.sitofp %get3A_85 : vector<16xi32> to vector<16xf32>
      %jit3A_311 = arith.constant 0.000000e+00 : f32
      %broadcast_in_dim3A_312 = vector.broadcast %jit3A_311 : f32 to vector<16xf32>
      %select_n3A_313 = arith.select %eq3A_309, %convert_element_type3A_310, %broadcast_in_dim3A_312 : vector<16xi1>, vector<16xf32>
      %reduce_sum3A_314 = arith.constant true
      %reduce_sum3A_315 = vector.broadcast %reduce_sum3A_314 : i1 to vector<16xi1>
      %reduce_sum3A_316 = tpu.scan <sum>, %select_n3A_313 masked %reduce_sum3A_315 : vector<16xf32>, vector<16xi1> -> vector<16xf32>
      %reduce_sum3A_317 = vector.extract %reduce_sum3A_316[15] : f32 from vector<16xf32>
      %add3A_318 = arith.addf %add3A_304, %reduce_sum3A_317 : f32
      %add3A_319 = arith.constant 80 : i32
      %add3A_320 = vector.broadcast %add3A_319 : i32 to vector<16xi32>
      %add3A_321 = arith.addi %iota3A, %add3A_320 : vector<16xi32>
      %eq3A_322 = vector.broadcast %add3A_247 : i32 to vector<16xi32>
      %eq3A_323 = arith.cmpi eq, %add3A_321, %eq3A_322 : vector<16xi32>
      %convert_element_type3A_324 = arith.sitofp %get3A_87 : vector<16xi32> to vector<16xf32>
      %jit3A_325 = arith.constant 0.000000e+00 : f32
      %broadcast_in_dim3A_326 = vector.broadcast %jit3A_325 : f32 to vector<16xf32>
      %select_n3A_327 = arith.select %eq3A_323, %convert_element_type3A_324, %broadcast_in_dim3A_326 : vector<16xi1>, vector<16xf32>
      %reduce_sum3A_328 = arith.constant true
      %reduce_sum3A_329 = vector.broadcast %reduce_sum3A_328 : i1 to vector<16xi1>
      %reduce_sum3A_330 = tpu.scan <sum>, %select_n3A_327 masked %reduce_sum3A_329 : vector<16xf32>, vector<16xi1> -> vector<16xf32>
      %reduce_sum3A_331 = vector.extract %reduce_sum3A_330[15] : f32 from vector<16xf32>
      %add3A_332 = arith.addf %add3A_318, %reduce_sum3A_331 : f32
      %add3A_333 = arith.constant 96 : i32
      %add3A_334 = vector.broadcast %add3A_333 : i32 to vector<16xi32>
      %add3A_335 = arith.addi %iota3A, %add3A_334 : vector<16xi32>
      %eq3A_336 = vector.broadcast %add3A_247 : i32 to vector<16xi32>
      %eq3A_337 = arith.cmpi eq, %add3A_335, %eq3A_336 : vector<16xi32>
      %convert_element_type3A_338 = arith.sitofp %get3A_89 : vector<16xi32> to vector<16xf32>
      %jit3A_339 = arith.constant 0.000000e+00 : f32
      %broadcast_in_dim3A_340 = vector.broadcast %jit3A_339 : f32 to vector<16xf32>
      %select_n3A_341 = arith.select %eq3A_337, %convert_element_type3A_338, %broadcast_in_dim3A_340 : vector<16xi1>, vector<16xf32>
      %reduce_sum3A_342 = arith.constant true
      %reduce_sum3A_343 = vector.broadcast %reduce_sum3A_342 : i1 to vector<16xi1>
      %reduce_sum3A_344 = tpu.scan <sum>, %select_n3A_341 masked %reduce_sum3A_343 : vector<16xf32>, vector<16xi1> -> vector<16xf32>
      %reduce_sum3A_345 = vector.extract %reduce_sum3A_344[15] : f32 from vector<16xf32>
      %add3A_346 = arith.addf %add3A_332, %reduce_sum3A_345 : f32
      %add3A_347 = arith.constant 112 : i32
      %add3A_348 = vector.broadcast %add3A_347 : i32 to vector<16xi32>
      %add3A_349 = arith.addi %iota3A, %add3A_348 : vector<16xi32>
      %eq3A_350 = vector.broadcast %add3A_247 : i32 to vector<16xi32>
      %eq3A_351 = arith.cmpi eq, %add3A_349, %eq3A_350 : vector<16xi32>
      %convert_element_type3A_352 = arith.sitofp %get3A_91 : vector<16xi32> to vector<16xf32>
      %jit3A_353 = arith.constant 0.000000e+00 : f32
      %broadcast_in_dim3A_354 = vector.broadcast %jit3A_353 : f32 to vector<16xf32>
      %select_n3A_355 = arith.select %eq3A_351, %convert_element_type3A_352, %broadcast_in_dim3A_354 : vector<16xi1>, vector<16xf32>
      %reduce_sum3A_356 = arith.constant true
      %reduce_sum3A_357 = vector.broadcast %reduce_sum3A_356 : i1 to vector<16xi1>
      %reduce_sum3A_358 = tpu.scan <sum>, %select_n3A_355 masked %reduce_sum3A_357 : vector<16xf32>, vector<16xi1> -> vector<16xf32>
      %reduce_sum3A_359 = vector.extract %reduce_sum3A_358[15] : f32 from vector<16xf32>
      %add3A_360 = arith.addf %add3A_346, %reduce_sum3A_359 : f32
      %add3A_361 = arith.constant 128 : i32
      %add3A_362 = vector.broadcast %add3A_361 : i32 to vector<16xi32>
      %add3A_363 = arith.addi %iota3A, %add3A_362 : vector<16xi32>
      %eq3A_364 = vector.broadcast %add3A_247 : i32 to vector<16xi32>
      %eq3A_365 = arith.cmpi eq, %add3A_363, %eq3A_364 : vector<16xi32>
      %convert_element_type3A_366 = arith.sitofp %get3A_93 : vector<16xi32> to vector<16xf32>
      %jit3A_367 = arith.constant 0.000000e+00 : f32
      %broadcast_in_dim3A_368 = vector.broadcast %jit3A_367 : f32 to vector<16xf32>
      %select_n3A_369 = arith.select %eq3A_365, %convert_element_type3A_366, %broadcast_in_dim3A_368 : vector<16xi1>, vector<16xf32>
      %reduce_sum3A_370 = arith.constant true
      %reduce_sum3A_371 = vector.broadcast %reduce_sum3A_370 : i1 to vector<16xi1>
      %reduce_sum3A_372 = tpu.scan <sum>, %select_n3A_369 masked %reduce_sum3A_371 : vector<16xf32>, vector<16xi1> -> vector<16xf32>
      %reduce_sum3A_373 = vector.extract %reduce_sum3A_372[15] : f32 from vector<16xf32>
      %add3A_374 = arith.addf %add3A_360, %reduce_sum3A_373 : f32
      %convert_element_type3A_375 = arith.fptosi %add3A_374 : f32 to i32
      %max3A = arith.maxsi %convert_element_type3A_245, %mul3A_2 : i32
      %min3A = arith.minsi %convert_element_type3A_375, %add3A_4 : i32
      %sub3A_376 = arith.subi %min3A, %max3A : i32
      %while3A_377 = arith.constant 0 : i32
      %while3A_378 = arith.constant 0 : i32
      %while3A_379 = arith.subi %while3A_117, %while3A_378 : i32
      %while3A_380 = arith.addi %while3A_378, %while3A_379 : i32
      %while3A_381 = arith.constant 1 : i32
      %while3A_382 = arith.divsi %while3A_379, %while3A_381 : i32
      %while3A_383 = arith.muli %while3A_382, %while3A_381 : i32
      %while3A_384 = arith.addi %while3A_378, %while3A_383 : i32
      %while3A_385 = arith.constant 1 : i32
      scf.for %while3A_418 = %while3A_378 to %while3A_384 step %while3A_385  : i32 {
        %dma_wait3A = arith.constant 0 : i32
        %dma_wait3A_419 = tpu.memref_slice %arg5[%dma_wait3A] : memref<12800000xf32, #tpu.memory_space<hbm>> -> memref<16384xf32, #tpu.memory_space<hbm>>
        %dma_wait3A_420 = arith.constant 0 : i32
        %dma_wait3A_421 = tpu.memref_slice %arg5[%dma_wait3A_420] : memref<12800000xf32, #tpu.memory_space<hbm>> -> memref<16384xf32, #tpu.memory_space<hbm>>
        tpu.wait_dma2 semaphore(%arg11 : memref<!tpu.dma_semaphore, #tpu.memory_space<semaphore_mem>>) src(%dma_wait3A_421 : memref<16384xf32, #tpu.memory_space<hbm>>) dst(%arg10 : memref<16384xf32, #tpu.memory_space<vmem>>)
      }
      %while3A_386 = arith.constant 1 : i32
      scf.for %while3A_418 = %while3A_384 to %while3A_380 step %while3A_386  : i32 {
        %dma_wait3A = arith.constant 0 : i32
        %dma_wait3A_419 = tpu.memref_slice %arg5[%dma_wait3A] : memref<12800000xf32, #tpu.memory_space<hbm>> -> memref<16384xf32, #tpu.memory_space<hbm>>
        %dma_wait3A_420 = arith.constant 0 : i32
        %dma_wait3A_421 = tpu.memref_slice %arg5[%dma_wait3A_420] : memref<12800000xf32, #tpu.memory_space<hbm>> -> memref<16384xf32, #tpu.memory_space<hbm>>
        tpu.wait_dma2 semaphore(%arg11 : memref<!tpu.dma_semaphore, #tpu.memory_space<semaphore_mem>>) src(%dma_wait3A_421 : memref<16384xf32, #tpu.memory_space<hbm>>) dst(%arg10 : memref<16384xf32, #tpu.memory_space<vmem>>)
      }
      %gt3A = arith.constant 0 : i32
      %gt3A_387 = arith.cmpi sgt, %sub3A_376, %gt3A : i32
      %jit3A_388 = arith.constant 128 : i32
      %div3A_389 = arith.divsi %sub3A_376, %jit3A_388 : i32
      %sign3A_390 = arith.constant 0 : i32
      %sign3A_391 = arith.cmpi sgt, %sub3A_376, %sign3A_390 : i32
      %sign3A_392 = arith.extui %sign3A_391 : i1 to i32
      %sign3A_393 = arith.constant 0 : i32
      %sign3A_394 = arith.cmpi slt, %sub3A_376, %sign3A_393 : i32
      %sign3A_395 = arith.extui %sign3A_394 : i1 to i32
      %sign3A_396 = arith.subi %sign3A_392, %sign3A_395 : i32
      %sign3A_397 = arith.constant 0 : i32
      %sign3A_398 = arith.cmpi sgt, %jit3A_388, %sign3A_397 : i32
      %sign3A_399 = arith.extui %sign3A_398 : i1 to i32
      %sign3A_400 = arith.constant 0 : i32
      %sign3A_401 = arith.cmpi slt, %jit3A_388, %sign3A_400 : i32
      %sign3A_402 = arith.extui %sign3A_401 : i1 to i32
      %sign3A_403 = arith.subi %sign3A_399, %sign3A_402 : i32
      %ne3A_404 = arith.cmpi ne, %sign3A_396, %sign3A_403 : i32
      %rem3A_405 = arith.remsi %sub3A_376, %jit3A_388 : i32
      %ne3A_406 = arith.constant 0 : i32
      %ne3A_407 = arith.cmpi ne, %rem3A_405, %ne3A_406 : i32
      %and3A_408 = arith.andi %ne3A_404, %ne3A_407 : i1
      %sub3A_409 = arith.constant 1 : i32
      %sub3A_410 = arith.subi %div3A_389, %sub3A_409 : i32
      %select_n3A_411 = arith.select %and3A_408, %sub3A_410, %div3A_389 : i32
      %jit3A_412 = arith.constant 0 : i32
      %select_n3A_413 = arith.select %gt3A_387, %select_n3A_411, %jit3A_412 : i32
      %gt3A_414 = arith.constant 0 : i32
      %gt3A_415 = arith.cmpi sgt, %sub3A_376, %gt3A_414 : i32
      %convert_element_type3A_416 = arith.extui %gt3A_415 : i1 to i32
      %cond3A = arith.constant 0 : i32
      %cond3A_417 = arith.cmpi ne, %convert_element_type3A_416, %cond3A : i32
      scf.if %cond3A_417 {
        %mul3A_418 = arith.constant 128 : i32
        %mul3A_419 = arith.muli %while3A_116, %mul3A_418 : i32
        "tpu.region"() ({
          %run_scoped3A = tpu.sem_alloc : memref<!tpu.dma_semaphore, #tpu.memory_space<semaphore_mem>>
          %dma_start3A = tpu.memref_slice %arg2[%mul3A_419] : memref<16384xf32, #tpu.memory_space<hbm>> -> memref<128xf32, #tpu.memory_space<hbm>>
          %dma_start3A_523 = tpu.memref_slice %arg2[%mul3A_419] : memref<16384xf32, #tpu.memory_space<hbm>> -> memref<128xf32, #tpu.memory_space<hbm>>
          tpu.enqueue_dma source(%dma_start3A_523 : memref<128xf32, #tpu.memory_space<hbm>>) target(%arg9 : memref<128xf32, #tpu.memory_space<vmem>>) target_semaphore(%run_scoped3A : memref<!tpu.dma_semaphore, #tpu.memory_space<semaphore_mem>>)
          %dma_wait3A = tpu.memref_slice %arg2[%mul3A_419] : memref<16384xf32, #tpu.memory_space<hbm>> -> memref<128xf32, #tpu.memory_space<hbm>>
          %dma_wait3A_524 = tpu.memref_slice %arg2[%mul3A_419] : memref<16384xf32, #tpu.memory_space<hbm>> -> memref<128xf32, #tpu.memory_space<hbm>>
          tpu.wait_dma2 semaphore(%run_scoped3A : memref<!tpu.dma_semaphore, #tpu.memory_space<semaphore_mem>>) src(%dma_wait3A_524 : memref<128xf32, #tpu.memory_space<hbm>>) dst(%arg9 : memref<128xf32, #tpu.memory_space<vmem>>)
          tpu.yield
        }) : () -> ()
        %get3A_420 = arith.constant 0 : index
        %get3A_421 = tpu.vector_load %arg9[%get3A_420] {strides = array<i32>} : memref<128xf32, #tpu.memory_space<vmem>>, vector<16xf32>,
        %get3A_422 = arith.constant 16 : index
        %get3A_423 = tpu.vector_load %arg9[%get3A_422] {strides = array<i32>} : memref<128xf32, #tpu.memory_space<vmem>>, vector<16xf32>,
        %get3A_424 = arith.constant 32 : index
        %get3A_425 = tpu.vector_load %arg9[%get3A_424] {strides = array<i32>} : memref<128xf32, #tpu.memory_space<vmem>>, vector<16xf32>,
        %get3A_426 = arith.constant 48 : index
        %get3A_427 = tpu.vector_load %arg9[%get3A_426] {strides = array<i32>} : memref<128xf32, #tpu.memory_space<vmem>>, vector<16xf32>,
        %get3A_428 = arith.constant 64 : index
        %get3A_429 = tpu.vector_load %arg9[%get3A_428] {strides = array<i32>} : memref<128xf32, #tpu.memory_space<vmem>>, vector<16xf32>,
        %get3A_430 = arith.constant 80 : index
        %get3A_431 = tpu.vector_load %arg9[%get3A_430] {strides = array<i32>} : memref<128xf32, #tpu.memory_space<vmem>>, vector<16xf32>,
        %get3A_432 = arith.constant 96 : index
        %get3A_433 = tpu.vector_load %arg9[%get3A_432] {strides = array<i32>} : memref<128xf32, #tpu.memory_space<vmem>>, vector<16xf32>,
        %get3A_434 = arith.constant 112 : index
        %get3A_435 = tpu.vector_load %arg9[%get3A_434] {strides = array<i32>} : memref<128xf32, #tpu.memory_space<vmem>>, vector<16xf32>,
        %min3A_436 = arith.constant 128 : i32
        %min3A_437 = arith.minsi %sub3A_376, %min3A_436 : i32
        %while3A_438 = arith.constant 0 : i32
        %while3A_439 = arith.constant 0 : i32
        %while3A_440 = arith.subi %min3A_437, %while3A_439 : i32
        %while3A_441 = arith.addi %while3A_439, %while3A_440 : i32
        %while3A_442 = arith.constant 1 : i32
        %while3A_443 = arith.divsi %while3A_440, %while3A_442 : i32
        %while3A_444 = arith.muli %while3A_443, %while3A_442 : i32
        %while3A_445 = arith.addi %while3A_439, %while3A_444 : i32
        %while3A_446 = arith.constant 1 : i32
        scf.for %while3A_523 = %while3A_439 to %while3A_445 step %while3A_446  : i32 {
          %mul3A_524 = arith.constant 128 : i32
          %mul3A_525 = arith.muli %while3A_523, %mul3A_524 : i32
          %add3A_526 = arith.constant 0 : i32
          %add3A_527 = arith.addi %mul3A_525, %add3A_526 : i32
          %swap3A = arith.index_cast %add3A_527 : i32 to index
          %swap3A_528 = tpu.vector_load %arg10[%swap3A] {strides = array<i32>} : memref<16384xf32, #tpu.memory_space<vmem>>, vector<16xf32>,
          tpu.vector_store %arg10[%swap3A], %get3A_421 {strides = array<i32>} : memref<16384xf32, #tpu.memory_space<vmem>>, vector<16xf32>,
          %mul3A_529 = arith.constant 128 : i32
          %mul3A_530 = arith.muli %while3A_523, %mul3A_529 : i32
          %add3A_531 = arith.constant 16 : i32
          %add3A_532 = arith.addi %mul3A_530, %add3A_531 : i32
          %swap3A_533 = arith.index_cast %add3A_532 : i32 to index
          %swap3A_534 = tpu.vector_load %arg10[%swap3A_533] {strides = array<i32>} : memref<16384xf32, #tpu.memory_space<vmem>>, vector<16xf32>,
          tpu.vector_store %arg10[%swap3A_533], %get3A_423 {strides = array<i32>} : memref<16384xf32, #tpu.memory_space<vmem>>, vector<16xf32>,
          %mul3A_535 = arith.constant 128 : i32
          %mul3A_536 = arith.muli %while3A_523, %mul3A_535 : i32
          %add3A_537 = arith.constant 32 : i32
          %add3A_538 = arith.addi %mul3A_536, %add3A_537 : i32
          %swap3A_539 = arith.index_cast %add3A_538 : i32 to index
          %swap3A_540 = tpu.vector_load %arg10[%swap3A_539] {strides = array<i32>} : memref<16384xf32, #tpu.memory_space<vmem>>, vector<16xf32>,
          tpu.vector_store %arg10[%swap3A_539], %get3A_425 {strides = array<i32>} : memref<16384xf32, #tpu.memory_space<vmem>>, vector<16xf32>,
          %mul3A_541 = arith.constant 128 : i32
          %mul3A_542 = arith.muli %while3A_523, %mul3A_541 : i32
          %add3A_543 = arith.constant 48 : i32
          %add3A_544 = arith.addi %mul3A_542, %add3A_543 : i32
          %swap3A_545 = arith.index_cast %add3A_544 : i32 to index
          %swap3A_546 = tpu.vector_load %arg10[%swap3A_545] {strides = array<i32>} : memref<16384xf32, #tpu.memory_space<vmem>>, vector<16xf32>,
          tpu.vector_store %arg10[%swap3A_545], %get3A_427 {strides = array<i32>} : memref<16384xf32, #tpu.memory_space<vmem>>, vector<16xf32>,
          %mul3A_547 = arith.constant 128 : i32
          %mul3A_548 = arith.muli %while3A_523, %mul3A_547 : i32
          %add3A_549 = arith.constant 64 : i32
          %add3A_550 = arith.addi %mul3A_548, %add3A_549 : i32
          %swap3A_551 = arith.index_cast %add3A_550 : i32 to index
          %swap3A_552 = tpu.vector_load %arg10[%swap3A_551] {strides = array<i32>} : memref<16384xf32, #tpu.memory_space<vmem>>, vector<16xf32>,
          tpu.vector_store %arg10[%swap3A_551], %get3A_429 {strides = array<i32>} : memref<16384xf32, #tpu.memory_space<vmem>>, vector<16xf32>,
          %mul3A_553 = arith.constant 128 : i32
          %mul3A_554 = arith.muli %while3A_523, %mul3A_553 : i32
          %add3A_555 = arith.constant 80 : i32
          %add3A_556 = arith.addi %mul3A_554, %add3A_555 : i32
          %swap3A_557 = arith.index_cast %add3A_556 : i32 to index
          %swap3A_558 = tpu.vector_load %arg10[%swap3A_557] {strides = array<i32>} : memref<16384xf32, #tpu.memory_space<vmem>>, vector<16xf32>,
          tpu.vector_store %arg10[%swap3A_557], %get3A_431 {strides = array<i32>} : memref<16384xf32, #tpu.memory_space<vmem>>, vector<16xf32>,
          %mul3A_559 = arith.constant 128 : i32
          %mul3A_560 = arith.muli %while3A_523, %mul3A_559 : i32
          %add3A_561 = arith.constant 96 : i32
          %add3A_562 = arith.addi %mul3A_560, %add3A_561 : i32
          %swap3A_563 = arith.index_cast %add3A_562 : i32 to index
          %swap3A_564 = tpu.vector_load %arg10[%swap3A_563] {strides = array<i32>} : memref<16384xf32, #tpu.memory_space<vmem>>, vector<16xf32>,
          tpu.vector_store %arg10[%swap3A_563], %get3A_433 {strides = array<i32>} : memref<16384xf32, #tpu.memory_space<vmem>>, vector<16xf32>,
          %mul3A_565 = arith.constant 128 : i32
          %mul3A_566 = arith.muli %while3A_523, %mul3A_565 : i32
          %add3A_567 = arith.constant 112 : i32
          %add3A_568 = arith.addi %mul3A_566, %add3A_567 : i32
          %swap3A_569 = arith.index_cast %add3A_568 : i32 to index
          %swap3A_570 = tpu.vector_load %arg10[%swap3A_569] {strides = array<i32>} : memref<16384xf32, #tpu.memory_space<vmem>>, vector<16xf32>,
          tpu.vector_store %arg10[%swap3A_569], %get3A_435 {strides = array<i32>} : memref<16384xf32, #tpu.memory_space<vmem>>, vector<16xf32>,
        }
        %while3A_447 = arith.constant 1 : i32
        scf.for %while3A_523 = %while3A_445 to %while3A_441 step %while3A_447  : i32 {
          %mul3A_524 = arith.constant 128 : i32
          %mul3A_525 = arith.muli %while3A_523, %mul3A_524 : i32
          %add3A_526 = arith.constant 0 : i32
          %add3A_527 = arith.addi %mul3A_525, %add3A_526 : i32
          %swap3A = arith.index_cast %add3A_527 : i32 to index
          %swap3A_528 = tpu.vector_load %arg10[%swap3A] {strides = array<i32>} : memref<16384xf32, #tpu.memory_space<vmem>>, vector<16xf32>,
          tpu.vector_store %arg10[%swap3A], %get3A_421 {strides = array<i32>} : memref<16384xf32, #tpu.memory_space<vmem>>, vector<16xf32>,
          %mul3A_529 = arith.constant 128 : i32
          %mul3A_530 = arith.muli %while3A_523, %mul3A_529 : i32
          %add3A_531 = arith.constant 16 : i32
          %add3A_532 = arith.addi %mul3A_530, %add3A_531 : i32
          %swap3A_533 = arith.index_cast %add3A_532 : i32 to index
          %swap3A_534 = tpu.vector_load %arg10[%swap3A_533] {strides = array<i32>} : memref<16384xf32, #tpu.memory_space<vmem>>, vector<16xf32>,
          tpu.vector_store %arg10[%swap3A_533], %get3A_423 {strides = array<i32>} : memref<16384xf32, #tpu.memory_space<vmem>>, vector<16xf32>,
          %mul3A_535 = arith.constant 128 : i32
          %mul3A_536 = arith.muli %while3A_523, %mul3A_535 : i32
          %add3A_537 = arith.constant 32 : i32
          %add3A_538 = arith.addi %mul3A_536, %add3A_537 : i32
          %swap3A_539 = arith.index_cast %add3A_538 : i32 to index
          %swap3A_540 = tpu.vector_load %arg10[%swap3A_539] {strides = array<i32>} : memref<16384xf32, #tpu.memory_space<vmem>>, vector<16xf32>,
          tpu.vector_store %arg10[%swap3A_539], %get3A_425 {strides = array<i32>} : memref<16384xf32, #tpu.memory_space<vmem>>, vector<16xf32>,
          %mul3A_541 = arith.constant 128 : i32
          %mul3A_542 = arith.muli %while3A_523, %mul3A_541 : i32
          %add3A_543 = arith.constant 48 : i32
          %add3A_544 = arith.addi %mul3A_542, %add3A_543 : i32
          %swap3A_545 = arith.index_cast %add3A_544 : i32 to index
          %swap3A_546 = tpu.vector_load %arg10[%swap3A_545] {strides = array<i32>} : memref<16384xf32, #tpu.memory_space<vmem>>, vector<16xf32>,
          tpu.vector_store %arg10[%swap3A_545], %get3A_427 {strides = array<i32>} : memref<16384xf32, #tpu.memory_space<vmem>>, vector<16xf32>,
          %mul3A_547 = arith.constant 128 : i32
          %mul3A_548 = arith.muli %while3A_523, %mul3A_547 : i32
          %add3A_549 = arith.constant 64 : i32
          %add3A_550 = arith.addi %mul3A_548, %add3A_549 : i32
          %swap3A_551 = arith.index_cast %add3A_550 : i32 to index
          %swap3A_552 = tpu.vector_load %arg10[%swap3A_551] {strides = array<i32>} : memref<16384xf32, #tpu.memory_space<vmem>>, vector<16xf32>,
          tpu.vector_store %arg10[%swap3A_551], %get3A_429 {strides = array<i32>} : memref<16384xf32, #tpu.memory_space<vmem>>, vector<16xf32>,
          %mul3A_553 = arith.constant 128 : i32
          %mul3A_554 = arith.muli %while3A_523, %mul3A_553 : i32
          %add3A_555 = arith.constant 80 : i32
          %add3A_556 = arith.addi %mul3A_554, %add3A_555 : i32
          %swap3A_557 = arith.index_cast %add3A_556 : i32 to index
          %swap3A_558 = tpu.vector_load %arg10[%swap3A_557] {strides = array<i32>} : memref<16384xf32, #tpu.memory_space<vmem>>, vector<16xf32>,
          tpu.vector_store %arg10[%swap3A_557], %get3A_431 {strides = array<i32>} : memref<16384xf32, #tpu.memory_space<vmem>>, vector<16xf32>,
          %mul3A_559 = arith.constant 128 : i32
          %mul3A_560 = arith.muli %while3A_523, %mul3A_559 : i32
          %add3A_561 = arith.constant 96 : i32
          %add3A_562 = arith.addi %mul3A_560, %add3A_561 : i32
          %swap3A_563 = arith.index_cast %add3A_562 : i32 to index
          %swap3A_564 = tpu.vector_load %arg10[%swap3A_563] {strides = array<i32>} : memref<16384xf32, #tpu.memory_space<vmem>>, vector<16xf32>,
          tpu.vector_store %arg10[%swap3A_563], %get3A_433 {strides = array<i32>} : memref<16384xf32, #tpu.memory_space<vmem>>, vector<16xf32>,
          %mul3A_565 = arith.constant 128 : i32
          %mul3A_566 = arith.muli %while3A_523, %mul3A_565 : i32
          %add3A_567 = arith.constant 112 : i32
          %add3A_568 = arith.addi %mul3A_566, %add3A_567 : i32
          %swap3A_569 = arith.index_cast %add3A_568 : i32 to index
          %swap3A_570 = tpu.vector_load %arg10[%swap3A_569] {strides = array<i32>} : memref<16384xf32, #tpu.memory_space<vmem>>, vector<16xf32>,
          tpu.vector_store %arg10[%swap3A_569], %get3A_435 {strides = array<i32>} : memref<16384xf32, #tpu.memory_space<vmem>>, vector<16xf32>,
        }
        %while3A_448 = arith.constant 0 : i32
        %while3A_449 = arith.constant 0 : i32
        %while3A_450 = arith.subi %select_n3A_413, %while3A_449 : i32
        %while3A_451 = arith.addi %while3A_449, %while3A_450 : i32
        %while3A_452 = arith.constant 1 : i32
        %while3A_453 = arith.divsi %while3A_450, %while3A_452 : i32
        %while3A_454 = arith.muli %while3A_453, %while3A_452 : i32
        %while3A_455 = arith.addi %while3A_449, %while3A_454 : i32
        %while3A_456 = arith.constant 1 : i32
        scf.for %while3A_523 = %while3A_449 to %while3A_455 step %while3A_456  : i32 {
          %mul3A_524 = arith.constant 128 : i32
          %mul3A_525 = arith.muli %while3A_523, %mul3A_524 : i32
          %add3A_526 = arith.addi %max3A, %mul3A_525 : i32
          %mul3A_527 = arith.constant 128 : i32
          %mul3A_528 = arith.muli %add3A_526, %mul3A_527 : i32
          %dma_start3A = arith.constant 0 : i32
          %dma_start3A_529 = tpu.memref_slice %arg10[%dma_start3A] : memref<16384xf32, #tpu.memory_space<vmem>> -> memref<16384xf32, #tpu.memory_space<vmem>>
          %dma_start3A_530 = tpu.memref_slice %arg5[%mul3A_528] : memref<12800000xf32, #tpu.memory_space<hbm>> -> memref<16384xf32, #tpu.memory_space<hbm>>
          %dma_start3A_531 = tpu.memref_slice %arg5[%mul3A_528] : memref<12800000xf32, #tpu.memory_space<hbm>> -> memref<16384xf32, #tpu.memory_space<hbm>>
          %dma_start3A_532 = arith.constant 0 : i32
          %dma_start3A_533 = tpu.memref_slice %arg10[%dma_start3A_532] : memref<16384xf32, #tpu.memory_space<vmem>> -> memref<16384xf32, #tpu.memory_space<vmem>>
          tpu.enqueue_dma source(%dma_start3A_533 : memref<16384xf32, #tpu.memory_space<vmem>>) target(%dma_start3A_531 : memref<16384xf32, #tpu.memory_space<hbm>>) target_semaphore(%arg11 : memref<!tpu.dma_semaphore, #tpu.memory_space<semaphore_mem>>)
        }
        %while3A_457 = arith.constant 1 : i32
        scf.for %while3A_523 = %while3A_455 to %while3A_451 step %while3A_457  : i32 {
          %mul3A_524 = arith.constant 128 : i32
          %mul3A_525 = arith.muli %while3A_523, %mul3A_524 : i32
          %add3A_526 = arith.addi %max3A, %mul3A_525 : i32
          %mul3A_527 = arith.constant 128 : i32
          %mul3A_528 = arith.muli %add3A_526, %mul3A_527 : i32
          %dma_start3A = arith.constant 0 : i32
          %dma_start3A_529 = tpu.memref_slice %arg10[%dma_start3A] : memref<16384xf32, #tpu.memory_space<vmem>> -> memref<16384xf32, #tpu.memory_space<vmem>>
          %dma_start3A_530 = tpu.memref_slice %arg5[%mul3A_528] : memref<12800000xf32, #tpu.memory_space<hbm>> -> memref<16384xf32, #tpu.memory_space<hbm>>
          %dma_start3A_531 = tpu.memref_slice %arg5[%mul3A_528] : memref<12800000xf32, #tpu.memory_space<hbm>> -> memref<16384xf32, #tpu.memory_space<hbm>>
          %dma_start3A_532 = arith.constant 0 : i32
          %dma_start3A_533 = tpu.memref_slice %arg10[%dma_start3A_532] : memref<16384xf32, #tpu.memory_space<vmem>> -> memref<16384xf32, #tpu.memory_space<vmem>>
          tpu.enqueue_dma source(%dma_start3A_533 : memref<16384xf32, #tpu.memory_space<vmem>>) target(%dma_start3A_531 : memref<16384xf32, #tpu.memory_space<hbm>>) target_semaphore(%arg11 : memref<!tpu.dma_semaphore, #tpu.memory_space<semaphore_mem>>)
        }
        %mul3A_458 = arith.constant 128 : i32
        %mul3A_459 = arith.muli %select_n3A_413, %mul3A_458 : i32
        %sub3A_460 = arith.subi %sub3A_376, %mul3A_459 : i32
        %ge3A = arith.constant 128 : i32
        %ge3A_461 = arith.cmpi sge, %sub3A_376, %ge3A : i32
        %gt3A_462 = arith.constant 0 : i32
        %gt3A_463 = arith.cmpi sgt, %sub3A_460, %gt3A_462 : i32
        %and3A_464 = arith.andi %ge3A_461, %gt3A_463 : i1
        %convert_element_type3A_465 = arith.extui %and3A_464 : i1 to i32
        %cond3A_466 = arith.constant 0 : i32
        %cond3A_467 = arith.cmpi ne, %convert_element_type3A_465, %cond3A_466 : i32
        scf.if %cond3A_467 {
          %sub3A_523 = arith.constant 128 : i32
          %sub3A_524 = arith.subi %min3A, %sub3A_523 : i32
          %mul3A_525 = arith.constant 128 : i32
          %mul3A_526 = arith.muli %sub3A_524, %mul3A_525 : i32
          "tpu.region"() ({
            %run_scoped3A = tpu.sem_alloc : memref<!tpu.dma_semaphore, #tpu.memory_space<semaphore_mem>>
            %dma_start3A = arith.constant 0 : i32
            %dma_start3A_527 = tpu.memref_slice %arg10[%dma_start3A] : memref<16384xf32, #tpu.memory_space<vmem>> -> memref<16384xf32, #tpu.memory_space<vmem>>
            %dma_start3A_528 = tpu.memref_slice %arg5[%mul3A_526] : memref<12800000xf32, #tpu.memory_space<hbm>> -> memref<16384xf32, #tpu.memory_space<hbm>>
            %dma_start3A_529 = tpu.memref_slice %arg5[%mul3A_526] : memref<12800000xf32, #tpu.memory_space<hbm>> -> memref<16384xf32, #tpu.memory_space<hbm>>
            %dma_start3A_530 = arith.constant 0 : i32
            %dma_start3A_531 = tpu.memref_slice %arg10[%dma_start3A_530] : memref<16384xf32, #tpu.memory_space<vmem>> -> memref<16384xf32, #tpu.memory_space<vmem>>
            tpu.enqueue_dma source(%dma_start3A_531 : memref<16384xf32, #tpu.memory_space<vmem>>) target(%dma_start3A_529 : memref<16384xf32, #tpu.memory_space<hbm>>) target_semaphore(%run_scoped3A : memref<!tpu.dma_semaphore, #tpu.memory_space<semaphore_mem>>)
            %dma_wait3A = arith.constant 0 : i32
            %dma_wait3A_532 = tpu.memref_slice %arg10[%dma_wait3A] : memref<16384xf32, #tpu.memory_space<vmem>> -> memref<16384xf32, #tpu.memory_space<vmem>>
            %dma_wait3A_533 = tpu.memref_slice %arg5[%mul3A_526] : memref<12800000xf32, #tpu.memory_space<hbm>> -> memref<16384xf32, #tpu.memory_space<hbm>>
            %dma_wait3A_534 = tpu.memref_slice %arg5[%mul3A_526] : memref<12800000xf32, #tpu.memory_space<hbm>> -> memref<16384xf32, #tpu.memory_space<hbm>>
            %dma_wait3A_535 = arith.constant 0 : i32
            %dma_wait3A_536 = tpu.memref_slice %arg10[%dma_wait3A_535] : memref<16384xf32, #tpu.memory_space<vmem>> -> memref<16384xf32, #tpu.memory_space<vmem>>
            tpu.wait_dma2 semaphore(%run_scoped3A : memref<!tpu.dma_semaphore, #tpu.memory_space<semaphore_mem>>) src(%dma_wait3A_536 : memref<16384xf32, #tpu.memory_space<vmem>>) dst(%dma_wait3A_534 : memref<16384xf32, #tpu.memory_space<hbm>>)
            tpu.yield
          }) : () -> ()
        } else {
        }
        %ge3A_468 = arith.constant 64 : i32
        %ge3A_469 = arith.cmpi sge, %sub3A_376, %ge3A_468 : i32
        %lt3A = arith.constant 128 : i32
        %lt3A_470 = arith.cmpi slt, %sub3A_376, %lt3A : i32
        %and3A_471 = arith.andi %ge3A_469, %lt3A_470 : i1
        %convert_element_type3A_472 = arith.extui %and3A_471 : i1 to i32
        %cond3A_473 = arith.constant 0 : i32
        %cond3A_474 = arith.cmpi ne, %convert_element_type3A_472, %cond3A_473 : i32
        scf.if %cond3A_474 {
          %mul3A_523 = arith.constant 128 : i32
          %mul3A_524 = arith.muli %max3A, %mul3A_523 : i32
          "tpu.region"() ({
            %run_scoped3A = tpu.sem_alloc : memref<!tpu.dma_semaphore, #tpu.memory_space<semaphore_mem>>
            %dma_start3A = arith.constant 0 : i32
            %dma_start3A_529 = tpu.memref_slice %arg10[%dma_start3A] : memref<16384xf32, #tpu.memory_space<vmem>> -> memref<8192xf32, #tpu.memory_space<vmem>>
            %dma_start3A_530 = tpu.memref_slice %arg5[%mul3A_524] : memref<12800000xf32, #tpu.memory_space<hbm>> -> memref<8192xf32, #tpu.memory_space<hbm>>
            %dma_start3A_531 = tpu.memref_slice %arg5[%mul3A_524] : memref<12800000xf32, #tpu.memory_space<hbm>> -> memref<8192xf32, #tpu.memory_space<hbm>>
            %dma_start3A_532 = arith.constant 0 : i32
            %dma_start3A_533 = tpu.memref_slice %arg10[%dma_start3A_532] : memref<16384xf32, #tpu.memory_space<vmem>> -> memref<8192xf32, #tpu.memory_space<vmem>>
            tpu.enqueue_dma source(%dma_start3A_533 : memref<8192xf32, #tpu.memory_space<vmem>>) target(%dma_start3A_531 : memref<8192xf32, #tpu.memory_space<hbm>>) target_semaphore(%run_scoped3A : memref<!tpu.dma_semaphore, #tpu.memory_space<semaphore_mem>>)
            %dma_wait3A = arith.constant 0 : i32
            %dma_wait3A_534 = tpu.memref_slice %arg10[%dma_wait3A] : memref<16384xf32, #tpu.memory_space<vmem>> -> memref<8192xf32, #tpu.memory_space<vmem>>
            %dma_wait3A_535 = tpu.memref_slice %arg5[%mul3A_524] : memref<12800000xf32, #tpu.memory_space<hbm>> -> memref<8192xf32, #tpu.memory_space<hbm>>
            %dma_wait3A_536 = tpu.memref_slice %arg5[%mul3A_524] : memref<12800000xf32, #tpu.memory_space<hbm>> -> memref<8192xf32, #tpu.memory_space<hbm>>
            %dma_wait3A_537 = arith.constant 0 : i32
            %dma_wait3A_538 = tpu.memref_slice %arg10[%dma_wait3A_537] : memref<16384xf32, #tpu.memory_space<vmem>> -> memref<8192xf32, #tpu.memory_space<vmem>>
            tpu.wait_dma2 semaphore(%run_scoped3A : memref<!tpu.dma_semaphore, #tpu.memory_space<semaphore_mem>>) src(%dma_wait3A_538 : memref<8192xf32, #tpu.memory_space<vmem>>) dst(%dma_wait3A_536 : memref<8192xf32, #tpu.memory_space<hbm>>)
            tpu.yield
          }) : () -> ()
          %sub3A_525 = arith.constant 64 : i32
          %sub3A_526 = arith.subi %min3A, %sub3A_525 : i32
          %mul3A_527 = arith.constant 128 : i32
          %mul3A_528 = arith.muli %sub3A_526, %mul3A_527 : i32
          "tpu.region"() ({
            %run_scoped3A = tpu.sem_alloc : memref<!tpu.dma_semaphore, #tpu.memory_space<semaphore_mem>>
            %dma_start3A = arith.constant 0 : i32
            %dma_start3A_529 = tpu.memref_slice %arg10[%dma_start3A] : memref<16384xf32, #tpu.memory_space<vmem>> -> memref<8192xf32, #tpu.memory_space<vmem>>
            %dma_start3A_530 = tpu.memref_slice %arg5[%mul3A_528] : memref<12800000xf32, #tpu.memory_space<hbm>> -> memref<8192xf32, #tpu.memory_space<hbm>>
            %dma_start3A_531 = tpu.memref_slice %arg5[%mul3A_528] : memref<12800000xf32, #tpu.memory_space<hbm>> -> memref<8192xf32, #tpu.memory_space<hbm>>
            %dma_start3A_532 = arith.constant 0 : i32
            %dma_start3A_533 = tpu.memref_slice %arg10[%dma_start3A_532] : memref<16384xf32, #tpu.memory_space<vmem>> -> memref<8192xf32, #tpu.memory_space<vmem>>
            tpu.enqueue_dma source(%dma_start3A_533 : memref<8192xf32, #tpu.memory_space<vmem>>) target(%dma_start3A_531 : memref<8192xf32, #tpu.memory_space<hbm>>) target_semaphore(%run_scoped3A : memref<!tpu.dma_semaphore, #tpu.memory_space<semaphore_mem>>)
            %dma_wait3A = arith.constant 0 : i32
            %dma_wait3A_534 = tpu.memref_slice %arg10[%dma_wait3A] : memref<16384xf32, #tpu.memory_space<vmem>> -> memref<8192xf32, #tpu.memory_space<vmem>>
            %dma_wait3A_535 = tpu.memref_slice %arg5[%mul3A_528] : memref<12800000xf32, #tpu.memory_space<hbm>> -> memref<8192xf32, #tpu.memory_space<hbm>>
            %dma_wait3A_536 = tpu.memref_slice %arg5[%mul3A_528] : memref<12800000xf32, #tpu.memory_space<hbm>> -> memref<8192xf32, #tpu.memory_space<hbm>>
            %dma_wait3A_537 = arith.constant 0 : i32
            %dma_wait3A_538 = tpu.memref_slice %arg10[%dma_wait3A_537] : memref<16384xf32, #tpu.memory_space<vmem>> -> memref<8192xf32, #tpu.memory_space<vmem>>
            tpu.wait_dma2 semaphore(%run_scoped3A : memref<!tpu.dma_semaphore, #tpu.memory_space<semaphore_mem>>) src(%dma_wait3A_538 : memref<8192xf32, #tpu.memory_space<vmem>>) dst(%dma_wait3A_536 : memref<8192xf32, #tpu.memory_space<hbm>>)
            tpu.yield
          }) : () -> ()
        } else {
        }
        %ge3A_475 = arith.constant 32 : i32
        %ge3A_476 = arith.cmpi sge, %sub3A_376, %ge3A_475 : i32
        %lt3A_477 = arith.constant 64 : i32
        %lt3A_478 = arith.cmpi slt, %sub3A_376, %lt3A_477 : i32
        %and3A_479 = arith.andi %ge3A_476, %lt3A_478 : i1
        %convert_element_type3A_480 = arith.extui %and3A_479 : i1 to i32
        %cond3A_481 = arith.constant 0 : i32
        %cond3A_482 = arith.cmpi ne, %convert_element_type3A_480, %cond3A_481 : i32
        scf.if %cond3A_482 {
          %mul3A_523 = arith.constant 128 : i32
          %mul3A_524 = arith.muli %max3A, %mul3A_523 : i32
          "tpu.region"() ({
            %run_scoped3A = tpu.sem_alloc : memref<!tpu.dma_semaphore, #tpu.memory_space<semaphore_mem>>
            %dma_start3A = arith.constant 0 : i32
            %dma_start3A_529 = tpu.memref_slice %arg10[%dma_start3A] : memref<16384xf32, #tpu.memory_space<vmem>> -> memref<4096xf32, #tpu.memory_space<vmem>>
            %dma_start3A_530 = tpu.memref_slice %arg5[%mul3A_524] : memref<12800000xf32, #tpu.memory_space<hbm>> -> memref<4096xf32, #tpu.memory_space<hbm>>
            %dma_start3A_531 = tpu.memref_slice %arg5[%mul3A_524] : memref<12800000xf32, #tpu.memory_space<hbm>> -> memref<4096xf32, #tpu.memory_space<hbm>>
            %dma_start3A_532 = arith.constant 0 : i32
            %dma_start3A_533 = tpu.memref_slice %arg10[%dma_start3A_532] : memref<16384xf32, #tpu.memory_space<vmem>> -> memref<4096xf32, #tpu.memory_space<vmem>>
            tpu.enqueue_dma source(%dma_start3A_533 : memref<4096xf32, #tpu.memory_space<vmem>>) target(%dma_start3A_531 : memref<4096xf32, #tpu.memory_space<hbm>>) target_semaphore(%run_scoped3A : memref<!tpu.dma_semaphore, #tpu.memory_space<semaphore_mem>>)
            %dma_wait3A = arith.constant 0 : i32
            %dma_wait3A_534 = tpu.memref_slice %arg10[%dma_wait3A] : memref<16384xf32, #tpu.memory_space<vmem>> -> memref<4096xf32, #tpu.memory_space<vmem>>
            %dma_wait3A_535 = tpu.memref_slice %arg5[%mul3A_524] : memref<12800000xf32, #tpu.memory_space<hbm>> -> memref<4096xf32, #tpu.memory_space<hbm>>
            %dma_wait3A_536 = tpu.memref_slice %arg5[%mul3A_524] : memref<12800000xf32, #tpu.memory_space<hbm>> -> memref<4096xf32, #tpu.memory_space<hbm>>
            %dma_wait3A_537 = arith.constant 0 : i32
            %dma_wait3A_538 = tpu.memref_slice %arg10[%dma_wait3A_537] : memref<16384xf32, #tpu.memory_space<vmem>> -> memref<4096xf32, #tpu.memory_space<vmem>>
            tpu.wait_dma2 semaphore(%run_scoped3A : memref<!tpu.dma_semaphore, #tpu.memory_space<semaphore_mem>>) src(%dma_wait3A_538 : memref<4096xf32, #tpu.memory_space<vmem>>) dst(%dma_wait3A_536 : memref<4096xf32, #tpu.memory_space<hbm>>)
            tpu.yield
          }) : () -> ()
          %sub3A_525 = arith.constant 32 : i32
          %sub3A_526 = arith.subi %min3A, %sub3A_525 : i32
          %mul3A_527 = arith.constant 128 : i32
          %mul3A_528 = arith.muli %sub3A_526, %mul3A_527 : i32
          "tpu.region"() ({
            %run_scoped3A = tpu.sem_alloc : memref<!tpu.dma_semaphore, #tpu.memory_space<semaphore_mem>>
            %dma_start3A = arith.constant 0 : i32
            %dma_start3A_529 = tpu.memref_slice %arg10[%dma_start3A] : memref<16384xf32, #tpu.memory_space<vmem>> -> memref<4096xf32, #tpu.memory_space<vmem>>
            %dma_start3A_530 = tpu.memref_slice %arg5[%mul3A_528] : memref<12800000xf32, #tpu.memory_space<hbm>> -> memref<4096xf32, #tpu.memory_space<hbm>>
            %dma_start3A_531 = tpu.memref_slice %arg5[%mul3A_528] : memref<12800000xf32, #tpu.memory_space<hbm>> -> memref<4096xf32, #tpu.memory_space<hbm>>
            %dma_start3A_532 = arith.constant 0 : i32
            %dma_start3A_533 = tpu.memref_slice %arg10[%dma_start3A_532] : memref<16384xf32, #tpu.memory_space<vmem>> -> memref<4096xf32, #tpu.memory_space<vmem>>
            tpu.enqueue_dma source(%dma_start3A_533 : memref<4096xf32, #tpu.memory_space<vmem>>) target(%dma_start3A_531 : memref<4096xf32, #tpu.memory_space<hbm>>) target_semaphore(%run_scoped3A : memref<!tpu.dma_semaphore, #tpu.memory_space<semaphore_mem>>)
            %dma_wait3A = arith.constant 0 : i32
            %dma_wait3A_534 = tpu.memref_slice %arg10[%dma_wait3A] : memref<16384xf32, #tpu.memory_space<vmem>> -> memref<4096xf32, #tpu.memory_space<vmem>>
            %dma_wait3A_535 = tpu.memref_slice %arg5[%mul3A_528] : memref<12800000xf32, #tpu.memory_space<hbm>> -> memref<4096xf32, #tpu.memory_space<hbm>>
            %dma_wait3A_536 = tpu.memref_slice %arg5[%mul3A_528] : memref<12800000xf32, #tpu.memory_space<hbm>> -> memref<4096xf32, #tpu.memory_space<hbm>>
            %dma_wait3A_537 = arith.constant 0 : i32
            %dma_wait3A_538 = tpu.memref_slice %arg10[%dma_wait3A_537] : memref<16384xf32, #tpu.memory_space<vmem>> -> memref<4096xf32, #tpu.memory_space<vmem>>
            tpu.wait_dma2 semaphore(%run_scoped3A : memref<!tpu.dma_semaphore, #tpu.memory_space<semaphore_mem>>) src(%dma_wait3A_538 : memref<4096xf32, #tpu.memory_space<vmem>>) dst(%dma_wait3A_536 : memref<4096xf32, #tpu.memory_space<hbm>>)
            tpu.yield
          }) : () -> ()
        } else {
        }
        %ge3A_483 = arith.constant 16 : i32
        %ge3A_484 = arith.cmpi sge, %sub3A_376, %ge3A_483 : i32
        %lt3A_485 = arith.constant 32 : i32
        %lt3A_486 = arith.cmpi slt, %sub3A_376, %lt3A_485 : i32
        %and3A_487 = arith.andi %ge3A_484, %lt3A_486 : i1
        %convert_element_type3A_488 = arith.extui %and3A_487 : i1 to i32
        %cond3A_489 = arith.constant 0 : i32
        %cond3A_490 = arith.cmpi ne, %convert_element_type3A_488, %cond3A_489 : i32
        scf.if %cond3A_490 {
          %mul3A_523 = arith.constant 128 : i32
          %mul3A_524 = arith.muli %max3A, %mul3A_523 : i32
          "tpu.region"() ({
            %run_scoped3A = tpu.sem_alloc : memref<!tpu.dma_semaphore, #tpu.memory_space<semaphore_mem>>
            %dma_start3A = arith.constant 0 : i32
            %dma_start3A_529 = tpu.memref_slice %arg10[%dma_start3A] : memref<16384xf32, #tpu.memory_space<vmem>> -> memref<2048xf32, #tpu.memory_space<vmem>>
            %dma_start3A_530 = tpu.memref_slice %arg5[%mul3A_524] : memref<12800000xf32, #tpu.memory_space<hbm>> -> memref<2048xf32, #tpu.memory_space<hbm>>
            %dma_start3A_531 = tpu.memref_slice %arg5[%mul3A_524] : memref<12800000xf32, #tpu.memory_space<hbm>> -> memref<2048xf32, #tpu.memory_space<hbm>>
            %dma_start3A_532 = arith.constant 0 : i32
            %dma_start3A_533 = tpu.memref_slice %arg10[%dma_start3A_532] : memref<16384xf32, #tpu.memory_space<vmem>> -> memref<2048xf32, #tpu.memory_space<vmem>>
            tpu.enqueue_dma source(%dma_start3A_533 : memref<2048xf32, #tpu.memory_space<vmem>>) target(%dma_start3A_531 : memref<2048xf32, #tpu.memory_space<hbm>>) target_semaphore(%run_scoped3A : memref<!tpu.dma_semaphore, #tpu.memory_space<semaphore_mem>>)
            %dma_wait3A = arith.constant 0 : i32
            %dma_wait3A_534 = tpu.memref_slice %arg10[%dma_wait3A] : memref<16384xf32, #tpu.memory_space<vmem>> -> memref<2048xf32, #tpu.memory_space<vmem>>
            %dma_wait3A_535 = tpu.memref_slice %arg5[%mul3A_524] : memref<12800000xf32, #tpu.memory_space<hbm>> -> memref<2048xf32, #tpu.memory_space<hbm>>
            %dma_wait3A_536 = tpu.memref_slice %arg5[%mul3A_524] : memref<12800000xf32, #tpu.memory_space<hbm>> -> memref<2048xf32, #tpu.memory_space<hbm>>
            %dma_wait3A_537 = arith.constant 0 : i32
            %dma_wait3A_538 = tpu.memref_slice %arg10[%dma_wait3A_537] : memref<16384xf32, #tpu.memory_space<vmem>> -> memref<2048xf32, #tpu.memory_space<vmem>>
            tpu.wait_dma2 semaphore(%run_scoped3A : memref<!tpu.dma_semaphore, #tpu.memory_space<semaphore_mem>>) src(%dma_wait3A_538 : memref<2048xf32, #tpu.memory_space<vmem>>) dst(%dma_wait3A_536 : memref<2048xf32, #tpu.memory_space<hbm>>)
            tpu.yield
          }) : () -> ()
          %sub3A_525 = arith.constant 16 : i32
          %sub3A_526 = arith.subi %min3A, %sub3A_525 : i32
          %mul3A_527 = arith.constant 128 : i32
          %mul3A_528 = arith.muli %sub3A_526, %mul3A_527 : i32
          "tpu.region"() ({
            %run_scoped3A = tpu.sem_alloc : memref<!tpu.dma_semaphore, #tpu.memory_space<semaphore_mem>>
            %dma_start3A = arith.constant 0 : i32
            %dma_start3A_529 = tpu.memref_slice %arg10[%dma_start3A] : memref<16384xf32, #tpu.memory_space<vmem>> -> memref<2048xf32, #tpu.memory_space<vmem>>
            %dma_start3A_530 = tpu.memref_slice %arg5[%mul3A_528] : memref<12800000xf32, #tpu.memory_space<hbm>> -> memref<2048xf32, #tpu.memory_space<hbm>>
            %dma_start3A_531 = tpu.memref_slice %arg5[%mul3A_528] : memref<12800000xf32, #tpu.memory_space<hbm>> -> memref<2048xf32, #tpu.memory_space<hbm>>
            %dma_start3A_532 = arith.constant 0 : i32
            %dma_start3A_533 = tpu.memref_slice %arg10[%dma_start3A_532] : memref<16384xf32, #tpu.memory_space<vmem>> -> memref<2048xf32, #tpu.memory_space<vmem>>
            tpu.enqueue_dma source(%dma_start3A_533 : memref<2048xf32, #tpu.memory_space<vmem>>) target(%dma_start3A_531 : memref<2048xf32, #tpu.memory_space<hbm>>) target_semaphore(%run_scoped3A : memref<!tpu.dma_semaphore, #tpu.memory_space<semaphore_mem>>)
            %dma_wait3A = arith.constant 0 : i32
            %dma_wait3A_534 = tpu.memref_slice %arg10[%dma_wait3A] : memref<16384xf32, #tpu.memory_space<vmem>> -> memref<2048xf32, #tpu.memory_space<vmem>>
            %dma_wait3A_535 = tpu.memref_slice %arg5[%mul3A_528] : memref<12800000xf32, #tpu.memory_space<hbm>> -> memref<2048xf32, #tpu.memory_space<hbm>>
            %dma_wait3A_536 = tpu.memref_slice %arg5[%mul3A_528] : memref<12800000xf32, #tpu.memory_space<hbm>> -> memref<2048xf32, #tpu.memory_space<hbm>>
            %dma_wait3A_537 = arith.constant 0 : i32
            %dma_wait3A_538 = tpu.memref_slice %arg10[%dma_wait3A_537] : memref<16384xf32, #tpu.memory_space<vmem>> -> memref<2048xf32, #tpu.memory_space<vmem>>
            tpu.wait_dma2 semaphore(%run_scoped3A : memref<!tpu.dma_semaphore, #tpu.memory_space<semaphore_mem>>) src(%dma_wait3A_538 : memref<2048xf32, #tpu.memory_space<vmem>>) dst(%dma_wait3A_536 : memref<2048xf32, #tpu.memory_space<hbm>>)
            tpu.yield
          }) : () -> ()
        } else {
        }
        %ge3A_491 = arith.constant 8 : i32
        %ge3A_492 = arith.cmpi sge, %sub3A_376, %ge3A_491 : i32
        %lt3A_493 = arith.constant 16 : i32
        %lt3A_494 = arith.cmpi slt, %sub3A_376, %lt3A_493 : i32
        %and3A_495 = arith.andi %ge3A_492, %lt3A_494 : i1
        %convert_element_type3A_496 = arith.extui %and3A_495 : i1 to i32
        %cond3A_497 = arith.constant 0 : i32
        %cond3A_498 = arith.cmpi ne, %convert_element_type3A_496, %cond3A_497 : i32
        scf.if %cond3A_498 {
          %mul3A_523 = arith.constant 128 : i32
          %mul3A_524 = arith.muli %max3A, %mul3A_523 : i32
          "tpu.region"() ({
            %run_scoped3A = tpu.sem_alloc : memref<!tpu.dma_semaphore, #tpu.memory_space<semaphore_mem>>
            %dma_start3A = arith.constant 0 : i32
            %dma_start3A_529 = tpu.memref_slice %arg10[%dma_start3A] : memref<16384xf32, #tpu.memory_space<vmem>> -> memref<1024xf32, #tpu.memory_space<vmem>>
            %dma_start3A_530 = tpu.memref_slice %arg5[%mul3A_524] : memref<12800000xf32, #tpu.memory_space<hbm>> -> memref<1024xf32, #tpu.memory_space<hbm>>
            %dma_start3A_531 = tpu.memref_slice %arg5[%mul3A_524] : memref<12800000xf32, #tpu.memory_space<hbm>> -> memref<1024xf32, #tpu.memory_space<hbm>>
            %dma_start3A_532 = arith.constant 0 : i32
            %dma_start3A_533 = tpu.memref_slice %arg10[%dma_start3A_532] : memref<16384xf32, #tpu.memory_space<vmem>> -> memref<1024xf32, #tpu.memory_space<vmem>>
            tpu.enqueue_dma source(%dma_start3A_533 : memref<1024xf32, #tpu.memory_space<vmem>>) target(%dma_start3A_531 : memref<1024xf32, #tpu.memory_space<hbm>>) target_semaphore(%run_scoped3A : memref<!tpu.dma_semaphore, #tpu.memory_space<semaphore_mem>>)
            %dma_wait3A = arith.constant 0 : i32
            %dma_wait3A_534 = tpu.memref_slice %arg10[%dma_wait3A] : memref<16384xf32, #tpu.memory_space<vmem>> -> memref<1024xf32, #tpu.memory_space<vmem>>
            %dma_wait3A_535 = tpu.memref_slice %arg5[%mul3A_524] : memref<12800000xf32, #tpu.memory_space<hbm>> -> memref<1024xf32, #tpu.memory_space<hbm>>
            %dma_wait3A_536 = tpu.memref_slice %arg5[%mul3A_524] : memref<12800000xf32, #tpu.memory_space<hbm>> -> memref<1024xf32, #tpu.memory_space<hbm>>
            %dma_wait3A_537 = arith.constant 0 : i32
            %dma_wait3A_538 = tpu.memref_slice %arg10[%dma_wait3A_537] : memref<16384xf32, #tpu.memory_space<vmem>> -> memref<1024xf32, #tpu.memory_space<vmem>>
            tpu.wait_dma2 semaphore(%run_scoped3A : memref<!tpu.dma_semaphore, #tpu.memory_space<semaphore_mem>>) src(%dma_wait3A_538 : memref<1024xf32, #tpu.memory_space<vmem>>) dst(%dma_wait3A_536 : memref<1024xf32, #tpu.memory_space<hbm>>)
            tpu.yield
          }) : () -> ()
          %sub3A_525 = arith.constant 8 : i32
          %sub3A_526 = arith.subi %min3A, %sub3A_525 : i32
          %mul3A_527 = arith.constant 128 : i32
          %mul3A_528 = arith.muli %sub3A_526, %mul3A_527 : i32
          "tpu.region"() ({
            %run_scoped3A = tpu.sem_alloc : memref<!tpu.dma_semaphore, #tpu.memory_space<semaphore_mem>>
            %dma_start3A = arith.constant 0 : i32
            %dma_start3A_529 = tpu.memref_slice %arg10[%dma_start3A] : memref<16384xf32, #tpu.memory_space<vmem>> -> memref<1024xf32, #tpu.memory_space<vmem>>
            %dma_start3A_530 = tpu.memref_slice %arg5[%mul3A_528] : memref<12800000xf32, #tpu.memory_space<hbm>> -> memref<1024xf32, #tpu.memory_space<hbm>>
            %dma_start3A_531 = tpu.memref_slice %arg5[%mul3A_528] : memref<12800000xf32, #tpu.memory_space<hbm>> -> memref<1024xf32, #tpu.memory_space<hbm>>
            %dma_start3A_532 = arith.constant 0 : i32
            %dma_start3A_533 = tpu.memref_slice %arg10[%dma_start3A_532] : memref<16384xf32, #tpu.memory_space<vmem>> -> memref<1024xf32, #tpu.memory_space<vmem>>
            tpu.enqueue_dma source(%dma_start3A_533 : memref<1024xf32, #tpu.memory_space<vmem>>) target(%dma_start3A_531 : memref<1024xf32, #tpu.memory_space<hbm>>) target_semaphore(%run_scoped3A : memref<!tpu.dma_semaphore, #tpu.memory_space<semaphore_mem>>)
            %dma_wait3A = arith.constant 0 : i32
            %dma_wait3A_534 = tpu.memref_slice %arg10[%dma_wait3A] : memref<16384xf32, #tpu.memory_space<vmem>> -> memref<1024xf32, #tpu.memory_space<vmem>>
            %dma_wait3A_535 = tpu.memref_slice %arg5[%mul3A_528] : memref<12800000xf32, #tpu.memory_space<hbm>> -> memref<1024xf32, #tpu.memory_space<hbm>>
            %dma_wait3A_536 = tpu.memref_slice %arg5[%mul3A_528] : memref<12800000xf32, #tpu.memory_space<hbm>> -> memref<1024xf32, #tpu.memory_space<hbm>>
            %dma_wait3A_537 = arith.constant 0 : i32
            %dma_wait3A_538 = tpu.memref_slice %arg10[%dma_wait3A_537] : memref<16384xf32, #tpu.memory_space<vmem>> -> memref<1024xf32, #tpu.memory_space<vmem>>
            tpu.wait_dma2 semaphore(%run_scoped3A : memref<!tpu.dma_semaphore, #tpu.memory_space<semaphore_mem>>) src(%dma_wait3A_538 : memref<1024xf32, #tpu.memory_space<vmem>>) dst(%dma_wait3A_536 : memref<1024xf32, #tpu.memory_space<hbm>>)
            tpu.yield
          }) : () -> ()
        } else {
        }
        %ge3A_499 = arith.constant 4 : i32
        %ge3A_500 = arith.cmpi sge, %sub3A_376, %ge3A_499 : i32
        %lt3A_501 = arith.constant 8 : i32
        %lt3A_502 = arith.cmpi slt, %sub3A_376, %lt3A_501 : i32
        %and3A_503 = arith.andi %ge3A_500, %lt3A_502 : i1
        %convert_element_type3A_504 = arith.extui %and3A_503 : i1 to i32
        %cond3A_505 = arith.constant 0 : i32
        %cond3A_506 = arith.cmpi ne, %convert_element_type3A_504, %cond3A_505 : i32
        scf.if %cond3A_506 {
          %mul3A_523 = arith.constant 128 : i32
          %mul3A_524 = arith.muli %max3A, %mul3A_523 : i32
          "tpu.region"() ({
            %run_scoped3A = tpu.sem_alloc : memref<!tpu.dma_semaphore, #tpu.memory_space<semaphore_mem>>
            %dma_start3A = arith.constant 0 : i32
            %dma_start3A_529 = tpu.memref_slice %arg10[%dma_start3A] : memref<16384xf32, #tpu.memory_space<vmem>> -> memref<512xf32, #tpu.memory_space<vmem>>
            %dma_start3A_530 = tpu.memref_slice %arg5[%mul3A_524] : memref<12800000xf32, #tpu.memory_space<hbm>> -> memref<512xf32, #tpu.memory_space<hbm>>
            %dma_start3A_531 = tpu.memref_slice %arg5[%mul3A_524] : memref<12800000xf32, #tpu.memory_space<hbm>> -> memref<512xf32, #tpu.memory_space<hbm>>
            %dma_start3A_532 = arith.constant 0 : i32
            %dma_start3A_533 = tpu.memref_slice %arg10[%dma_start3A_532] : memref<16384xf32, #tpu.memory_space<vmem>> -> memref<512xf32, #tpu.memory_space<vmem>>
            tpu.enqueue_dma source(%dma_start3A_533 : memref<512xf32, #tpu.memory_space<vmem>>) target(%dma_start3A_531 : memref<512xf32, #tpu.memory_space<hbm>>) target_semaphore(%run_scoped3A : memref<!tpu.dma_semaphore, #tpu.memory_space<semaphore_mem>>)
            %dma_wait3A = arith.constant 0 : i32
            %dma_wait3A_534 = tpu.memref_slice %arg10[%dma_wait3A] : memref<16384xf32, #tpu.memory_space<vmem>> -> memref<512xf32, #tpu.memory_space<vmem>>
            %dma_wait3A_535 = tpu.memref_slice %arg5[%mul3A_524] : memref<12800000xf32, #tpu.memory_space<hbm>> -> memref<512xf32, #tpu.memory_space<hbm>>
            %dma_wait3A_536 = tpu.memref_slice %arg5[%mul3A_524] : memref<12800000xf32, #tpu.memory_space<hbm>> -> memref<512xf32, #tpu.memory_space<hbm>>
            %dma_wait3A_537 = arith.constant 0 : i32
            %dma_wait3A_538 = tpu.memref_slice %arg10[%dma_wait3A_537] : memref<16384xf32, #tpu.memory_space<vmem>> -> memref<512xf32, #tpu.memory_space<vmem>>
            tpu.wait_dma2 semaphore(%run_scoped3A : memref<!tpu.dma_semaphore, #tpu.memory_space<semaphore_mem>>) src(%dma_wait3A_538 : memref<512xf32, #tpu.memory_space<vmem>>) dst(%dma_wait3A_536 : memref<512xf32, #tpu.memory_space<hbm>>)
            tpu.yield
          }) : () -> ()
          %sub3A_525 = arith.constant 4 : i32
          %sub3A_526 = arith.subi %min3A, %sub3A_525 : i32
          %mul3A_527 = arith.constant 128 : i32
          %mul3A_528 = arith.muli %sub3A_526, %mul3A_527 : i32
          "tpu.region"() ({
            %run_scoped3A = tpu.sem_alloc : memref<!tpu.dma_semaphore, #tpu.memory_space<semaphore_mem>>
            %dma_start3A = arith.constant 0 : i32
            %dma_start3A_529 = tpu.memref_slice %arg10[%dma_start3A] : memref<16384xf32, #tpu.memory_space<vmem>> -> memref<512xf32, #tpu.memory_space<vmem>>
            %dma_start3A_530 = tpu.memref_slice %arg5[%mul3A_528] : memref<12800000xf32, #tpu.memory_space<hbm>> -> memref<512xf32, #tpu.memory_space<hbm>>
            %dma_start3A_531 = tpu.memref_slice %arg5[%mul3A_528] : memref<12800000xf32, #tpu.memory_space<hbm>> -> memref<512xf32, #tpu.memory_space<hbm>>
            %dma_start3A_532 = arith.constant 0 : i32
            %dma_start3A_533 = tpu.memref_slice %arg10[%dma_start3A_532] : memref<16384xf32, #tpu.memory_space<vmem>> -> memref<512xf32, #tpu.memory_space<vmem>>
            tpu.enqueue_dma source(%dma_start3A_533 : memref<512xf32, #tpu.memory_space<vmem>>) target(%dma_start3A_531 : memref<512xf32, #tpu.memory_space<hbm>>) target_semaphore(%run_scoped3A : memref<!tpu.dma_semaphore, #tpu.memory_space<semaphore_mem>>)
            %dma_wait3A = arith.constant 0 : i32
            %dma_wait3A_534 = tpu.memref_slice %arg10[%dma_wait3A] : memref<16384xf32, #tpu.memory_space<vmem>> -> memref<512xf32, #tpu.memory_space<vmem>>
            %dma_wait3A_535 = tpu.memref_slice %arg5[%mul3A_528] : memref<12800000xf32, #tpu.memory_space<hbm>> -> memref<512xf32, #tpu.memory_space<hbm>>
            %dma_wait3A_536 = tpu.memref_slice %arg5[%mul3A_528] : memref<12800000xf32, #tpu.memory_space<hbm>> -> memref<512xf32, #tpu.memory_space<hbm>>
            %dma_wait3A_537 = arith.constant 0 : i32
            %dma_wait3A_538 = tpu.memref_slice %arg10[%dma_wait3A_537] : memref<16384xf32, #tpu.memory_space<vmem>> -> memref<512xf32, #tpu.memory_space<vmem>>
            tpu.wait_dma2 semaphore(%run_scoped3A : memref<!tpu.dma_semaphore, #tpu.memory_space<semaphore_mem>>) src(%dma_wait3A_538 : memref<512xf32, #tpu.memory_space<vmem>>) dst(%dma_wait3A_536 : memref<512xf32, #tpu.memory_space<hbm>>)
            tpu.yield
          }) : () -> ()
        } else {
        }
        %ge3A_507 = arith.constant 2 : i32
        %ge3A_508 = arith.cmpi sge, %sub3A_376, %ge3A_507 : i32
        %lt3A_509 = arith.constant 4 : i32
        %lt3A_510 = arith.cmpi slt, %sub3A_376, %lt3A_509 : i32
        %and3A_511 = arith.andi %ge3A_508, %lt3A_510 : i1
        %convert_element_type3A_512 = arith.extui %and3A_511 : i1 to i32
        %cond3A_513 = arith.constant 0 : i32
        %cond3A_514 = arith.cmpi ne, %convert_element_type3A_512, %cond3A_513 : i32
        scf.if %cond3A_514 {
          %mul3A_523 = arith.constant 128 : i32
          %mul3A_524 = arith.muli %max3A, %mul3A_523 : i32
          "tpu.region"() ({
            %run_scoped3A = tpu.sem_alloc : memref<!tpu.dma_semaphore, #tpu.memory_space<semaphore_mem>>
            %dma_start3A = arith.constant 0 : i32
            %dma_start3A_529 = tpu.memref_slice %arg10[%dma_start3A] : memref<16384xf32, #tpu.memory_space<vmem>> -> memref<256xf32, #tpu.memory_space<vmem>>
            %dma_start3A_530 = tpu.memref_slice %arg5[%mul3A_524] : memref<12800000xf32, #tpu.memory_space<hbm>> -> memref<256xf32, #tpu.memory_space<hbm>>
            %dma_start3A_531 = tpu.memref_slice %arg5[%mul3A_524] : memref<12800000xf32, #tpu.memory_space<hbm>> -> memref<256xf32, #tpu.memory_space<hbm>>
            %dma_start3A_532 = arith.constant 0 : i32
            %dma_start3A_533 = tpu.memref_slice %arg10[%dma_start3A_532] : memref<16384xf32, #tpu.memory_space<vmem>> -> memref<256xf32, #tpu.memory_space<vmem>>
            tpu.enqueue_dma source(%dma_start3A_533 : memref<256xf32, #tpu.memory_space<vmem>>) target(%dma_start3A_531 : memref<256xf32, #tpu.memory_space<hbm>>) target_semaphore(%run_scoped3A : memref<!tpu.dma_semaphore, #tpu.memory_space<semaphore_mem>>)
            %dma_wait3A = arith.constant 0 : i32
            %dma_wait3A_534 = tpu.memref_slice %arg10[%dma_wait3A] : memref<16384xf32, #tpu.memory_space<vmem>> -> memref<256xf32, #tpu.memory_space<vmem>>
            %dma_wait3A_535 = tpu.memref_slice %arg5[%mul3A_524] : memref<12800000xf32, #tpu.memory_space<hbm>> -> memref<256xf32, #tpu.memory_space<hbm>>
            %dma_wait3A_536 = tpu.memref_slice %arg5[%mul3A_524] : memref<12800000xf32, #tpu.memory_space<hbm>> -> memref<256xf32, #tpu.memory_space<hbm>>
            %dma_wait3A_537 = arith.constant 0 : i32
            %dma_wait3A_538 = tpu.memref_slice %arg10[%dma_wait3A_537] : memref<16384xf32, #tpu.memory_space<vmem>> -> memref<256xf32, #tpu.memory_space<vmem>>
            tpu.wait_dma2 semaphore(%run_scoped3A : memref<!tpu.dma_semaphore, #tpu.memory_space<semaphore_mem>>) src(%dma_wait3A_538 : memref<256xf32, #tpu.memory_space<vmem>>) dst(%dma_wait3A_536 : memref<256xf32, #tpu.memory_space<hbm>>)
            tpu.yield
          }) : () -> ()
          %sub3A_525 = arith.constant 2 : i32
          %sub3A_526 = arith.subi %min3A, %sub3A_525 : i32
          %mul3A_527 = arith.constant 128 : i32
          %mul3A_528 = arith.muli %sub3A_526, %mul3A_527 : i32
          "tpu.region"() ({
            %run_scoped3A = tpu.sem_alloc : memref<!tpu.dma_semaphore, #tpu.memory_space<semaphore_mem>>
            %dma_start3A = arith.constant 0 : i32
            %dma_start3A_529 = tpu.memref_slice %arg10[%dma_start3A] : memref<16384xf32, #tpu.memory_space<vmem>> -> memref<256xf32, #tpu.memory_space<vmem>>
            %dma_start3A_530 = tpu.memref_slice %arg5[%mul3A_528] : memref<12800000xf32, #tpu.memory_space<hbm>> -> memref<256xf32, #tpu.memory_space<hbm>>
            %dma_start3A_531 = tpu.memref_slice %arg5[%mul3A_528] : memref<12800000xf32, #tpu.memory_space<hbm>> -> memref<256xf32, #tpu.memory_space<hbm>>
            %dma_start3A_532 = arith.constant 0 : i32
            %dma_start3A_533 = tpu.memref_slice %arg10[%dma_start3A_532] : memref<16384xf32, #tpu.memory_space<vmem>> -> memref<256xf32, #tpu.memory_space<vmem>>
            tpu.enqueue_dma source(%dma_start3A_533 : memref<256xf32, #tpu.memory_space<vmem>>) target(%dma_start3A_531 : memref<256xf32, #tpu.memory_space<hbm>>) target_semaphore(%run_scoped3A : memref<!tpu.dma_semaphore, #tpu.memory_space<semaphore_mem>>)
            %dma_wait3A = arith.constant 0 : i32
            %dma_wait3A_534 = tpu.memref_slice %arg10[%dma_wait3A] : memref<16384xf32, #tpu.memory_space<vmem>> -> memref<256xf32, #tpu.memory_space<vmem>>
            %dma_wait3A_535 = tpu.memref_slice %arg5[%mul3A_528] : memref<12800000xf32, #tpu.memory_space<hbm>> -> memref<256xf32, #tpu.memory_space<hbm>>
            %dma_wait3A_536 = tpu.memref_slice %arg5[%mul3A_528] : memref<12800000xf32, #tpu.memory_space<hbm>> -> memref<256xf32, #tpu.memory_space<hbm>>
            %dma_wait3A_537 = arith.constant 0 : i32
            %dma_wait3A_538 = tpu.memref_slice %arg10[%dma_wait3A_537] : memref<16384xf32, #tpu.memory_space<vmem>> -> memref<256xf32, #tpu.memory_space<vmem>>
            tpu.wait_dma2 semaphore(%run_scoped3A : memref<!tpu.dma_semaphore, #tpu.memory_space<semaphore_mem>>) src(%dma_wait3A_538 : memref<256xf32, #tpu.memory_space<vmem>>) dst(%dma_wait3A_536 : memref<256xf32, #tpu.memory_space<hbm>>)
            tpu.yield
          }) : () -> ()
        } else {
        }
        %ge3A_515 = arith.constant 1 : i32
        %ge3A_516 = arith.cmpi sge, %sub3A_376, %ge3A_515 : i32
        %lt3A_517 = arith.constant 2 : i32
        %lt3A_518 = arith.cmpi slt, %sub3A_376, %lt3A_517 : i32
        %and3A_519 = arith.andi %ge3A_516, %lt3A_518 : i1
        %convert_element_type3A_520 = arith.extui %and3A_519 : i1 to i32
        %cond3A_521 = arith.constant 0 : i32
        %cond3A_522 = arith.cmpi ne, %convert_element_type3A_520, %cond3A_521 : i32
        scf.if %cond3A_522 {
          %mul3A_523 = arith.constant 128 : i32
          %mul3A_524 = arith.muli %max3A, %mul3A_523 : i32
          "tpu.region"() ({
            %run_scoped3A = tpu.sem_alloc : memref<!tpu.dma_semaphore, #tpu.memory_space<semaphore_mem>>
            %dma_start3A = arith.constant 0 : i32
            %dma_start3A_529 = tpu.memref_slice %arg10[%dma_start3A] : memref<16384xf32, #tpu.memory_space<vmem>> -> memref<128xf32, #tpu.memory_space<vmem>>
            %dma_start3A_530 = tpu.memref_slice %arg5[%mul3A_524] : memref<12800000xf32, #tpu.memory_space<hbm>> -> memref<128xf32, #tpu.memory_space<hbm>>
            %dma_start3A_531 = tpu.memref_slice %arg5[%mul3A_524] : memref<12800000xf32, #tpu.memory_space<hbm>> -> memref<128xf32, #tpu.memory_space<hbm>>
            %dma_start3A_532 = arith.constant 0 : i32
            %dma_start3A_533 = tpu.memref_slice %arg10[%dma_start3A_532] : memref<16384xf32, #tpu.memory_space<vmem>> -> memref<128xf32, #tpu.memory_space<vmem>>
            tpu.enqueue_dma source(%dma_start3A_533 : memref<128xf32, #tpu.memory_space<vmem>>) target(%dma_start3A_531 : memref<128xf32, #tpu.memory_space<hbm>>) target_semaphore(%run_scoped3A : memref<!tpu.dma_semaphore, #tpu.memory_space<semaphore_mem>>)
            %dma_wait3A = arith.constant 0 : i32
            %dma_wait3A_534 = tpu.memref_slice %arg10[%dma_wait3A] : memref<16384xf32, #tpu.memory_space<vmem>> -> memref<128xf32, #tpu.memory_space<vmem>>
            %dma_wait3A_535 = tpu.memref_slice %arg5[%mul3A_524] : memref<12800000xf32, #tpu.memory_space<hbm>> -> memref<128xf32, #tpu.memory_space<hbm>>
            %dma_wait3A_536 = tpu.memref_slice %arg5[%mul3A_524] : memref<12800000xf32, #tpu.memory_space<hbm>> -> memref<128xf32, #tpu.memory_space<hbm>>
            %dma_wait3A_537 = arith.constant 0 : i32
            %dma_wait3A_538 = tpu.memref_slice %arg10[%dma_wait3A_537] : memref<16384xf32, #tpu.memory_space<vmem>> -> memref<128xf32, #tpu.memory_space<vmem>>
            tpu.wait_dma2 semaphore(%run_scoped3A : memref<!tpu.dma_semaphore, #tpu.memory_space<semaphore_mem>>) src(%dma_wait3A_538 : memref<128xf32, #tpu.memory_space<vmem>>) dst(%dma_wait3A_536 : memref<128xf32, #tpu.memory_space<hbm>>)
            tpu.yield
          }) : () -> ()
          %sub3A_525 = arith.constant 1 : i32
          %sub3A_526 = arith.subi %min3A, %sub3A_525 : i32
          %mul3A_527 = arith.constant 128 : i32
          %mul3A_528 = arith.muli %sub3A_526, %mul3A_527 : i32
          "tpu.region"() ({
            %run_scoped3A = tpu.sem_alloc : memref<!tpu.dma_semaphore, #tpu.memory_space<semaphore_mem>>
            %dma_start3A = arith.constant 0 : i32
            %dma_start3A_529 = tpu.memref_slice %arg10[%dma_start3A] : memref<16384xf32, #tpu.memory_space<vmem>> -> memref<128xf32, #tpu.memory_space<vmem>>
            %dma_start3A_530 = tpu.memref_slice %arg5[%mul3A_528] : memref<12800000xf32, #tpu.memory_space<hbm>> -> memref<128xf32, #tpu.memory_space<hbm>>
            %dma_start3A_531 = tpu.memref_slice %arg5[%mul3A_528] : memref<12800000xf32, #tpu.memory_space<hbm>> -> memref<128xf32, #tpu.memory_space<hbm>>
            %dma_start3A_532 = arith.constant 0 : i32
            %dma_start3A_533 = tpu.memref_slice %arg10[%dma_start3A_532] : memref<16384xf32, #tpu.memory_space<vmem>> -> memref<128xf32, #tpu.memory_space<vmem>>
            tpu.enqueue_dma source(%dma_start3A_533 : memref<128xf32, #tpu.memory_space<vmem>>) target(%dma_start3A_531 : memref<128xf32, #tpu.memory_space<hbm>>) target_semaphore(%run_scoped3A : memref<!tpu.dma_semaphore, #tpu.memory_space<semaphore_mem>>)
            %dma_wait3A = arith.constant 0 : i32
            %dma_wait3A_534 = tpu.memref_slice %arg10[%dma_wait3A] : memref<16384xf32, #tpu.memory_space<vmem>> -> memref<128xf32, #tpu.memory_space<vmem>>
            %dma_wait3A_535 = tpu.memref_slice %arg5[%mul3A_528] : memref<12800000xf32, #tpu.memory_space<hbm>> -> memref<128xf32, #tpu.memory_space<hbm>>
            %dma_wait3A_536 = tpu.memref_slice %arg5[%mul3A_528] : memref<12800000xf32, #tpu.memory_space<hbm>> -> memref<128xf32, #tpu.memory_space<hbm>>
            %dma_wait3A_537 = arith.constant 0 : i32
            %dma_wait3A_538 = tpu.memref_slice %arg10[%dma_wait3A_537] : memref<16384xf32, #tpu.memory_space<vmem>> -> memref<128xf32, #tpu.memory_space<vmem>>
            tpu.wait_dma2 semaphore(%run_scoped3A : memref<!tpu.dma_semaphore, #tpu.memory_space<semaphore_mem>>) src(%dma_wait3A_538 : memref<128xf32, #tpu.memory_space<vmem>>) dst(%dma_wait3A_536 : memref<128xf32, #tpu.memory_space<hbm>>)
            tpu.yield
          }) : () -> ()
        } else {
        }
      } else {
      }
      scf.yield %select_n3A_413 : i32
    }
    %while3A_106 = arith.constant 0 : i32
    %while3A_107 = arith.constant 0 : i32
    %while3A_108 = arith.subi %while3A_105, %while3A_107 : i32
    %while3A_109 = arith.addi %while3A_107, %while3A_108 : i32
    %while3A_110 = arith.constant 1 : i32
    %while3A_111 = arith.divsi %while3A_108, %while3A_110 : i32
    %while3A_112 = arith.muli %while3A_111, %while3A_110 : i32
    %while3A_113 = arith.addi %while3A_107, %while3A_112 : i32
    %while3A_114 = arith.constant 1 : i32
    scf.for %while3A_116 = %while3A_107 to %while3A_113 step %while3A_114  : i32 {
      %dma_wait3A = arith.constant 0 : i32
      %dma_wait3A_117 = tpu.memref_slice %arg5[%dma_wait3A] : memref<12800000xf32, #tpu.memory_space<hbm>> -> memref<16384xf32, #tpu.memory_space<hbm>>
      %dma_wait3A_118 = arith.constant 0 : i32
      %dma_wait3A_119 = tpu.memref_slice %arg5[%dma_wait3A_118] : memref<12800000xf32, #tpu.memory_space<hbm>> -> memref<16384xf32, #tpu.memory_space<hbm>>
      tpu.wait_dma2 semaphore(%arg11 : memref<!tpu.dma_semaphore, #tpu.memory_space<semaphore_mem>>) src(%dma_wait3A_119 : memref<16384xf32, #tpu.memory_space<hbm>>) dst(%arg10 : memref<16384xf32, #tpu.memory_space<vmem>>)
    }
    %while3A_115 = arith.constant 1 : i32
    scf.for %while3A_116 = %while3A_113 to %while3A_109 step %while3A_115  : i32 {
      %dma_wait3A = arith.constant 0 : i32
      %dma_wait3A_117 = tpu.memref_slice %arg5[%dma_wait3A] : memref<12800000xf32, #tpu.memory_space<hbm>> -> memref<16384xf32, #tpu.memory_space<hbm>>
      %dma_wait3A_118 = arith.constant 0 : i32
      %dma_wait3A_119 = tpu.memref_slice %arg5[%dma_wait3A_118] : memref<12800000xf32, #tpu.memory_space<hbm>> -> memref<16384xf32, #tpu.memory_space<hbm>>
      tpu.wait_dma2 semaphore(%arg11 : memref<!tpu.dma_semaphore, #tpu.memory_space<semaphore_mem>>) src(%dma_wait3A_119 : memref<16384xf32, #tpu.memory_space<hbm>>) dst(%arg10 : memref<16384xf32, #tpu.memory_space<vmem>>)
    }
    return
  }
}

module attributes {stable_mosaic.version = 14 : i64} {
  func.func @_stats_body(%arg0: i32, %arg1: memref<10000x128xf32, #tpu.memory_space<vmem>>, %arg2: memref<1x1x10000xi32, #tpu.memory_space<vmem>>, %arg3: memref<128x128xf32, #tpu.memory_space<vmem>>, %arg4: memref<128x4xf32, #tpu.memory_space<vmem>>, %arg5: memref<128x128xf32, #tpu.memory_space<vmem>>, %arg6: memref<128x128xf32, #tpu.memory_space<vmem>>, %arg7: memref<128x128xf32, #tpu.memory_space<vmem>>, %arg8: memref<128x1xf32, #tpu.memory_space<vmem>>, %arg9: memref<128x1xf32, #tpu.memory_space<vmem>>, %arg10: memref<128x4xf32, #tpu.memory_space<vmem>>, %arg11: memref<128x128xf32, #tpu.memory_space<vmem>>) attributes {dimension_semantics = [#tpu.dimension_semantics<arbitrary>], iteration_bounds = array<i64: 10>, scalar_prefetch = 0 : i64, scratch_operands = 3 : i64, tpu.core_type = #tpu.core_type<tc>, window_params = [{transform_indices = @transform_0, window_bounds = array<i64: 10000, 128>}, {transform_indices = @transform_1, window_bounds = array<i64: 1, 1, 10000>}, {pipeline_mode = #tpu.pipeline_mode<synchronous>, transform_indices = @transform_2, window_bounds = array<i64: 128, 128>}, {pipeline_mode = #tpu.pipeline_mode<synchronous>, transform_indices = @transform_3, window_bounds = array<i64: 128, 4>}, {pipeline_mode = #tpu.pipeline_mode<synchronous>, transform_indices = @transform_4, window_bounds = array<i64: 128, 128>}, {pipeline_mode = #tpu.pipeline_mode<synchronous>, transform_indices = @transform_5, window_bounds = array<i64: 128, 128>}, {pipeline_mode = #tpu.pipeline_mode<synchronous>, transform_indices = @transform_6, window_bounds = array<i64: 128, 128>}, {pipeline_mode = #tpu.pipeline_mode<synchronous>, transform_indices = @transform_7, window_bounds = array<i64: 128, 1>}]} {
    %eq3A = arith.constant 0 : i32
    %eq3A_0 = arith.cmpi eq, %arg0, %eq3A : i32
    %convert_element_type3A = arith.extui %eq3A_0 : i1 to i32
    %cond3A = arith.constant 0 : i32
    %cond3A_1 = arith.cmpi ne, %convert_element_type3A, %cond3A : i32
    scf.if %cond3A_1 {
      %broadcast_in_dim3A_137 = arith.constant -1.000000e+30 : f32
      %broadcast_in_dim3A_138 = vector.broadcast %broadcast_in_dim3A_137 : f32 to vector<128x1xf32>
      %swap3A_139 = arith.constant 0 : index
      %swap3A_140 = arith.constant 0 : index
      %swap3A_141 = vector.load %arg9[%swap3A_139, %swap3A_140] : memref<128x1xf32, #tpu.memory_space<vmem>>, vector<128x1xf32>
      tpu.vector_store %arg9[%swap3A_139, %swap3A_140], %broadcast_in_dim3A_138 {strides = array<i32>} : memref<128x1xf32, #tpu.memory_space<vmem>>, vector<128x1xf32>,
      %broadcast_in_dim3A_142 = arith.constant 0.000000e+00 : f32
      %broadcast_in_dim3A_143 = vector.broadcast %broadcast_in_dim3A_142 : f32 to vector<128x4xf32>
      %swap3A_144 = arith.constant 0 : index
      %swap3A_145 = arith.constant 0 : index
      %swap3A_146 = vector.load %arg10[%swap3A_144, %swap3A_145] : memref<128x4xf32, #tpu.memory_space<vmem>>, vector<128x4xf32>
      tpu.vector_store %arg10[%swap3A_144, %swap3A_145], %broadcast_in_dim3A_143 {strides = array<i32>} : memref<128x4xf32, #tpu.memory_space<vmem>>, vector<128x4xf32>,
      %broadcast_in_dim3A_147 = arith.constant 0.000000e+00 : f32
      %broadcast_in_dim3A_148 = vector.broadcast %broadcast_in_dim3A_147 : f32 to vector<128x128xf32>
      %swap3A_149 = arith.constant 0 : index
      %swap3A_150 = arith.constant 0 : index
      %swap3A_151 = vector.load %arg11[%swap3A_149, %swap3A_150] : memref<128x128xf32, #tpu.memory_space<vmem>>, vector<128x128xf32>
      tpu.vector_store %arg11[%swap3A_149, %swap3A_150], %broadcast_in_dim3A_148 {strides = array<i32>} : memref<128x128xf32, #tpu.memory_space<vmem>>, vector<128x128xf32>,
      %broadcast_in_dim3A_152 = arith.constant 0.000000e+00 : f32
      %broadcast_in_dim3A_153 = vector.broadcast %broadcast_in_dim3A_152 : f32 to vector<128x1xf32>
      %swap3A_154 = arith.constant 0 : index
      %swap3A_155 = arith.constant 0 : index
      %swap3A_156 = vector.load %arg8[%swap3A_154, %swap3A_155] : memref<128x1xf32, #tpu.memory_space<vmem>>, vector<128x1xf32>
      tpu.vector_store %arg8[%swap3A_154, %swap3A_155], %broadcast_in_dim3A_153 {strides = array<i32>} : memref<128x1xf32, #tpu.memory_space<vmem>>, vector<128x1xf32>,
    } else {
    }
    %get3A = arith.constant 0 : index
    %get3A_2 = arith.constant 0 : index
    %get3A_3 = vector.load %arg1[%get3A, %get3A_2] : memref<10000x128xf32, #tpu.memory_space<vmem>>, vector<10000x128xf32>
    %get3A_4 = arith.constant 0 : index
    %get3A_5 = arith.constant 0 : index
    %get3A_6 = arith.constant 0 : index
    %get3A_7 = vector.load %arg2[%get3A_4, %get3A_5, %get3A_6] : memref<1x1x10000xi32, #tpu.memory_space<vmem>>, vector<1x1x10000xi32>
    %get3A_8 = vector.shape_cast %get3A_7 : vector<1x1x10000xi32> to vector<1x10000xi32>
    %iota3A = tpu.iota {dimensions = array<i32: 0>} : vector<128x10000xi32>
    %eq3A_9 = vector.broadcast %get3A_8 : vector<1x10000xi32> to vector<128x10000xi32>
    %eq3A_10 = arith.cmpi eq, %iota3A, %eq3A_9 : vector<128x10000xi32>
    %convert_element_type3A_11 = arith.extui %eq3A_10 : vector<128x10000xi1> to vector<128x10000xi32>
    %convert_element_type3A_12 = arith.sitofp %convert_element_type3A_11 : vector<128x10000xi32> to vector<128x10000xf32>
    %get3A_13 = arith.constant 0 : index
    %get3A_14 = arith.constant 0 : index
    %get3A_15 = vector.load %arg3[%get3A_13, %get3A_14] : memref<128x128xf32, #tpu.memory_space<vmem>>, vector<128x128xf32>
    %dot_general3A = arith.constant dense<0.000000e+00> : vector<10000x128xf32>
    %dot_general3A_16 = tpu.matmul %get3A_3, %get3A_15, %dot_general3A {dimension_numbers = #tpu.dot_dimension_numbers<[1], [0], [0], [1], [0, 0, 1, 1], [], []>, transpose_lhs_hint = false} : vector<10000x128xf32>, vector<128x128xf32>, vector<10000x128xf32> -> vector<10000x128xf32>
    %max3A = arith.constant 0.000000e+00 : f32
    %max3A_17 = vector.broadcast %max3A : f32 to vector<10000x128xf32>
    %max3A_18 = arith.maximumf %dot_general3A_16, %max3A_17 : vector<10000x128xf32>
    %get3A_19 = arith.constant 0 : index
    %get3A_20 = arith.constant 0 : index
    %get3A_21 = vector.load %arg4[%get3A_19, %get3A_20] : memref<128x4xf32, #tpu.memory_space<vmem>>, vector<128x4xf32>
    %dot_general3A_22 = arith.constant dense<0.000000e+00> : vector<10000x4xf32>
    %dot_general3A_23 = tpu.matmul %max3A_18, %get3A_21, %dot_general3A_22 {dimension_numbers = #tpu.dot_dimension_numbers<[1], [0], [0], [1], [0, 0, 1, 1], [], []>, transpose_lhs_hint = false} : vector<10000x128xf32>, vector<128x4xf32>, vector<10000x4xf32> -> vector<10000x4xf32>
    %get3A_24 = arith.constant 0 : index
    %get3A_25 = arith.constant 0 : index
    %get3A_26 = vector.load %arg4[%get3A_24, %get3A_25] : memref<128x4xf32, #tpu.memory_space<vmem>>, vector<128x4xf32>
    %dot_general3A_27 = arith.constant dense<0.000000e+00> : vector<4x10000xf32>
    %dot_general3A_28 = tpu.matmul %get3A_26, %max3A_18, %dot_general3A_27 {dimension_numbers = #tpu.dot_dimension_numbers<[0], [1], [1], [0], [0, 1, 1, 0], [], []>, transpose_lhs_hint = false} : vector<128x4xf32>, vector<10000x128xf32>, vector<4x10000xf32> -> vector<4x10000xf32>
    %get3A_29 = arith.constant 0 : index
    %get3A_30 = arith.constant 0 : index
    %get3A_31 = vector.load %arg5[%get3A_29, %get3A_30] : memref<128x128xf32, #tpu.memory_space<vmem>>, vector<128x128xf32>
    %dot_general3A_32 = arith.constant dense<0.000000e+00> : vector<10000x128xf32>
    %dot_general3A_33 = tpu.matmul %get3A_3, %get3A_31, %dot_general3A_32 {dimension_numbers = #tpu.dot_dimension_numbers<[1], [0], [0], [1], [0, 0, 1, 1], [], []>, transpose_lhs_hint = false} : vector<10000x128xf32>, vector<128x128xf32>, vector<10000x128xf32> -> vector<10000x128xf32>
    %max3A_34 = arith.constant 0.000000e+00 : f32
    %max3A_35 = vector.broadcast %max3A_34 : f32 to vector<10000x128xf32>
    %max3A_36 = arith.maximumf %dot_general3A_33, %max3A_35 : vector<10000x128xf32>
    %get3A_37 = arith.constant 0 : index
    %get3A_38 = arith.constant 0 : index
    %get3A_39 = vector.load %arg6[%get3A_37, %get3A_38] : memref<128x128xf32, #tpu.memory_space<vmem>>, vector<128x128xf32>
    %dot_general3A_40 = arith.constant dense<0.000000e+00> : vector<10000x128xf32>
    %dot_general3A_41 = tpu.matmul %max3A_36, %get3A_39, %dot_general3A_40 {dimension_numbers = #tpu.dot_dimension_numbers<[1], [0], [0], [1], [0, 0, 1, 1], [], []>, transpose_lhs_hint = false} : vector<10000x128xf32>, vector<128x128xf32>, vector<10000x128xf32> -> vector<10000x128xf32>
    %reduce_max3A = arith.constant dense<0xFF800000> : vector<10000xf32>
    %reduce_max3A_42 = vector.multi_reduction <maximumf>, %dot_general3A_28, %reduce_max3A [0] : vector<4x10000xf32> to vector<10000xf32>
    %broadcast_in_dim3A = vector.shape_cast %reduce_max3A_42 : vector<10000xf32> to vector<1x10000xf32>
    %jit3A = arith.constant -1.000000e+30 : f32
    %broadcast_in_dim3A_43 = vector.shape_cast %broadcast_in_dim3A : vector<1x10000xf32> to vector<1x10000xf32>
    %broadcast_in_dim3A_44 = vector.broadcast %broadcast_in_dim3A_43 : vector<1x10000xf32> to vector<128x10000xf32>
    %broadcast_in_dim3A_45 = vector.broadcast %jit3A : f32 to vector<128x10000xf32>
    %select_n3A = arith.select %eq3A_10, %broadcast_in_dim3A_44, %broadcast_in_dim3A_45 : vector<128x10000xi1>, vector<128x10000xf32>
    %reduce_max3A_46 = arith.constant dense<0xFF800000> : vector<128xf32>
    %reduce_max3A_47 = vector.multi_reduction <maximumf>, %select_n3A, %reduce_max3A_46 [1] : vector<128x10000xf32> to vector<128xf32>
    %broadcast_in_dim3A_48 = vector.shape_cast %reduce_max3A_47 : vector<128xf32> to vector<128x1xf32>
    %get3A_49 = arith.constant 0 : index
    %get3A_50 = arith.constant 0 : index
    %get3A_51 = vector.load %arg9[%get3A_49, %get3A_50] : memref<128x1xf32, #tpu.memory_space<vmem>>, vector<128x1xf32>
    %max3A_52 = arith.maximumf %get3A_51, %broadcast_in_dim3A_48 : vector<128x1xf32>
    %swap3A = arith.constant 0 : index
    %swap3A_53 = arith.constant 0 : index
    %swap3A_54 = vector.load %arg9[%swap3A, %swap3A_53] : memref<128x1xf32, #tpu.memory_space<vmem>>, vector<128x1xf32>
    tpu.vector_store %arg9[%swap3A, %swap3A_53], %max3A_52 {strides = array<i32>} : memref<128x1xf32, #tpu.memory_space<vmem>>, vector<128x1xf32>,
    %sub3A = arith.subf %get3A_51, %max3A_52 : vector<128x1xf32>
    %exp3A = math.exp %sub3A : vector<128x1xf32>
    %lt3A = arith.constant -5.000000e+29 : f32
    %lt3A_55 = vector.broadcast %lt3A : f32 to vector<128x1xf32>
    %lt3A_56 = arith.cmpf olt, %max3A_52, %lt3A_55 : vector<128x1xf32>
    %neg3A = arith.constant 0.000000e+00 : f32
    %neg3A_57 = vector.broadcast %neg3A : f32 to vector<128x1xf32>
    %neg3A_58 = arith.subf %neg3A_57, %max3A_52 : vector<128x1xf32>
    %exp3A_59 = math.exp %neg3A_58 : vector<128x1xf32>
    %jit3A_60 = arith.constant 0.000000e+00 : f32
    %broadcast_in_dim3A_61 = vector.broadcast %jit3A_60 : f32 to vector<128x1xf32>
    %select_n3A_62 = arith.select %lt3A_56, %broadcast_in_dim3A_61, %exp3A_59 : vector<128x1xi1>, vector<128x1xf32>
    %exp3A_63 = math.exp %dot_general3A_23 : vector<10000x4xf32>
    %broadcast_in_dim3A_64 = arith.constant 1.000000e+00 : f32
    %broadcast_in_dim3A_65 = vector.broadcast %broadcast_in_dim3A_64 : f32 to vector<10000x1xf32>
    %concatenate3A = tpu.concatenate %exp3A_63, %broadcast_in_dim3A_65 in 1 : vector<10000x4xf32>, vector<10000x1xf32> -> vector<10000x5xf32>
    %dot_general3A_66 = arith.constant dense<0.000000e+00> : vector<128x5xf32>
    %dot_general3A_67 = tpu.matmul %convert_element_type3A_12, %concatenate3A, %dot_general3A_66 {dimension_numbers = #tpu.dot_dimension_numbers<[1], [0], [0], [1], [0, 0, 1, 1], [], []>, transpose_lhs_hint = false} : vector<128x10000xf32>, vector<10000x5xf32>, vector<128x5xf32> -> vector<128x5xf32>
    %get3A_68 = arith.constant 0 : index
    %get3A_69 = arith.constant 0 : index
    %get3A_70 = vector.load %arg10[%get3A_68, %get3A_69] : memref<128x4xf32, #tpu.memory_space<vmem>>, vector<128x4xf32>
    %mul3A = vector.broadcast %exp3A : vector<128x1xf32> to vector<128x4xf32>
    %mul3A_71 = arith.mulf %get3A_70, %mul3A : vector<128x4xf32>
    %slice3A = vector.extract_strided_slice %dot_general3A_67 {offsets = [0, 0], sizes = [128, 4], strides = [1, 1]} : vector<128x5xf32> to vector<128x4xf32>
    %mul3A_72 = vector.broadcast %select_n3A_62 : vector<128x1xf32> to vector<128x4xf32>
    %mul3A_73 = arith.mulf %mul3A_72, %slice3A : vector<128x4xf32>
    %add3A = arith.addf %mul3A_71, %mul3A_73 : vector<128x4xf32>
    %swap3A_74 = arith.constant 0 : index
    %swap3A_75 = arith.constant 0 : index
    %swap3A_76 = vector.load %arg10[%swap3A_74, %swap3A_75] : memref<128x4xf32, #tpu.memory_space<vmem>>, vector<128x4xf32>
    tpu.vector_store %arg10[%swap3A_74, %swap3A_75], %add3A {strides = array<i32>} : memref<128x4xf32, #tpu.memory_space<vmem>>, vector<128x4xf32>,
    %get3A_77 = arith.constant 0 : index
    %get3A_78 = arith.constant 0 : index
    %get3A_79 = vector.load %arg8[%get3A_77, %get3A_78] : memref<128x1xf32, #tpu.memory_space<vmem>>, vector<128x1xf32>
    %slice3A_80 = vector.extract_strided_slice %dot_general3A_67 {offsets = [0, 4], sizes = [128, 1], strides = [1, 1]} : vector<128x5xf32> to vector<128x1xf32>
    %add3A_81 = arith.addf %get3A_79, %slice3A_80 : vector<128x1xf32>
    %swap3A_82 = arith.constant 0 : index
    %swap3A_83 = arith.constant 0 : index
    %swap3A_84 = vector.load %arg8[%swap3A_82, %swap3A_83] : memref<128x1xf32, #tpu.memory_space<vmem>>, vector<128x1xf32>
    tpu.vector_store %arg8[%swap3A_82, %swap3A_83], %add3A_81 {strides = array<i32>} : memref<128x1xf32, #tpu.memory_space<vmem>>, vector<128x1xf32>,
    %iota3A_85 = tpu.iota {dimensions = array<i32: 1>} : vector<4x128xi32>
    %jit3A_86 = arith.constant 32 : i32
    %div3A = vector.broadcast %jit3A_86 : i32 to vector<4x128xi32>
    %div3A_87 = arith.divsi %iota3A_85, %div3A : vector<4x128xi32>
    %sign3A = arith.constant 0 : i32
    %sign3A_88 = vector.broadcast %sign3A : i32 to vector<4x128xi32>
    %sign3A_89 = arith.cmpi sgt, %iota3A_85, %sign3A_88 : vector<4x128xi32>
    %sign3A_90 = arith.extui %sign3A_89 : vector<4x128xi1> to vector<4x128xi32>
    %sign3A_91 = arith.constant 0 : i32
    %sign3A_92 = vector.broadcast %sign3A_91 : i32 to vector<4x128xi32>
    %sign3A_93 = arith.cmpi slt, %iota3A_85, %sign3A_92 : vector<4x128xi32>
    %sign3A_94 = arith.extui %sign3A_93 : vector<4x128xi1> to vector<4x128xi32>
    %sign3A_95 = arith.subi %sign3A_90, %sign3A_94 : vector<4x128xi32>
    %sign3A_96 = arith.constant 0 : i32
    %sign3A_97 = arith.cmpi sgt, %jit3A_86, %sign3A_96 : i32
    %sign3A_98 = arith.extui %sign3A_97 : i1 to i32
    %sign3A_99 = arith.constant 0 : i32
    %sign3A_100 = arith.cmpi slt, %jit3A_86, %sign3A_99 : i32
    %sign3A_101 = arith.extui %sign3A_100 : i1 to i32
    %sign3A_102 = arith.subi %sign3A_98, %sign3A_101 : i32
    %ne3A = vector.broadcast %sign3A_102 : i32 to vector<4x128xi32>
    %ne3A_103 = arith.cmpi ne, %sign3A_95, %ne3A : vector<4x128xi32>
    %rem3A = vector.broadcast %jit3A_86 : i32 to vector<4x128xi32>
    %rem3A_104 = arith.remsi %iota3A_85, %rem3A : vector<4x128xi32>
    %ne3A_105 = arith.constant 0 : i32
    %ne3A_106 = vector.broadcast %ne3A_105 : i32 to vector<4x128xi32>
    %ne3A_107 = arith.cmpi ne, %rem3A_104, %ne3A_106 : vector<4x128xi32>
    %and3A = arith.andi %ne3A_103, %ne3A_107 : vector<4x128xi1>
    %sub3A_108 = arith.constant 1 : i32
    %sub3A_109 = vector.broadcast %sub3A_108 : i32 to vector<4x128xi32>
    %sub3A_110 = arith.subi %div3A_87, %sub3A_109 : vector<4x128xi32>
    %select_n3A_111 = arith.select %and3A, %sub3A_110, %div3A_87 : vector<4x128xi1>, vector<4x128xi32>
    %iota3A_112 = tpu.iota {dimensions = array<i32: 0>} : vector<4x128xi32>
    %eq3A_113 = arith.cmpi eq, %select_n3A_111, %iota3A_112 : vector<4x128xi32>
    %convert_element_type3A_114 = arith.extui %eq3A_113 : vector<4x128xi1> to vector<4x128xi32>
    %convert_element_type3A_115 = arith.sitofp %convert_element_type3A_114 : vector<4x128xi32> to vector<4x128xf32>
    %dot_general3A_116 = arith.constant dense<0.000000e+00> : vector<10000x128xf32>
    %dot_general3A_117 = tpu.matmul %exp3A_63, %convert_element_type3A_115, %dot_general3A_116 {dimension_numbers = #tpu.dot_dimension_numbers<[1], [0], [0], [1], [0, 0, 1, 1], [], []>, transpose_lhs_hint = false} : vector<10000x4xf32>, vector<4x128xf32>, vector<10000x128xf32> -> vector<10000x128xf32>
    %mul3A_118 = arith.mulf %dot_general3A_41, %dot_general3A_117 : vector<10000x128xf32>
    %get3A_119 = arith.constant 0 : index
    %get3A_120 = arith.constant 0 : index
    %get3A_121 = vector.load %arg11[%get3A_119, %get3A_120] : memref<128x128xf32, #tpu.memory_space<vmem>>, vector<128x128xf32>
    %mul3A_122 = vector.broadcast %exp3A : vector<128x1xf32> to vector<128x128xf32>
    %mul3A_123 = arith.mulf %get3A_121, %mul3A_122 : vector<128x128xf32>
    %dot_general3A_124 = arith.constant dense<0.000000e+00> : vector<128x128xf32>
    %dot_general3A_125 = tpu.matmul %convert_element_type3A_12, %mul3A_118, %dot_general3A_124 {dimension_numbers = #tpu.dot_dimension_numbers<[1], [0], [0], [1], [0, 0, 1, 1], [], []>, transpose_lhs_hint = false} : vector<128x10000xf32>, vector<10000x128xf32>, vector<128x128xf32> -> vector<128x128xf32>
    %mul3A_126 = vector.broadcast %select_n3A_62 : vector<128x1xf32> to vector<128x128xf32>
    %mul3A_127 = arith.mulf %mul3A_126, %dot_general3A_125 : vector<128x128xf32>
    %add3A_128 = arith.addf %mul3A_123, %mul3A_127 : vector<128x128xf32>
    %swap3A_129 = arith.constant 0 : index
    %swap3A_130 = arith.constant 0 : index
    %swap3A_131 = vector.load %arg11[%swap3A_129, %swap3A_130] : memref<128x128xf32, #tpu.memory_space<vmem>>, vector<128x128xf32>
    tpu.vector_store %arg11[%swap3A_129, %swap3A_130], %add3A_128 {strides = array<i32>} : memref<128x128xf32, #tpu.memory_space<vmem>>, vector<128x128xf32>,
    %eq3A_132 = arith.constant 9 : i32
    %eq3A_133 = arith.cmpi eq, %arg0, %eq3A_132 : i32
    %convert_element_type3A_134 = arith.extui %eq3A_133 : i1 to i32
    %cond3A_135 = arith.constant 0 : i32
    %cond3A_136 = arith.cmpi ne, %convert_element_type3A_134, %cond3A_135 : i32
    scf.if %cond3A_136 {
      %get3A_137 = arith.constant 0 : index
      %get3A_138 = arith.constant 0 : index
      %get3A_139 = vector.load %arg10[%get3A_137, %get3A_138] : memref<128x4xf32, #tpu.memory_space<vmem>>, vector<128x4xf32>
      %slice3A_140 = vector.extract_strided_slice %get3A_139 {offsets = [0, 0], sizes = [128, 1], strides = [1, 1]} : vector<128x4xf32> to vector<128x1xf32>
      %broadcast_in_dim3A_141 = vector.shape_cast %slice3A_140 : vector<128x1xf32> to vector<128x1xf32>
      %broadcast_in_dim3A_142 = vector.broadcast %broadcast_in_dim3A_141 : vector<128x1xf32> to vector<128x32xf32>
      %slice3A_143 = vector.extract_strided_slice %get3A_139 {offsets = [0, 1], sizes = [128, 1], strides = [1, 1]} : vector<128x4xf32> to vector<128x1xf32>
      %broadcast_in_dim3A_144 = vector.shape_cast %slice3A_143 : vector<128x1xf32> to vector<128x1xf32>
      %broadcast_in_dim3A_145 = vector.broadcast %broadcast_in_dim3A_144 : vector<128x1xf32> to vector<128x32xf32>
      %slice3A_146 = vector.extract_strided_slice %get3A_139 {offsets = [0, 2], sizes = [128, 1], strides = [1, 1]} : vector<128x4xf32> to vector<128x1xf32>
      %broadcast_in_dim3A_147 = vector.shape_cast %slice3A_146 : vector<128x1xf32> to vector<128x1xf32>
      %broadcast_in_dim3A_148 = vector.broadcast %broadcast_in_dim3A_147 : vector<128x1xf32> to vector<128x32xf32>
      %slice3A_149 = vector.extract_strided_slice %get3A_139 {offsets = [0, 3], sizes = [128, 1], strides = [1, 1]} : vector<128x4xf32> to vector<128x1xf32>
      %broadcast_in_dim3A_150 = vector.shape_cast %slice3A_149 : vector<128x1xf32> to vector<128x1xf32>
      %broadcast_in_dim3A_151 = vector.broadcast %broadcast_in_dim3A_150 : vector<128x1xf32> to vector<128x32xf32>
      %concatenate3A_152 = tpu.concatenate %broadcast_in_dim3A_142, %broadcast_in_dim3A_145, %broadcast_in_dim3A_148, %broadcast_in_dim3A_151 in 1 : vector<128x32xf32>, vector<128x32xf32>, vector<128x32xf32>, vector<128x32xf32> -> vector<128x128xf32>
      %get3A_153 = arith.constant 0 : index
      %get3A_154 = arith.constant 0 : index
      %get3A_155 = vector.load %arg11[%get3A_153, %get3A_154] : memref<128x128xf32, #tpu.memory_space<vmem>>, vector<128x128xf32>
      %add3A_156 = arith.constant 1.000000e-07 : f32
      %add3A_157 = vector.broadcast %add3A_156 : f32 to vector<128x128xf32>
      %add3A_158 = arith.addf %concatenate3A_152, %add3A_157 : vector<128x128xf32>
      %div3A_159 = arith.divf %get3A_155, %add3A_158 : vector<128x128xf32>
      %swap3A_160 = arith.constant 0 : index
      %swap3A_161 = arith.constant 0 : index
      %swap3A_162 = vector.load %arg7[%swap3A_160, %swap3A_161] : memref<128x128xf32, #tpu.memory_space<vmem>>, vector<128x128xf32>
      tpu.vector_store %arg7[%swap3A_160, %swap3A_161], %div3A_159 {strides = array<i32>} : memref<128x128xf32, #tpu.memory_space<vmem>>, vector<128x128xf32>,
    } else {
    }
    return
  }
  func.func @transform_0(%arg0: i32) -> (i32, i32) {
    %c0_i32 = arith.constant 0 : i32
    %c0_i32_0 = arith.constant 0 : i32
    return %arg0, %c0_i32 : i32, i32
  }
  func.func @transform_1(%arg0: i32) -> (i32, i32, i32) {
    %c0_i32 = arith.constant 0 : i32
    %c0_i32_0 = arith.constant 0 : i32
    %c0_i32_1 = arith.constant 0 : i32
    return %arg0, %c0_i32, %c0_i32_0 : i32, i32, i32
  }
  func.func @transform_2(%arg0: i32) -> (i32, i32) {
    %c0_i32 = arith.constant 0 : i32
    %c0_i32_0 = arith.constant 0 : i32
    %c0_i32_1 = arith.constant 0 : i32
    return %c0_i32, %c0_i32_0 : i32, i32
  }
  func.func @transform_3(%arg0: i32) -> (i32, i32) {
    %c0_i32 = arith.constant 0 : i32
    %c0_i32_0 = arith.constant 0 : i32
    %c0_i32_1 = arith.constant 0 : i32
    return %c0_i32, %c0_i32_0 : i32, i32
  }
  func.func @transform_4(%arg0: i32) -> (i32, i32) {
    %c0_i32 = arith.constant 0 : i32
    %c0_i32_0 = arith.constant 0 : i32
    %c0_i32_1 = arith.constant 0 : i32
    return %c0_i32, %c0_i32_0 : i32, i32
  }
  func.func @transform_5(%arg0: i32) -> (i32, i32) {
    %c0_i32 = arith.constant 0 : i32
    %c0_i32_0 = arith.constant 0 : i32
    %c0_i32_1 = arith.constant 0 : i32
    return %c0_i32, %c0_i32_0 : i32, i32
  }
  func.func @transform_6(%arg0: i32) -> (i32, i32) {
    %c0_i32 = arith.constant 0 : i32
    %c0_i32_0 = arith.constant 0 : i32
    %c0_i32_1 = arith.constant 0 : i32
    return %c0_i32, %c0_i32_0 : i32, i32
  }
  func.func @transform_7(%arg0: i32) -> (i32, i32) {
    %c0_i32 = arith.constant 0 : i32
    %c0_i32_0 = arith.constant 0 : i32
    %c0_i32_1 = arith.constant 0 : i32
    return %c0_i32, %c0_i32_0 : i32, i32
  }
}

</mosaic_0001>

<sc_bundles>
// kernel: kernel.4.cloned.1.call-start
scs
__scs_entry_jumppad:
0x0: {  	(pc) =	sbr.rel $0x88, $3  }
0x1: {  	(tag) =	ssettag $0x0;
	lr =	simm.s32 $0x1  }
0x2: {  	[smem:$0x3F9B] =	sst lr;
	_ =	strace $0xD0000000  }
0x3: {  	_ = 	snop  }
0x4: {  	_ = 	snop  }
0x5: {  	_ = 	snop  }
0x6: {  	_ = 	snop  }
0x7: {  	_ = 	snop  }
__scs_overlays_trampoline_lowered:
0x8: {  	[smem:$0x3FAA] =	sst s0  }
0x9: {  	[smem:$0x3FAB] =	sst s1  }
0xa: {  	[smem:$0x3FAC] =	sst s2  }
0xb: {  	[smem:$0x3FAD] =	sst s3  }
0xc: {  	[smem:$0x3FAE] =	sst s4  }
0xd: {  	[smem:$0x3FAF] =	sst s5  }
0xe: {  	[smem:$0x3FB0] =	sst s6  }
0xf: {  	[smem:$0x3FB1] =	sst s7  }
0x10: {  	[smem:$0x3FB2] =	sst s8  }
0x11: {  	[smem:$0x3FB3] =	sst s9;
	s0 =	simm.s32 @!p0 $0x0  }
0x12: {  	s1 =	sld [smem:$0x3F99];
	s0 =	simm.s32 @p0 $0x1  }
0x13: {  	[smem:$0x3FB4] =	sst s0;
	s0 =	simm.s32 @!p1 $0x0  }
0x14: {  	s2 =	sld [smem:$0x3F98];
	s0 =	simm.s32 @p1 $0x1  }
0x15: {  	[smem:$0x3FB5] =	sst s0;
	s0 =	simm.s32 @!p2 $0x0  }
0x16: {  	s3 =	sld [smem:$0x3FDB];
	s0 =	simm.s32 @p2 $0x1  }
0x17: {  	s4 =	simm.s32 $0x1BF5;
	[smem:$0x3FB7] =	sst s0  }
0x18: {  	s0 =	sld [smem:$0x3F9A];
	_ =	swait.ge [sflag:s4], $0x0  }
0x19: {  	s7 =	sld [smem:$0x3F9B]  }
0x1a: {  	s8 =	sadd.s32 $0xFFFFE003, lr  }
0x1b: {  	s9 =	sadd.s32 $0xFFFFFEF7, lr;
	s5 =	simm.s32 $0xFFFFFFFF;
	p2 =	slt.u32 s8, $0xFFFFF086  }
0x1c: {  	p1 =	slt.u32 s9, $0xF7A;
	s5 =	simm.s32 @!p2 $0x0  }
0x1d: {  	s5 =	simm.s32 @p1 $0x1;
	p0 =	seq.s32 s7, s2  }
0x1e: {  	s7 =	smul.u32 @!p0 $0xF7A, s2;
	p2 =	seq.s32 @!p0 s5, $0x0  }
0x1f: {  	s9 =	smul.u32 $0xF7A, s1;
	s8 =	simm.s32 @!p0 $0x1BF5;
	p2 =	por !p2, p0  }
0x20: {  	[sflag:s8] =	ssyncset.s32 @!p0 $0xFFFFF086;
	s6 =	sadd.s32 @!p0 s3, s7;
	s7 =	simm.s32 @!p0 $0x108  }
0x21: {  	s3 =	sadd.s32 s3, s9;
	s6 =	sadd.s32 @!p0 $0x88, s6;
	s7 =	simm.s32 @p2 $0x1082  }
0x22: {  	[simem:s7], [sflag:s8] =	dma.local @!p0 [hbm:s6], $0xF7A  }
0x23: {  	s9 =	sor.u32 $0xD0000000, s2;
	s6 =	simm.s32 $0x108;
	_ =	swait.ge @!p0 [sflag:s8], $0x0  }
0x24: {  	s3 =	sadd.s32 $0x88, s3;
	s6 =	simm.s32 @!p1 $0x1082;
	[sflag:s4] =	ssyncset.s32 $0xFFFFF086  }
0x25: {  	[simem:s6], [sflag:s4] =	dma.local [hbm:s3], $0xF7A  }
0x26: {  	[smem:$0x3F9B] =	sst s1;
	(tag) =	ssettag s2;
	_ =	strace s9  }
0x27: {  	s1 =	sld [smem:$0x3FAB]  }
0x28: {  	s2 =	sld [smem:$0x3FAC]  }
0x29: {  	s4 =	sld [smem:$0x3FAE]  }
0x2a: {  	p0 =	seq.s32 s5, $0x0;
	s5 =	sld [smem:$0x3FAF]  }
0x2b: {  	s6 =	sld [smem:$0x3FB0]  }
0x2c: {  	s7 =	sld [smem:$0x3FB1]  }
0x2d: {  	s3 =	simm.s32 $0x108;
	s8 =	sld [smem:$0x3FB2]  }
0x2e: {  	s3 =	simm.s32 @!p0 $0x1082;
	s9 =	sld [smem:$0x3FB3]  }
0x2f: {  	lr =	sadd.s32 s0, s3;
	s0 =	sld [smem:$0x3FAA]  }
0x30: {  	s3 =	sld [smem:$0x3FAD]  }
0x31: {  	[smem:$0x3FB6] =	sst s10  }
0x32: {  	s10 =	sld [smem:$0x3FB4];
	_ =	sdelay $0x3  }
0x33: {  	p0 =	seq.s32 s10, $0x1;
	s10 =	sld [smem:$0x3FB6];
	_ =	sdelay $0x3  }
0x34: {  	[smem:$0x3FB6] =	sst s10  }
0x35: {  	s10 =	sld [smem:$0x3FB5];
	_ =	sdelay $0x3  }
0x36: {  	p1 =	seq.s32 s10, $0x1;
	s10 =	sld [smem:$0x3FB6];
	_ =	sdelay $0x3  }
0x37: {  	[smem:$0x3FB6] =	sst s10  }
0x38: {  	s10 =	sld [smem:$0x3FB7]  }
0x39: {  	_ = 	snop;
	(pc) =	sbr.ind lr, $3  }
0x3a: {  	_ = 	snop  }
0x3b: {  	_ = 	snop  }
0x3c: {  	p2 =	seq.s32 s10, $0x1;
	s10 =	sld [smem:$0x3FB6]  }
0x3d: {  	_ =	shalt  }
0x3e: {  	_ =	shalt  }
0x3f: {  	_ =	shalt  }
0x40: {  	_ =	shalt  }
0x41: {  	_ =	shalt  }
0x42: {  	_ =	shalt  }
0x43: {  	_ =	shalt  }
0x44: {  	_ =	shalt  }
0x45: {  	_ =	shalt  }
0x46: {  	_ =	shalt  }
0x47: {  	_ =	shalt  }
0x48: {  	_ =	shalt  }
0x49: {  	_ =	shalt  }
0x4a: {  	_ =	shalt  }
0x4b: {  	_ =	shalt  }
0x4c: {  	_ =	shalt  }
0x4d: {  	_ =	shalt  }
0x4e: {  	_ =	shalt  }
0x4f: {  	_ =	shalt  }
0x50: {  	_ =	shalt  }
0x51: {  	_ =	shalt  }
0x52: {  	_ =	shalt  }
0x53: {  	_ =	shalt  }
0x54: {  	_ =	shalt  }
0x55: {  	_ =	shalt  }
0x56: {  	_ =	shalt  }
0x57: {  	_ =	shalt  }
0x58: {  	_ =	shalt  }
0x59: {  	_ =	shalt  }
0x5a: {  	_ =	shalt  }
0x5b: {  	_ =	shalt  }
0x5c: {  	_ =	shalt  }
0x5d: {  	_ =	shalt  }
0x5e: {  	_ =	shalt  }
0x5f: {  	_ =	shalt  }
0x60: {  	_ =	shalt  }
0x61: {  	_ =	shalt  }
0x62: {  	_ =	shalt  }
0x63: {  	_ =	shalt  }
0x64: {  	_ =	shalt  }
0x65: {  	_ =	shalt  }
0x66: {  	_ =	shalt  }
0x67: {  	_ =	shalt  }
0x68: {  	_ =	shalt  }
0x69: {  	_ =	shalt  }
0x6a: {  	_ =	shalt  }
0x6b: {  	_ =	shalt  }
0x6c: {  	_ =	shalt  }
0x6d: {  	_ =	shalt  }
0x6e: {  	_ =	shalt  }
0x6f: {  	_ =	shalt  }
0x70: {  	_ =	shalt  }
0x71: {  	_ =	shalt  }
0x72: {  	_ =	shalt  }
0x73: {  	_ =	shalt  }
0x74: {  	_ =	shalt  }
0x75: {  	_ =	shalt  }
0x76: {  	_ =	shalt  }
0x77: {  	_ =	shalt  }
0x78: {  	_ =	shalt  }
0x79: {  	_ =	shalt  }
0x7a: {  	_ =	shalt  }
0x7b: {  	_ =	shalt  }
0x7c: {  	_ =	shalt  }
0x7d: {  	_ =	shalt  }
0x7e: {  	_ =	shalt  }
0x7f: {  	_ =	shalt  }
0x80: {  	_ =	shalt  }
0x81: {  	_ =	shalt  }
0x82: {  	_ =	shalt  }
0x83: {  	_ =	shalt  }
0x84: {  	_ =	shalt  }
0x85: {  	_ =	shalt  }
0x86: {  	_ =	shalt  }
0x87: {  	_ =	shalt  }
.Lfunc_end0:
.L_simem_size_0:
called_computation_lowered:
.L_overlay_start_0:
0x88: {  	s2 =	sld [smem:$0x3FD9]  }
0x89: {  	s3 =	sld [smem:$0x3FFE];
	_ =	sdelay $0x1  }
0x8a: {  	s1 =	srdreg.scid  }
0x8b: {  	s0 =	sand.u32 $0x1, s1  }
0x8c: {  	s17 =	sshll.u32 s0, $0xA;
	s2 =	sadd.s32 s3, s2  }
0x8d: {  	s2 =	sadd.s32 s2, s17  }
0x8e: {  	[smem:$0x3FC2] =	sst s2  }
0x8f: {  	_ = 	snop  }
0x90: {  	s2 =	sld [smem:$0x3FC8]  }
0x91: {  	s18 =	sld [smem:$0x3FD0];
	(tm) =	ssettm $0x1  }
0x92: {  	s4 =	sld [smem:$0x3FFB];
	_ =	sdelay $0x3  }
0x93: {  	_ =	strace s4  }
0x94: {  	s4 =	sld [smem:$0x3FFC];
	_ =	sdelay $0x3  }
0x95: {  	_ =	strace s4  }
0x96: {  	s4 =	sld [smem:$0x3FFD];
	_ =	sdelay $0x3  }
0x97: {  	_ =	strace s4  }
0x98: {  	_ =	strace $0x8FFFFFFF  }
0x99: {  	s19 =	sld [smem:$0x3FDB];
	_ =	sdelay $0x1  }
0x9a: {  	s5 =	simm.s32 $_scs_section_size  }
0x9b: {  	s6 =	simm.s32 $_size__tile_overlayer_lowered;
	s7 =	simm.s32 $_tile_overlayer_lowered  }
0x9c: {  	s22 =	simm.s32 $0x1BFF;
	s21 =	sshll.u32 s7, $0x1;
	s4 =	sadd.s32 s5, s19  }
0x9d: {  	s8 =	simm.s32 $0x0;
	s20 =	sshll.u32 s6, $0x1;
	s6 =	sadd.s32 s21, s4  }
0x9e: {  	[timem:s8], [sflag:s22] =	dma.local [hbm:s6], s20  }
0x9f: {  	_ =	swait.ge [sflag:s22], s20  }
0xa0: {  	s5 =	ssub.s32 $0x0, s20;
	[sflag:s22] =	ssyncset.done $0x0  }
0xa1: {  	[sflag:s22] =	ssyncadd.s32 s5;
	_ =	sdelay $0x1  }
0xa2: {  	s23 =	simm.s32 $0x1B8B  }
0xa3: {  	_ =	swait.ge [sflag:s23], $0x1  }
0xa4: {  	[sflag:s23] =	ssyncset.done $0x0  }
0xa5: {  	s25 =	simm.s32 $0x1B8E;
	s24 =	sld [smem:$0x3FFE];
	[sflag:s23] =	ssyncadd.s32 $0xFFFFFFFF  }
0xa6: {  	s26 =	simm.s32 $execute0_lowered;
	[smem:$0x3FD2] =	sst s25  }
0xa7: {  	s6 =	sshll.u32 s26, $0x1;
	_ =	strace $0x80000046;
	[dreg:$0x1] =	wrdreg $0xFFFFFFFF  }
0xa8: {  	s28 =	simm.s32 $_size_execute0_lowered;
	s4 =	sadd.s32 s4, s6;
	[dreg:$0x0] =	wrdreg $0x0  }
0xa9: {  	s6 =	sshll.u32 s28, $0x1;
	[dreg:$0x2] =	wrdreg s4  }
0xaa: {  	[dreg:$0x3] =	wrdreg s6  }
0xab: {  	[dreg:$0x4] =	wrdreg $0xC0  }
0xac: {  	_ =	task [dreg:s8], $0x5FFFF  }
0xad: {  	[dreg:$0x1] =	wrdreg $0xFFFFFFFF  }
0xae: {  	[dreg:$0x0] =	wrdreg $0x60  }
0xaf: {  	[dreg:$0x2] =	wrdreg s24  }
0xb0: {  	[dreg:$0x3] =	wrdreg s2  }
0xb1: {  	[dreg:$0x4] =	wrdreg s18  }
0xb2: {  	[dreg:$0x5] =	wrdreg $0x9  }
0xb3: {  	_ =	task.clear_ibuf [dreg:s8], $0x6FFFF;
	_ =	strace $0x90000046  }
0xb4: {  	s29 =	simm.s32 $0x9;
	_ =	strace $0x80000048  }
0xb5: {  	_ =	swait.ge [sflag:s29], $0x1  }
0xb6: {  	[sflag:s29] =	ssyncadd.s32 $0xFFFFFFFF  }
0xb7: {  	_ =	strace $0x90000048  }
0xb8: {  	_ =	sfence  }
0xb9: {  	s30 =	sld [smem:$0x0];
	_ =	sdelay $0x2  }
0xba: {  	s31 =	sshll.u32 s1, $0xD;
	s1 =	sshrl.u32 s1, $0x2  }
0xbb: {  	s3 =	sand.u32 $0x4000, s31;
	s1 =	sadd.s32 s1, s30  }
0xbc: {  	s0 =	sor.u32 s3, s0;
	s1 =	sshll.u32 s1, $0x11  }
0xbd: {  	s0 =	sor.u32 s1, s0  }
0xbe: {  	s0 =	sadd.s32 $0x8F2B, s0  }
0xbf: {  	[sflag:s0] =	ssyncadd.remote.s32 $0x1  }
0xc0: {  	_ =	sfence.sel $0xFFFF  }
0xc1: {  	[dreg:$0x0] =	wrdreg $0xFFFFFFFF;
	(pc) =	sbr.abs _section_cstart, $3  }
0xc2: {  	[dreg:$0x1] =	wrdreg $0xFFFFFFFF  }
0xc3: {  	_ =	task.clear_ibuf [dreg:s8], $0x2FFFF;
	_ =	strace $0x9FFFFFFF  }
0xc4: {  	(tm) =	ssettm $0x7FFFFFFF  }
0xc5: {  	_ =	shalt  }
tec
execute0_lowered:
.L_overlay_start_1:
0x0: {  	(tag) =	ssettag $0x1  }
0x1: {  	s0 =	rddreg [dreg:$0x0]  }
0x2: {  	s1 =	rddreg [dreg:$0x1]  }
0x3: {  	s2 =	rddreg [dreg:$0x2]  }
0x4: {  	s4 =	srdreg.scid;
	s9 =	stileid.u32;
	s3 =	simm.s32 $0x0  }
0x5: {  	s16 =	simm.s32 $0x1;
	s18 =	simm.s32 $0x3;
	s19 =	simm.s32 $0x280  }
0x6: {  	s15 =	simm.s32 $0x0;
	s5 =	sand.u32 $0x1, s4;
	s26 =	sshll.u32 s9, $0x1  }
0x7: {  	[smem:$0x7FF] =	sst s3;
	s7 =	sadd.s32 $0x400, s0;
	s13 =	sadd.s32 $0xC00, s0  }
0x8: {  	s9 =	smul.u32 $0x186A, s9;
	s4 =	sor.u32 s5, s26;
	_ =	strace $0x80000047  }
0x9: {  	s6 =	ssub.s32 $0x2, s5;
	[dreg:$0x4] =	wrdreg s7;
	s5 =	smul.u32 $0xC35, s5  }
0xa: {  	[dreg:$0x5] =	wrdreg s13;
	s4 =	smul.u32 $0xC35, s4;
	s28 =	sshrl.u32 s6, $0x1  }
0xb: {  	s0 =	ssub.s32 s6, s28;
	s11 =	sadd.s32 s5, s9;
	s5 =	simm.s32 $0x2  }
0xc: {  	s9 =	simm.s32 $0x100;
	s29 =	sshrl.u32 s4, $0x3;
	s8 =	sadd.s32 $0xC34, s4  }
.Ltmp0:
0xd: {  	v0 =	vlaneseq.u32;
	s31 =	sand.u32 $0xF, s4;
	s6 =	sand.u32 $0x3FFE, s29;
	(pc) =	sbr.rel .LBB2_1-.Ltmp0, $4  }
0xe: {  	v3 =	vor.u32 $0x30, v0;
	v4 =	vor.u32 $0x40, v0;
	v5 =	vor.u32 $0x50, v0;
	s10 =	sshrl.u32 s8, $0x3;
	s8 =	sand.u32 $0xF, s8;
	s14 =	sadd.s32 s1, s6  }
0xf: {  	v6 =	vor.u32 $0x60, v0;
	v2 =	vmov s31;
	s30 =	sand.u32 $0x7FFE, s10;
	v1 =	vmov s8;
	s8 =	smax.u32 s0, $0x1;
	[dreg:$0x6] =	wrdreg s14  }
0x10: {  	v7 =	vor.u32 $0x70, v0;
	v8 =	vor.u32 $0x80, v0;
	s7 =	sadd.s32 $0xC35, s4;
	vm1 =	veq.s32 v2, v0;
	s6 =	sadd.s32 s1, s30;
	[dreg:$0x8] =	wrdreg s8  }
0x11: {  	s12 =	sadd.s32 $0xC35, s11;
	v2 =	vor.u32 $0x20, v0;
	s10 =	simm.s32 $0x180;
	vm0 =	veq.s32 v1, v0;
	v1 =	vor.u32 $0x10, v0;
	[dreg:$0x7] =	wrdreg s6  }
.LBB2_19:
0x12: {  	[sflag:s16] =	ssyncadd.s32 $0xFFFFC000  }
.LBB2_20:
0x13: {  	s15 =	sadd.s32 $0x1, s15  }
0x14: {  	p0 =	sne.s32 s15, s8  }
.Ltmp1:
0x15: {  	_ = 	snop;
	(pc) =	sbr.rel @!p0 .LBB2_21-.Ltmp1, $1  }
0x16: {  	_ =	sdelay $0x3  }
.LBB2_1:
0x17: {  	[tilespmem:s3], [sflag:$0x2] =	stream.linear.gather [hbm4b:s13+s3], $0x100, $0x38;
	[tilespmem:$0x4280] =	vst v63  }
0x18: {  	_ =	swait.ge [sflag:s5], $0x100  }
0x19: {  	[sflag:s5] =	ssyncset.done $0x0  }
0x1a: {  	[sflag:s5] =	ssyncadd.s32 $0xFFFFFF00  }
0x1b: {  	[tilespmem:s9], [sflag:$0x2] =	stream.linear.gather [hbm4b:s14+s3], $0x10, $0x38;
	[tilespmem:$0x4280] =	vst v63  }
0x1c: {  	_ =	swait.ge [sflag:s5], $0x10  }
0x1d: {  	[sflag:s5] =	ssyncset.done $0x0  }
0x1e: {  	[sflag:s5] =	ssyncadd.s32 $0xFFFFFFF0  }
0x1f: {  	[tilespmem:s10], [sflag:$0x2] =	stream.linear.gather [hbm4b:s6+s3], $0x10, $0x38;
	[tilespmem:$0x4280] =	vst v63  }
0x20: {  	_ =	swait.ge [sflag:s5], $0x10  }
0x21: {  	[sflag:s5] =	ssyncset.done $0x0  }
0x22: {  	[sflag:s5] =	ssyncadd.s32 $0xFFFFFFF0  }
0x23: {  	v9 =	vld [tilespmem:$0x100]  }
0x24: {  	v10 =	vld [tilespmem:$0x180];
	_ =	sdelay $0x3  }
0x25: {  	v9 =	vcvt.s32.f32 v9  }
0x26: {  	v10 =	vcvt.s32.f32 v10  }
0x27: {  	v9 =	vnsel vm1, $0x0, v9  }
0x28: {  	(xrf2) =	vadd.scan.msk.f32 $0xffff, v9;
	v9 =	vnsel vm0, $0x0, v10  }
0x29: {  	(xrf2) =	vadd.scan.msk.f32 $0xffff, v9;
	_ =	sdelay $0x8  }
0x2a: {  	v9, _, _ =	vpop (xrf2)  }
0x2b: {  	(v2sf) =	vpush v9, $0xF;
	v9, _, _ =	vpop (xrf2)  }
0x2c: {  	(v2sf) =	vpush v9, $0xF;
	_ =	sdelay $0xd  }
0x2d: {  	s0 =	spop (v2sf)  }
0x2e: {  	s1 =	spop (v2sf)  }
0x2f: {  	s21 =	scvt.f32.s32 s1  }
0x30: {  	s22 =	scvt.f32.s32 s0  }
0x31: {  	s31 =	sadd.s32 $0x1, s21  }
0x32: {  	p0 =	sle.s32 s31, s22  }
.Ltmp2:
0x33: {  	_ = 	snop;
	(pc) =	sbr.rel @p0 .LBB2_20-.Ltmp2, $1  }
0x34: {  	_ =	sdelay $0x3  }
0x35: {  	v17 =	vld [tilespmem:$0x80]  }
0x36: {  	v15 =	vld [tilespmem:$0x60]  }
0x37: {  	v13 =	vld [tilespmem:$0x40]  }
0x38: {  	v11 =	vld [tilespmem:$0x20]  }
0x39: {  	v9 =	vld [tilespmem:$0x0]  }
0x3a: {  	v10 =	vld [tilespmem:$0x10]  }
0x3b: {  	v12 =	vld [tilespmem:$0x30]  }
0x3c: {  	v14 =	vld [tilespmem:$0x50]  }
0x3d: {  	v16 =	vld [tilespmem:$0x70]  }
.Ltmp3:
0x3e: {  	v9 =	vcvt.s32.f32 v9;
	(pc) =	sbr.rel .LBB2_3-.Ltmp3, $4  }
0x3f: {  	v10 =	vcvt.s32.f32 v10;
	v11 =	vcvt.s32.f32 v11  }
0x40: {  	v12 =	vcvt.s32.f32 v12;
	v13 =	vcvt.s32.f32 v13  }
0x41: {  	v14 =	vcvt.s32.f32 v14;
	v15 =	vcvt.s32.f32 v15  }
0x42: {  	[dreg:$0x9] =	wrdreg s15;
	s24 =	simm.s32 $0x0;
	v16 =	vcvt.s32.f32 v16;
	v17 =	vcvt.s32.f32 v17  }
.LBB2_13:
0x43: {  	[hbm4b:s5+s3] =	stream.linear.scatter [tilespmem:s19], [sflag:$0x1], $0x4000, $0x38;
	[tilespmem:$0x4280] =	vst v63  }
.LBB2_14:
0x44: {  	s0 =	sshll.u32 s24, $0x7  }
0x45: {  	p1 =	slt.u32 s28, $0x80;
	s0 =	ssub.s32 s28, s0  }
0x46: {  	p2 =	slt.s32 @!p1 s0, $0x1  }
0x47: {  	p2 =	por p2, p1  }
0x48: {  	s0 =	sshll.u32 @!p2 s25, $0x7  }
0x49: {  	s0 =	sadd.s32 @!p2 $0xFFFFC000, s0  }
0x4a: {  	s0 =	sshrl.u32 @!p2 s0, $0x3  }
0x4b: {  	s1 =	simm.s32 @!p2 $0x0;
	s5 =	simm.s32 @!p2 $0x280;
	s0 =	sadd.s32 @!p2 s2, s0  }
0x4c: {  	[hbm4b:s0+s1] =	stream.linear.scatter @!p2 [tilespmem:s5], [sflag:$0x3], $0x4000, $0x38;
	[tilespmem:$0x4280] =	vst v63  }
0x4d: {  	s17 =	sand.u32 $0x7FFFFFC0, s28;
	s0 =	simm.s32 @!p2 $0x3  }
0x4e: {  	p1 =	sne.s32 s17, $0x40;
	_ =	swait.ge @!p2 [sflag:s0], $0x4000  }
0x4f: {  	s1 =	sshll.u32 @!p1 s26, $0x4;
	[sflag:s0] =	ssyncset.done @!p2 $0x0  }
0x50: {  	[sflag:s0] =	ssyncadd.s32 @!p2 $0xFFFFC000;
	s0 =	sand.u32 @!p1 $0x1FFFFFF0, s1  }
0x51: {  	s5 =	simm.s32 @!p1 $0x280;
	s1 =	simm.s32 @!p1 $0x0;
	s0 =	sadd.s32 @!p1 s2, s0  }
0x52: {  	[hbm4b:s0+s1] =	stream.linear.scatter @!p1 [tilespmem:s5], [sflag:$0x3], $0x2000, $0x38;
	[tilespmem:$0x4280] =	vst v63  }
0x53: {  	s6 =	sshll.u32 @!p1 s25, $0x7;
	s0 =	simm.s32 @!p1 $0x3  }
0x54: {  	s6 =	sadd.s32 @!p1 $0xFFFFE000, s6;
	_ =	swait.ge @!p1 [sflag:s0], $0x2000  }
0x55: {  	s6 =	sshrl.u32 @!p1 s6, $0x3;
	[sflag:s0] =	ssyncset.done @!p1 $0x0  }
0x56: {  	s20 =	sand.u32 $0x7FFFFFE0, s28;
	s6 =	sadd.s32 @!p1 s2, s6;
	[sflag:s0] =	ssyncadd.s32 @!p1 $0xFFFFE000  }
0x57: {  	[hbm4b:s6+s1] =	stream.linear.scatter @!p1 [tilespmem:s5], [sflag:$0x3], $0x2000, $0x38;
	[tilespmem:$0x4280] =	vst v63  }
0x58: {  	p2 =	sne.s32 s20, $0x20;
	_ =	swait.ge @!p1 [sflag:s0], $0x2000  }
0x59: {  	s1 =	sshll.u32 @!p2 s26, $0x4;
	[sflag:s0] =	ssyncset.done @!p1 $0x0  }
0x5a: {  	[sflag:s0] =	ssyncadd.s32 @!p1 $0xFFFFE000;
	s0 =	sand.u32 @!p2 $0x1FFFFFF0, s1  }
0x5b: {  	s5 =	simm.s32 @!p2 $0x280;
	s1 =	simm.s32 @!p2 $0x0;
	s0 =	sadd.s32 @!p2 s2, s0  }
0x5c: {  	[hbm4b:s0+s1] =	stream.linear.scatter @!p2 [tilespmem:s5], [sflag:$0x3], $0x1000, $0x38;
	[tilespmem:$0x4280] =	vst v63  }
0x5d: {  	s6 =	sshll.u32 @!p2 s25, $0x7;
	s0 =	simm.s32 @!p2 $0x3  }
0x5e: {  	s6 =	sadd.s32 @!p2 $0xFFFFF000, s6;
	_ =	swait.ge @!p2 [sflag:s0], $0x1000  }
0x5f: {  	s6 =	sshrl.u32 @!p2 s6, $0x3;
	[sflag:s0] =	ssyncset.done @!p2 $0x0  }
0x60: {  	s29 =	sand.u32 $0x7FFFFFF0, s28;
	s6 =	sadd.s32 @!p2 s2, s6;
	[sflag:s0] =	ssyncadd.s32 @!p2 $0xFFFFF000  }
0x61: {  	[hbm4b:s6+s1] =	stream.linear.scatter @!p2 [tilespmem:s5], [sflag:$0x3], $0x1000, $0x38;
	[tilespmem:$0x4280] =	vst v63  }
0x62: {  	p1 =	sne.s32 s29, $0x10;
	_ =	swait.ge @!p2 [sflag:s0], $0x1000  }
0x63: {  	s1 =	sshll.u32 @!p1 s26, $0x4;
	[sflag:s0] =	ssyncset.done @!p2 $0x0  }
0x64: {  	[sflag:s0] =	ssyncadd.s32 @!p2 $0xFFFFF000;
	s0 =	sand.u32 @!p1 $0x1FFFFFF0, s1  }
0x65: {  	s5 =	simm.s32 @!p1 $0x280;
	s1 =	simm.s32 @!p1 $0x0;
	s0 =	sadd.s32 @!p1 s2, s0  }
0x66: {  	[hbm4b:s0+s1] =	stream.linear.scatter @!p1 [tilespmem:s5], [sflag:$0x3], $0x800, $0x38;
	[tilespmem:$0x4280] =	vst v63  }
0x67: {  	s6 =	sshll.u32 @!p1 s25, $0x7;
	s0 =	simm.s32 @!p1 $0x3  }
0x68: {  	s6 =	sadd.s32 @!p1 $0xFFFFF800, s6;
	_ =	swait.ge @!p1 [sflag:s0], $0x800  }
0x69: {  	s6 =	sshrl.u32 @!p1 s6, $0x3;
	[sflag:s0] =	ssyncset.done @!p1 $0x0  }
0x6a: {  	s30 =	sand.u32 $0x7FFFFFF8, s28;
	s6 =	sadd.s32 @!p1 s2, s6;
	[sflag:s0] =	ssyncadd.s32 @!p1 $0xFFFFF800  }
0x6b: {  	[hbm4b:s6+s1] =	stream.linear.scatter @!p1 [tilespmem:s5], [sflag:$0x3], $0x800, $0x38;
	[tilespmem:$0x4280] =	vst v63  }
0x6c: {  	p2 =	sne.s32 s30, $0x8;
	_ =	swait.ge @!p1 [sflag:s0], $0x800  }
0x6d: {  	s31 =	sand.u32 $0x7FFFFFFC, s28;
	s1 =	sshll.u32 @!p2 s26, $0x4;
	[sflag:s0] =	ssyncset.done @!p1 $0x0  }
0x6e: {  	s5 =	simm.s32 @!p2 $0x280;
	[sflag:s0] =	ssyncadd.s32 @!p1 $0xFFFFF800;
	s0 =	sand.u32 @!p2 $0x1FFFFFF0, s1  }
0x6f: {  	s1 =	simm.s32 @!p2 $0x0;
	p1 =	sne.s32 s31, $0x4;
	s0 =	sadd.s32 @!p2 s2, s0  }
0x70: {  	[hbm4b:s0+s1] =	stream.linear.scatter @!p2 [tilespmem:s5], [sflag:$0x3], $0x400, $0x38;
	[tilespmem:$0x4280] =	vst v63  }
0x71: {  	s6 =	sshll.u32 @!p2 s25, $0x7;
	p3 =	seq.s32 @p1 s28, $0x1;
	s0 =	simm.s32 @!p2 $0x3  }
0x72: {  	s6 =	sadd.s32 @!p2 $0xFFFFFC00, s6;
	p4 =	por p3, !p1;
	_ =	swait.ge @!p2 [sflag:s0], $0x400  }
0x73: {  	s6 =	sshrl.u32 @!p2 s6, $0x3;
	p4 =	sgt.u32 @!p4 s28, $0x3;
	[sflag:s0] =	ssyncset.done @!p2 $0x0  }
0x74: {  	s6 =	sadd.s32 @!p2 s2, s6;
	p3 =	por @p1 p4, p3;
	[sflag:s0] =	ssyncadd.s32 @!p2 $0xFFFFFC00  }
0x75: {  	[hbm4b:s6+s1] =	stream.linear.scatter @!p2 [tilespmem:s5], [sflag:$0x3], $0x400, $0x38;
	[tilespmem:$0x4280] =	vst v63  }
0x76: {  	p3 =	por p3, !p1;
	_ =	swait.ge @!p2 [sflag:s0], $0x400  }
0x77: {  	s1 =	sshll.u32 @!p3 s26, $0x4;
	[sflag:s0] =	ssyncset.done @!p2 $0x0  }
0x78: {  	[sflag:s0] =	ssyncadd.s32 @!p2 $0xFFFFFC00;
	s0 =	sand.u32 @!p3 $0x1FFFFFF0, s1  }
0x79: {  	s5 =	simm.s32 @!p3 $0x280;
	s1 =	simm.s32 @!p3 $0x0;
	s0 =	sadd.s32 @!p3 s2, s0  }
0x7a: {  	[hbm4b:s0+s1] =	stream.linear.scatter @!p3 [tilespmem:s5], [sflag:$0x3], $0x100, $0x38;
	[tilespmem:$0x4280] =	vst v63  }
0x7b: {  	s6 =	sshll.u32 @!p3 s25, $0x7;
	s0 =	simm.s32 @!p3 $0x3  }
0x7c: {  	s6 =	sadd.s32 @!p3 $0xFFFFFF00, s6;
	_ =	swait.ge @!p3 [sflag:s0], $0x100  }
0x7d: {  	s6 =	sshrl.u32 @!p3 s6, $0x3;
	[sflag:s0] =	ssyncset.done @!p3 $0x0  }
0x7e: {  	s6 =	sadd.s32 @!p3 s2, s6;
	p2 =	sne.s32 @p1 s28, $0x1;
	[sflag:s0] =	ssyncadd.s32 @!p3 $0xFFFFFF00  }
0x7f: {  	[hbm4b:s6+s1] =	stream.linear.scatter @!p3 [tilespmem:s5], [sflag:$0x3], $0x100, $0x38;
	[tilespmem:$0x4280] =	vst v63  }
0x80: {  	p2 =	por p2, !p1;
	_ =	swait.ge @!p3 [sflag:s0], $0x100  }
0x81: {  	s1 =	sshll.u32 @!p2 s26, $0x4;
	[sflag:s0] =	ssyncset.done @!p3 $0x0  }
0x82: {  	[sflag:s0] =	ssyncadd.s32 @!p3 $0xFFFFFF00;
	s0 =	sand.u32 @!p2 $0x1FFFFFF0, s1  }
0x83: {  	s5 =	simm.s32 @!p2 $0x280;
	s1 =	simm.s32 @!p2 $0x0;
	s0 =	sadd.s32 @!p2 s2, s0  }
0x84: {  	[hbm4b:s0+s1] =	stream.linear.scatter @!p2 [tilespmem:s5], [sflag:$0x3], $0x80, $0x38;
	[tilespmem:$0x4280] =	vst v63  }
0x85: {  	s6 =	sshll.u32 @!p2 s25, $0x7;
	s0 =	simm.s32 @!p2 $0x3  }
0x86: {  	s6 =	sadd.s32 @!p2 $0xFFFFFF80, s6;
	_ =	swait.ge @!p2 [sflag:s0], $0x80  }
0x87: {  	s6 =	sshrl.u32 @!p2 s6, $0x3;
	[sflag:s0] =	ssyncset.done @!p2 $0x0  }
0x88: {  	[sflag:s0] =	ssyncadd.s32 @!p2 $0xFFFFFF80;
	s0 =	sadd.s32 @!p2 s2, s6  }
0x89: {  	[hbm4b:s0+s1] =	stream.linear.scatter @!p2 [tilespmem:s5], [sflag:$0x2], $0x80, $0x38;
	[tilespmem:$0x4280] =	vst v63  }
0x8a: {  	s0 =	simm.s32 @!p2 $0x2  }
0x8b: {  	_ =	swait.ge @!p2 [sflag:s0], $0x80  }
0x8c: {  	s1 =	sshll.u32 @!p1 s26, $0x4;
	[sflag:s0] =	ssyncset.done @!p2 $0x0  }
0x8d: {  	[sflag:s0] =	ssyncadd.s32 @!p2 $0xFFFFFF80;
	s0 =	sand.u32 @!p1 $0x1FFFFFF0, s1  }
0x8e: {  	s5 =	simm.s32 @!p1 $0x280;
	s1 =	simm.s32 @!p1 $0x0;
	s0 =	sadd.s32 @!p1 s2, s0  }
0x8f: {  	[hbm4b:s0+s1] =	stream.linear.scatter @!p1 [tilespmem:s5], [sflag:$0x3], $0x200, $0x38;
	[tilespmem:$0x4280] =	vst v63  }
0x90: {  	s6 =	sshll.u32 @!p1 s25, $0x7;
	s0 =	simm.s32 @!p1 $0x3  }
0x91: {  	s6 =	sadd.s32 @!p1 $0xFFFFFE00, s6;
	_ =	swait.ge @!p1 [sflag:s0], $0x200  }
0x92: {  	s6 =	sshrl.u32 @!p1 s6, $0x3;
	[sflag:s0] =	ssyncset.done @!p1 $0x0  }
0x93: {  	s6 =	sadd.s32 @!p1 s2, s6;
	[sflag:s0] =	ssyncadd.s32 @!p1 $0xFFFFFE00  }
0x94: {  	[hbm4b:s6+s1] =	stream.linear.scatter @!p1 [tilespmem:s5], [sflag:$0x3], $0x200, $0x38;
	[tilespmem:$0x4280] =	vst v63  }
0x95: {  	_ =	swait.ge @!p1 [sflag:s0], $0x200  }
0x96: {  	[sflag:s0] =	ssyncset.done @!p1 $0x0  }
0x97: {  	[sflag:s0] =	ssyncadd.s32 @!p1 $0xFFFFFE00  }
.LBB2_15:
0x98: {  	p1 =	seq.s32 s22, s21  }
.Ltmp4:
0x99: {  	_ = 	snop;
	(pc) =	sbr.rel @p1 .LBB2_16-.Ltmp4, $2  }
0x9a: {  	_ =	sdelay $0x2  }
0x9b: {  	s24 =	simm.s32 @!p0 $0x0;
	s22 =	smov.u32 s23  }
.LBB2_3:
0x9c: {  	v18 =	vmov s22  }
0x9d: {  	vm2 =	veq.s32 v18, v0  }
0x9e: {  	v19 =	vnsel vm2, $0x0, v9;
	vm2 =	veq.s32 v18, v1  }
0x9f: {  	(xrf2) =	vadd.scan.msk.f32 $0xffff, v19;
	v19 =	vnsel vm2, $0x0, v10;
	vm2 =	veq.s32 v18, v2  }
0xa0: {  	(xrf2) =	vadd.scan.msk.f32 $0xffff, v19;
	v19 =	vnsel vm2, $0x0, v11;
	vm2 =	veq.s32 v18, v3  }
0xa1: {  	(xrf2) =	vadd.scan.msk.f32 $0xffff, v19;
	v19 =	vnsel vm2, $0x0, v12;
	vm2 =	veq.s32 v18, v4  }
0xa2: {  	(xrf2) =	vadd.scan.msk.f32 $0xffff, v19;
	v19 =	vnsel vm2, $0x0, v13;
	vm2 =	veq.s32 v18, v5  }
0xa3: {  	(xrf2) =	vadd.scan.msk.f32 $0xffff, v19;
	v19 =	vnsel vm2, $0x0, v14;
	vm2 =	veq.s32 v18, v6  }
0xa4: {  	s23 =	sadd.s32 $0x1, s22;
	(xrf2) =	vadd.scan.msk.f32 $0xffff, v19;
	v19 =	vnsel vm2, $0x0, v15;
	vm2 =	veq.s32 v18, v7  }
0xa5: {  	(xrf2) =	vadd.scan.msk.f32 $0xffff, v19;
	v19 =	vnsel vm2, $0x0, v16;
	vm2 =	veq.s32 v18, v8;
	v18 =	vmov s23  }
0xa6: {  	(xrf2) =	vadd.scan.msk.f32 $0xffff, v19;
	v19 =	vnsel vm2, $0x0, v17;
	vm2 =	veq.s32 v18, v0  }
0xa7: {  	(xrf2) =	vadd.scan.msk.f32 $0xffff, v19;
	v19 =	vnsel vm2, $0x0, v9;
	vm2 =	veq.s32 v18, v1  }
0xa8: {  	(xrf2) =	vadd.scan.msk.f32 $0xffff, v19;
	v19 =	vnsel vm2, $0x0, v10;
	vm2 =	veq.s32 v18, v2  }
0xa9: {  	v20, _, _ =	vpop (xrf2);
	(xrf2) =	vadd.scan.msk.f32 $0xffff, v19;
	v19 =	vnsel vm2, $0x0, v11;
	vm2 =	veq.s32 v18, v3  }
0xaa: {  	v59, _, _ =	vpop (xrf2);
	(xrf2) =	vadd.scan.msk.f32 $0xffff, v19;
	v19 =	vnsel vm2, $0x0, v12;
	vm2 =	veq.s32 v18, v4  }
0xab: {  	(v2sf) =	vpush v20, $0xF;
	v60, _, _ =	vpop (xrf2);
	(xrf2) =	vadd.scan.msk.f32 $0xffff, v19;
	v19 =	vnsel vm2, $0x0, v13;
	vm2 =	veq.s32 v18, v5  }
0xac: {  	(v2sf) =	vpush v59, $0xF;
	v61, _, _ =	vpop (xrf2);
	(xrf2) =	vadd.scan.msk.f32 $0xffff, v19;
	v19 =	vnsel vm2, $0x0, v14;
	vm2 =	veq.s32 v18, v6  }
0xad: {  	(v2sf) =	vpush v60, $0xF;
	v62, _, _ =	vpop (xrf2);
	(xrf2) =	vadd.scan.msk.f32 $0xffff, v19;
	v19 =	vnsel vm2, $0x0, v15;
	vm2 =	veq.s32 v18, v7  }
0xae: {  	(v2sf) =	vpush v61, $0xF;
	v63, _, _ =	vpop (xrf2);
	(xrf2) =	vadd.scan.msk.f32 $0xffff, v19;
	v19 =	vnsel vm2, $0x0, v16;
	vm2 =	veq.s32 v18, v8  }
0xaf: {  	(v2sf) =	vpush v62, $0xF;
	v18, _, _ =	vpop (xrf2);
	(xrf2) =	vadd.scan.msk.f32 $0xffff, v19;
	v19 =	vnsel vm2, $0x0, v17  }
0xb0: {  	(v2sf) =	vpush v63, $0xF  }
0xb1: {  	(v2sf) =	vpush v18, $0xF;
	v18, _, _ =	vpop (xrf2);
	(xrf2) =	vadd.scan.msk.f32 $0xffff, v19  }
0xb2: {  	(v2sf) =	vpush v18, $0xF;
	v19, _, _ =	vpop (xrf2)  }
0xb3: {  	v18, _, _ =	vpop (xrf2);
	(v2sf) =	vpush v19, $0xF  }
0xb4: {  	v19, _, _ =	vpop (xrf2);
	(v2sf) =	vpush v18, $0xF  }
0xb5: {  	v18, _, _ =	vpop (xrf2);
	(v2sf) =	vpush v19, $0xF  }
0xb6: {  	v19, _, _ =	vpop (xrf2);
	(v2sf) =	vpush v18, $0xF  }
0xb7: {  	v18, _, _ =	vpop (xrf2);
	(v2sf) =	vpush v19, $0xF  }
0xb8: {  	v19, _, _ =	vpop (xrf2);
	(v2sf) =	vpush v18, $0xF  }
0xb9: {  	v18, _, _ =	vpop (xrf2);
	(v2sf) =	vpush v19, $0xF  }
0xba: {  	s30 =	spop (v2sf);
	v19, _, _ =	vpop (xrf2);
	(v2sf) =	vpush v18, $0xF  }
0xbb: {  	s31 =	spop (v2sf);
	(v2sf) =	vpush v19, $0xF;
	v18, _, _ =	vpop (xrf2)  }
0xbc: {  	s1 =	spop (v2sf);
	(v2sf) =	vpush v18, $0xF  }
0xbd: {  	s14 =	spop (v2sf)  }
0xbe: {  	s0 =	spop (v2sf)  }
0xbf: {  	s29 =	spop (v2sf)  }
0xc0: {  	s28 =	spop (v2sf)  }
0xc1: {  	s26 =	spop (v2sf)  }
0xc2: {  	s25 =	spop (v2sf)  }
0xc3: {  	s5 =	spop (v2sf)  }
0xc4: {  	s20 =	spop (v2sf)  }
0xc5: {  	s17 =	spop (v2sf)  }
0xc6: {  	p0 =	slt.s32 s24, $0x1;
	s13 =	spop (v2sf)  }
.Ltmp5:
0xc7: {  	s10 =	spop (v2sf);
	(pc) =	sbr.rel @p0 .LBB2_7-.Ltmp5, $4  }
0xc8: {  	s9 =	spop (v2sf)  }
0xc9: {  	s8 =	spop (v2sf)  }
0xca: {  	s15 =	spop (v2sf)  }
0xcb: {  	s6 =	spop (v2sf)  }
0xcc: {  	p0 =	sne.s32 s24, $0x1  }
.Ltmp6:
0xcd: {  	_ = 	snop;
	(pc) =	sbr.rel @!p0 .LBB2_6-.Ltmp6, $3  }
0xce: {  	_ =	sdelay $0x1  }
0xcf: {  	_ =	swait.ge [sflag:s16], $0x4000  }
0xd0: {  	s24 =	sadd.s32 $0xFFFFFFFF, s24;
	[sflag:s16] =	ssyncset.done $0x0  }
.LBB2_5:
0xd1: {  	p0 =	sne.s32 s24, $0x1;
	s24 =	sadd.s32 $0xFFFFFFFF, s24;
	[sflag:s16] =	ssyncadd.s32 $0xFFFFC000  }
.Ltmp7:
0xd2: {  	(pc) =	sbr.rel @p0 .LBB2_5-.Ltmp7, $3  }
0xd3: {  	_ =	sdelay $0x1  }
0xd4: {  	_ =	swait.ge [sflag:s16], $0x4000  }
0xd5: {  	[sflag:s16] =	ssyncset.done $0x0  }
.LBB2_6:
0xd6: {  	[sflag:s16] =	ssyncadd.s32 $0xFFFFC000  }
.LBB2_7:
0xd7: {  	s24 =	sadd.f32 $0.0e+00, s30  }
0xd8: {  	s5 =	sadd.f32 $0.0e+00, s5  }
0xd9: {  	s24 =	sadd.f32 s24, s31  }
0xda: {  	s5 =	sadd.f32 s5, s20  }
0xdb: {  	s1 =	sadd.f32 s24, s1  }
0xdc: {  	s5 =	sadd.f32 s5, s17  }
0xdd: {  	s1 =	sadd.f32 s1, s14  }
0xde: {  	s5 =	sadd.f32 s5, s13  }
0xdf: {  	s0 =	sadd.f32 s1, s0  }
0xe0: {  	s17 =	sadd.f32 s5, s10  }
0xe1: {  	s0 =	sadd.f32 s0, s29  }
0xe2: {  	s1 =	sadd.f32 s17, s9  }
0xe3: {  	s0 =	sadd.f32 s0, s28  }
0xe4: {  	s1 =	sadd.f32 s1, s8  }
0xe5: {  	s0 =	sadd.f32 s0, s26  }
0xe6: {  	s1 =	sadd.f32 s1, s15  }
0xe7: {  	s0 =	sadd.f32 s0, s25  }
0xe8: {  	s1 =	sadd.f32 s1, s6;
	_ =	sdelay $0x1  }
0xe9: {  	s29 =	scvt.f32.s32 s0;
	s30 =	scvt.f32.s32 s1  }
0xea: {  	s26 =	smov.u32 s4  }
0xeb: {  	s25 =	smov.u32 s7;
	p0 =	sgt.s32 s29, s4;
	p1 =	slt.s32 s30, s7  }
0xec: {  	s26 =	smov.u32 @p0 s29;
	s25 =	smov.u32 @p1 s30  }
0xed: {  	s28 =	ssub.s32 s25, s26  }
0xee: {  	s0 =	simm.s32 $0x1;
	p0 =	sgt.s32 s28, $0x0  }
0xef: {  	s20 =	sshra.s32 s28, $0x1F;
	s0 =	simm.s32 @!p0 $0x0  }
0xf0: {  	s24 =	sand.u32 $0x7F, s28;
	s0 =	sadd.s32 s0, s20  }
0xf1: {  	p2 =	sne.s32 s24, $0x0;
	p6 =	sne.s32 s0, $0x1  }
0xf2: {  	p1 =	por !p2, !p6;
	p2 =	slt.s32 s28, $0x1  }
.Ltmp8:
0xf3: {  	_ = 	snop;
	(pc) =	sbr.rel @p2 .LBB2_15-.Ltmp8, $4  }
0xf4: {  	_ = 	snop  }
0xf5: {  	s0 =	simm.s32 $0x1;
	p1 =	por !p1, !p1  }
0xf6: {  	s31 =	sshrl.u32 s28, $0x7;
	s0 =	simm.s32 @!p1 $0x0  }
0xf7: {  	s24 =	ssub.s32 s31, s0  }
0xf8: {  	s0 =	sshll.u32 s22, $0x4  }
0xf9: {  	s1 =	rddreg [dreg:$0x4];
	s0 =	sand.u32 $0x1FFFFFF0, s0  }
0xfa: {  	s15 =	simm.s32 $0x200;
	s0 =	sadd.s32 s1, s0  }
0xfb: {  	[tilespmem:s15], [sflag:$0x3] =	stream.linear.gather [hbm4b:s0+s3], $0x80, $0x38;
	[tilespmem:$0x4280] =	vst v63  }
0xfc: {  	_ =	swait.ge [sflag:s18], $0x80  }
0xfd: {  	[sflag:s18] =	ssyncset.done $0x0  }
0xfe: {  	[sflag:s18] =	ssyncadd.s32 $0xFFFFFF80  }
0xff: {  	v19 =	vld [tilespmem:$0x200]  }
0x100: {  	v18 =	vld [tilespmem:$0x210]  }
0x101: {  	v20 =	vld [tilespmem:$0x220]  }
0x102: {  	v25 =	vld [tilespmem:$0x270]  }
0x103: {  	v24 =	vld [tilespmem:$0x260]  }
0x104: {  	s17 =	smin.u32 s28, $0x80;
	v23 =	vld [tilespmem:$0x250]  }
0x105: {  	s20 =	ssub.s32 $0x0, s17;
	s0 =	simm.s32 $0x2C0;
	v22 =	vld [tilespmem:$0x240]  }
0x106: {  	s31 =	simm.s32 $0xFFFFFFFF;
	s1 =	sadd.s32 $0x1, s20;
	v21 =	vld [tilespmem:$0x230];
	[tilespmem:s0+$0xFFFFFFC0] =	vst v19  }
0x107: {  	s31 =	simm.s32 @!p1 $0x0;
	p1 =	seq.s32 s1, $0x0;
	[tilespmem:s0+$0x30] =	vst v25  }
.Ltmp9:
0x108: {  	[tilespmem:s0+$0x20] =	vst v24;
	(pc) =	sbr.rel @p1 .LBB2_10-.Ltmp9, $4  }
0x109: {  	[tilespmem:s0+$0x10] =	vst v23  }
0x10a: {  	[tilespmem:s0+$0x0] =	vst v22  }
0x10b: {  	[tilespmem:s0+$0xFFFFFFF0] =	vst v21  }
0x10c: {  	[tilespmem:s0+$0xFFFFFFE0] =	vst v20  }
.LBB2_9:
0x10d: {  	s1 =	sadd.s32 $0x1, s1;
	[tilespmem:s0+$0xFFFFFFD0] =	vst v18;
	s0 =	sadd.s32 $0x80, s0  }
0x10e: {  	[tilespmem:s0+$0xFFFFFFC0] =	vst v19;
	p1 =	seq.s32 s1, $0x0  }
0x10f: {  	[tilespmem:s0+$0x30] =	vst v25  }
.Ltmp10:
0x110: {  	[tilespmem:s0+$0x20] =	vst v24;
	(pc) =	sbr.rel @!p1 .LBB2_9-.Ltmp10, $4  }
0x111: {  	[tilespmem:s0+$0x10] =	vst v23  }
0x112: {  	[tilespmem:s0+$0x0] =	vst v22  }
0x113: {  	[tilespmem:s0+$0xFFFFFFF0] =	vst v21  }
0x114: {  	[tilespmem:s0+$0xFFFFFFE0] =	vst v20  }
.LBB2_10:
0x115: {  	p1 =	slt.s32 s24, $0x1  }
.Ltmp11:
0x116: {  	_ = 	snop;
	(pc) =	sbr.rel @p1 .LBB2_14-.Ltmp11, $2  }
0x117: {  	_ =	sdelay $0x2  }
0x118: {  	[tilespmem:s0+$0xFFFFFFD0] =	vst v18  }
0x119: {  	p1 =	sgt.s32 s29, s11  }
0x11a: {  	s0 =	smov.u32 s11;
	p2 =	slt.s32 s30, s12;
	s1 =	smov.u32 s12  }
0x11b: {  	s0 =	smov.u32 @p1 s29;
	s1 =	smov.u32 @p2 s30  }
0x11c: {  	s1 =	ssub.s32 s1, s0  }
0x11d: {  	s1 =	sshrl.u32 s1, $0x7  }
0x11e: {  	s5 =	sadd.s32 s31, s1  }
0x11f: {  	s30 =	ssub.s32 $0x0, s5  }
0x120: {  	s29 =	sshll.u32 s0, $0x7;
	s0 =	sadd.s32 $0x1, s30  }
0x121: {  	p1 =	seq.s32 s0, $0x0  }
.Ltmp12:
0x122: {  	_ = 	snop;
	(pc) =	sbr.rel @p1 .LBB2_13-.Ltmp12, $3  }
0x123: {  	_ =	sdelay $0x1  }
0x124: {  	s31 =	sshrl.u32 s29, $0x3  }
0x125: {  	s1 =	sadd.s32 $0x4000, s29;
	s5 =	sadd.s32 s2, s31  }
.LBB2_12:
0x126: {  	[hbm4b:s5+s3] =	stream.linear.scatter [tilespmem:s19], [sflag:$0x1], $0x4000, $0x38;
	[tilespmem:$0x4280] =	vst v63  }
0x127: {  	s0 =	sadd.s32 $0x1, s0  }
0x128: {  	p1 =	seq.s32 s0, $0x0  }
.Ltmp13:
0x129: {  	(pc) =	sbr.rel @!p1 .LBB2_12-.Ltmp13, $3  }
0x12a: {  	_ =	sdelay $0x1  }
0x12b: {  	s5 =	sshrl.u32 s1, $0x3  }
0x12c: {  	s1 =	sadd.s32 $0x4000, s1;
	s5 =	sadd.s32 s2, s5  }
.Ltmp14:
0x12d: {  	_ = 	snop;
	(pc) =	sbr.rel .LBB2_13-.Ltmp14, $1  }
0x12e: {  	_ =	sdelay $0x3  }
.LBB2_16:
0x12f: {  	p0 =	sgt.s32 s24, $0x0  }
.Ltmp15:
0x130: {  	s13 =	rddreg [dreg:$0x5];
	(pc) =	sbr.rel @!p0 .LBB2_20-.Ltmp15, $4  }
0x131: {  	s14 =	rddreg [dreg:$0x6]  }
0x132: {  	s6 =	rddreg [dreg:$0x7]  }
0x133: {  	s8 =	rddreg [dreg:$0x8];
	s5 =	simm.s32 $0x2  }
0x134: {  	s9 =	simm.s32 $0x100;
	s10 =	simm.s32 $0x180;
	s15 =	rddreg [dreg:$0x9]  }
0x135: {  	p0 =	sne.s32 s24, $0x1  }
.Ltmp16:
0x136: {  	_ = 	snop;
	(pc) =	sbr.rel @!p0 .LBB2_19-.Ltmp16, $3  }
0x137: {  	_ =	sdelay $0x1  }
0x138: {  	_ =	swait.ge [sflag:s16], $0x4000  }
0x139: {  	s0 =	sadd.s32 $0xFFFFFFFF, s24;
	[sflag:s16] =	ssyncset.done $0x0  }
.LBB2_18:
0x13a: {  	p0 =	sne.s32 s0, $0x1;
	s0 =	sadd.s32 $0xFFFFFFFF, s0;
	[sflag:s16] =	ssyncadd.s32 $0xFFFFC000  }
.Ltmp17:
0x13b: {  	(pc) =	sbr.rel @p0 .LBB2_18-.Ltmp17, $3  }
0x13c: {  	_ =	sdelay $0x1  }
0x13d: {  	_ =	swait.ge [sflag:s16], $0x4000  }
0x13e: {  	[sflag:s16] =	ssyncset.done $0x0  }
.Ltmp18:
0x13f: {  	_ = 	snop;
	(pc) =	sbr.rel .LBB2_19-.Ltmp18, $1  }
0x140: {  	_ =	sdelay $0x3  }
.LBB2_21:
0x141: {  	_ =	sfence.sel $0x180000  }
0x142: {  	[bflag:$0x0] =	sbarrier.arrive $0xFFFF  }
0x143: {  	_ =	strace $0x90000047  }
0x144: {  	s0 =	stileid.u32;
	[bflag:$0x2] =	sbarrier.arrive $0xFFFF  }
0x145: {  	p0 =	sne.s32 s0, $0x0;
	s0 =	rddreg [dreg:$0x3]  }
0x146: {  	s0 =	sadd.s32 @!p0 $0x100000, s0  }
0x147: {  	[sflag:s0] =	ssyncadd.tile.s32 @!p0 $0x1;
	_ =	shalt  }
.Lfunc_end2:
_tile_overlayer_lowered:
.L_overlay_start_2:
0x148: {  	(tag) =	ssettag $0x2  }
0x149: {  	s0 =	rddreg [dreg:$0x0];
	s2 =	stileid.u32  }
0x14a: {  	s1 =	rddreg [dreg:$0x1];
	p0 =	sne.s32 s2, $0x0  }
0x14b: {  	s3 =	rddreg [dreg:$0x2];
	[bflag:$0x3] =	sbarrier.arrive $0xFFFF;
	s2 =	simm.s32 @!p0 $0x1C02  }
0x14c: {  	[timem:s3], [sflag:s2] =	dma.local @!p0 [hbm:s0], s1  }
0x14d: {  	s0 =	simm.s32 @!p0 $0x2  }
0x14e: {  	_ =	swait.ge @!p0 [sflag:s0], s1  }
0x14f: {  	s1 =	ssub.s32 @!p0 $0x0, s1;
	[sflag:s0] =	ssyncset.done @!p0 $0x0  }
0x150: {  	[sflag:s0] =	ssyncadd.s32 @!p0 s1  }
0x151: {  	[bflag:$0x3] =	sbarrier.arrive $0xFFFF  }
0x152: {  	_ =	shalt  }

</sc_bundles>
